<compile_context>
chip_gen: v7x
topology: tpu7x:2x2x1
jax: 0.10.2.dev20260603
libtpu: 0.0.44.dev20260713+nightly
codegen_flags: <defaults>
</compile_context>

<pallas_src>
import functools

import jax
import jax.numpy as jnp
from jax import lax
from jax.experimental import pallas as pl
from jax.experimental.pallas import tpu as pltpu
from jax.experimental.pallas import tpu_sc as plsc

_B = 4096 * 200
_DC = 128
_DS = 32
_CHUNK = 128
_NW = 32
_PER_W = _B // _NW
_NCH = _PER_W // _CHUNK
_NB = 3
_GA = 1
_WD = 2


def kernel(x, x_role, content_table, struct_table):
    x_flat = x.reshape(-1).astype(jnp.int32)
    role_flat = x_role.reshape(-1).astype(jnp.int32)

    mesh = plsc.VectorSubcoreMesh(core_axis_name="c", subcore_axis_name="s")

    @functools.partial(
        pl.kernel,
        mesh=mesh,
        out_type=[
            jax.ShapeDtypeStruct((_B, _DC + _DS), jnp.float32),
            jax.ShapeDtypeStruct((_B,), jnp.int32),
        ],
        scratch_types=[
            pltpu.VMEM((_PER_W,), jnp.int32),
            pltpu.VMEM((_PER_W,), jnp.int32),
            pltpu.VMEM((4 * _DS,), jnp.float32),
            [pltpu.VMEM((_CHUNK, _DC), jnp.float32) for _ in range(_NB)],
            [pltpu.VMEM((_CHUNK, _DS), jnp.float32) for _ in range(_NB)],
            [pltpu.VMEM((_CHUNK,), jnp.int32) for _ in range(_NB)],
            pltpu.SemaphoreType.DMA,
            [pltpu.SemaphoreType.DMA for _ in range(_NB)],
            [pltpu.SemaphoreType.DMA for _ in range(_NB)],
        ],
        compiler_params=pltpu.CompilerParams(use_tc_tiling_on_sc=False,
                                             needs_layout_passes=False),
    )
    def run(x_hbm, role_hbm, ct_hbm, st_hbm, out_hbm, mask_hbm,
            idx_all, role_all, stv, content_b, struct_b, mask_b,
            sem_idx, gat_s, wr_s):
        wid = lax.axis_index("s") * 2 + lax.axis_index("c")
        w_base = wid * _PER_W
        last = _NCH - 1

        cp_i = pltpu.async_copy(x_hbm.at[pl.ds(w_base, _PER_W)], idx_all,
                                sem_idx)
        cp_r = pltpu.async_copy(role_hbm.at[pl.ds(w_base, _PER_W)], role_all,
                                sem_idx)
        cp_s = [pltpu.async_copy(st_hbm.at[r],
                                 stv.at[pl.ds(r * _DS, _DS)], sem_idx)
                for r in range(4)]
        cp_i.wait()
        cp_r.wait()
        for cp in cp_s:
            cp.wait()

        def gather(c, k):
            off = c * _CHUNK
            return pltpu.make_async_copy(
                ct_hbm.at[idx_all.at[pl.ds(off, _CHUNK)]],
                content_b[k], gat_s[k])

        def writes(c, k):
            base = w_base + c * _CHUNK
            return (
                pltpu.make_async_copy(
                    content_b[k],
                    out_hbm.at[pl.ds(base, _CHUNK), pl.ds(0, _DC)], wr_s[k]),
                pltpu.make_async_copy(
                    struct_b[k],
                    out_hbm.at[pl.ds(base, _CHUNK), pl.ds(_DC, _DS)], wr_s[k]),
                pltpu.make_async_copy(
                    mask_b[k], mask_hbm.at[pl.ds(base, _CHUNK)], wr_s[k]),
            )

        lanes = jax.lax.iota(jnp.int32, 16)
        n_slots = (_NCH + _NB - 1) // _NB * _NB
        n_iter = n_slots // _NB

        for s in range(_GA):
            gather(jnp.int32(s), s % _NB).start()

        def step(j, carry):
            for k in range(_NB):
                s = j * _NB + k
                c = jnp.minimum(s, last)
                off = c * _CHUNK

                @pl.when(s >= _WD)
                def _():
                    cw = jnp.minimum(s - _WD, last)
                    for d in writes(cw, (k - _WD) % _NB):
                        d.wait()

                @pl.when(s + _GA <= n_slots - 1)
                def _():
                    cg = jnp.minimum(s + _GA, last)
                    gather(cg, (k + _GA) % _NB).start()

                def group(g, carry2):
                    v = idx_all[pl.ds(off + g * 16, 16)]
                    mask_b[k][pl.ds(g * 16, 16)] = jnp.where(
                        v != 0, jnp.int32(1), jnp.int32(0))
                    r16 = role_all[pl.ds(off + g * 16, 16)]
                    rbase = r16 * _DS
                    rows = lanes + g * 16
                    for col in range(_DS):
                        j16 = jnp.full((16,), col, jnp.int32)
                        vals = plsc.load_gather(stv, [rbase + col])
                        plsc.store_scatter(struct_b[k], [rows, j16], vals)
                    return carry2

                lax.fori_loop(0, _CHUNK // 16, group, 0)

                gather(c, k).wait()
                for d in writes(c, k):
                    d.start()
            return carry

        lax.fori_loop(0, n_iter, step, 0)

        for s in range(n_slots - _WD, n_slots):
            c = jnp.minimum(jnp.int32(s), last)
            for d in writes(c, s % _NB):
                d.wait()

    out, mask_i32 = run(x_flat, role_flat, content_table, struct_table)
    ret = out.reshape(x.shape[0], x.shape[1], _DC + _DS)
    mask = mask_i32.reshape(x.shape).astype(bool)
    return (ret, mask)

# --- scband reference (transcript-rebuilt; emitter-appended) ---
"""Pipeline reference for scband-sketchy-embedder-30992484008496 (READ-ONLY COPY).

The authoritative reference and input builder live on the scoring server;
editing this copy changes nothing except your own understanding.
"""

import jax, jax.numpy as jnp
import numpy as np


def setup_inputs(seed: int = 0) -> dict:
    key = jax.random.key(seed)
    k1, k2, k3, k4 = jax.random.split(key, 4)
    x = jax.random.randint(k1, (4096, 200), 0, 100000, dtype=jnp.int64 if jax.config.jax_enable_x64 else jnp.int32)
    x_role = jax.random.randint(k2, (4096, 200), 0, 4, dtype=jnp.int64 if jax.config.jax_enable_x64 else jnp.int32)
    content_table = jax.random.normal(k3, (100000, 128), dtype=jnp.float32)
    struct_table = jax.random.normal(k4, (4, 32), dtype=jnp.float32)
    return {"x": x, "x_role": x_role, "content_table": content_table, "struct_table": struct_table}


def reference(x, x_role, content_table, struct_table):
    # content_emb(x) -> (emb, mask); standard word-embedder returns emb and pad mask (x != padding_idx=0)
    emb = jnp.take(content_table, x, axis=0)
    mask = (x != 0)
    # struct_emb(x_role) -> (role_emb, _)
    role_emb = jnp.take(struct_table, x_role, axis=0)
    # torch.cat([emb, role_emb], emb.dim()-1) == concat on last axis
    ret = jnp.concatenate([emb, role_emb], axis=-1)
    return (ret, mask)

if __name__ == "__main__":
    import jax
    _d = setup_inputs()
    print(jax.jit(kernel)(*tuple(_d.values())))

</pallas_src>

<mosaic_0001>
#map = affine_map<(d0, d1) -> (0)>
#map1 = affine_map<(d0, d1) -> (0, 0)>
module attributes {stable_mosaic.version = 14 : i64} {
  func.func @run(%arg0: i32, %arg1: i32, %arg2: memref<819200xi32, #tpu.memory_space<hbm>>, %arg3: memref<819200xi32, #tpu.memory_space<hbm>>, %arg4: memref<100000x128xf32, #tpu.memory_space<hbm>>, %arg5: memref<4x32xf32, #tpu.memory_space<hbm>>, %arg6: memref<819200x160xf32, #tpu.memory_space<hbm>>, %arg7: memref<819200xi32, #tpu.memory_space<hbm>>, %arg8: memref<25600xi32, #tpu.memory_space<vmem>>, %arg9: memref<25600xi32, #tpu.memory_space<vmem>>, %arg10: memref<128xf32, #tpu.memory_space<vmem>>, %arg11: memref<128x128xf32, #tpu.memory_space<vmem>>, %arg12: memref<128x128xf32, #tpu.memory_space<vmem>>, %arg13: memref<128x128xf32, #tpu.memory_space<vmem>>, %arg14: memref<128x32xf32, #tpu.memory_space<vmem>>, %arg15: memref<128x32xf32, #tpu.memory_space<vmem>>, %arg16: memref<128x32xf32, #tpu.memory_space<vmem>>, %arg17: memref<128xi32, #tpu.memory_space<vmem>>, %arg18: memref<128xi32, #tpu.memory_space<vmem>>, %arg19: memref<128xi32, #tpu.memory_space<vmem>>, %arg20: memref<!tpu.dma_semaphore, #tpu.memory_space<semaphore_mem>>, %arg21: memref<!tpu.dma_semaphore, #tpu.memory_space<semaphore_mem>>, %arg22: memref<!tpu.dma_semaphore, #tpu.memory_space<semaphore_mem>>, %arg23: memref<!tpu.dma_semaphore, #tpu.memory_space<semaphore_mem>>, %arg24: memref<!tpu.dma_semaphore, #tpu.memory_space<semaphore_mem>>, %arg25: memref<!tpu.dma_semaphore, #tpu.memory_space<semaphore_mem>>, %arg26: memref<!tpu.dma_semaphore, #tpu.memory_space<semaphore_mem>>) attributes {dimension_semantics = [#tpu.dimension_semantics<core_parallel>, #tpu.dimension_semantics<subcore_parallel>], iteration_bounds = array<i64: 2, 16>, scalar_prefetch = 0 : i64, scratch_operands = 19 : i64, tpu.core_type = #tpu.core_type<sc_vector_subcore>, window_params = [{transform_indices = #map}, {transform_indices = #map}, {transform_indices = #map1}, {transform_indices = #map1}, {transform_indices = #map1}, {transform_indices = #map}]} {
    %mul3A = arith.constant 2 : i32
    %mul3A_0 = arith.muli %arg1, %mul3A : i32
    %add3A = arith.addi %mul3A_0, %arg0 : i32
    %mul3A_1 = arith.constant 25600 : i32
    %mul3A_2 = arith.muli %add3A, %mul3A_1 : i32
    %dma_start3A = tpu.memref_slice %arg2[%mul3A_2] : memref<819200xi32, #tpu.memory_space<hbm>> -> memref<25600xi32, #tpu.memory_space<hbm>>
    %dma_start3A_3 = tpu.memref_slice %arg2[%mul3A_2] : memref<819200xi32, #tpu.memory_space<hbm>> -> memref<25600xi32, #tpu.memory_space<hbm>>
    tpu.enqueue_dma source(%dma_start3A_3 : memref<25600xi32, #tpu.memory_space<hbm>>) target(%arg8 : memref<25600xi32, #tpu.memory_space<vmem>>) target_semaphore(%arg20 : memref<!tpu.dma_semaphore, #tpu.memory_space<semaphore_mem>>)
    %dma_start3A_4 = tpu.memref_slice %arg3[%mul3A_2] : memref<819200xi32, #tpu.memory_space<hbm>> -> memref<25600xi32, #tpu.memory_space<hbm>>
    %dma_start3A_5 = tpu.memref_slice %arg3[%mul3A_2] : memref<819200xi32, #tpu.memory_space<hbm>> -> memref<25600xi32, #tpu.memory_space<hbm>>
    tpu.enqueue_dma source(%dma_start3A_5 : memref<25600xi32, #tpu.memory_space<hbm>>) target(%arg9 : memref<25600xi32, #tpu.memory_space<vmem>>) target_semaphore(%arg20 : memref<!tpu.dma_semaphore, #tpu.memory_space<semaphore_mem>>)
    %dma_start3A_6 = arith.constant 0 : i32
    %dma_start3A_7 = arith.constant 0 : i32
    %dma_start3A_8 = tpu.memref_slice %arg10[%dma_start3A_7] : memref<128xf32, #tpu.memory_space<vmem>> -> memref<32xf32, #tpu.memory_space<vmem>>
    %dma_start3A_9 = arith.constant 0 : i32
    %dma_start3A_10 = tpu.memref_slice %arg5[%dma_start3A_6, %dma_start3A_9] : memref<4x32xf32, #tpu.memory_space<hbm>> -> memref<1x32xf32, #tpu.memory_space<hbm>>
    %dma_start3A_11 = tpu.memref_squeeze %dma_start3A_10 : memref<1x32xf32, #tpu.memory_space<hbm>> -> memref<32xf32, #tpu.memory_space<hbm>>
    %dma_start3A_12 = arith.constant 0 : i32
    %dma_start3A_13 = tpu.memref_slice %arg10[%dma_start3A_12] : memref<128xf32, #tpu.memory_space<vmem>> -> memref<32xf32, #tpu.memory_space<vmem>>
    %dma_start3A_14 = arith.constant 0 : i32
    %dma_start3A_15 = tpu.memref_slice %arg5[%dma_start3A_6, %dma_start3A_14] : memref<4x32xf32, #tpu.memory_space<hbm>> -> memref<1x32xf32, #tpu.memory_space<hbm>>
    %dma_start3A_16 = tpu.memref_squeeze %dma_start3A_15 : memref<1x32xf32, #tpu.memory_space<hbm>> -> memref<32xf32, #tpu.memory_space<hbm>>
    tpu.enqueue_dma source(%dma_start3A_16 : memref<32xf32, #tpu.memory_space<hbm>>) target(%dma_start3A_13 : memref<32xf32, #tpu.memory_space<vmem>>) target_semaphore(%arg20 : memref<!tpu.dma_semaphore, #tpu.memory_space<semaphore_mem>>)
    %dma_start3A_17 = arith.constant 1 : i32
    %dma_start3A_18 = arith.constant 32 : i32
    %dma_start3A_19 = tpu.memref_slice %arg10[%dma_start3A_18] : memref<128xf32, #tpu.memory_space<vmem>> -> memref<32xf32, #tpu.memory_space<vmem>>
    %dma_start3A_20 = arith.constant 0 : i32
    %dma_start3A_21 = tpu.memref_slice %arg5[%dma_start3A_17, %dma_start3A_20] : memref<4x32xf32, #tpu.memory_space<hbm>> -> memref<1x32xf32, #tpu.memory_space<hbm>>
    %dma_start3A_22 = tpu.memref_squeeze %dma_start3A_21 : memref<1x32xf32, #tpu.memory_space<hbm>> -> memref<32xf32, #tpu.memory_space<hbm>>
    %dma_start3A_23 = arith.constant 32 : i32
    %dma_start3A_24 = tpu.memref_slice %arg10[%dma_start3A_23] : memref<128xf32, #tpu.memory_space<vmem>> -> memref<32xf32, #tpu.memory_space<vmem>>
    %dma_start3A_25 = arith.constant 0 : i32
    %dma_start3A_26 = tpu.memref_slice %arg5[%dma_start3A_17, %dma_start3A_25] : memref<4x32xf32, #tpu.memory_space<hbm>> -> memref<1x32xf32, #tpu.memory_space<hbm>>
    %dma_start3A_27 = tpu.memref_squeeze %dma_start3A_26 : memref<1x32xf32, #tpu.memory_space<hbm>> -> memref<32xf32, #tpu.memory_space<hbm>>
    tpu.enqueue_dma source(%dma_start3A_27 : memref<32xf32, #tpu.memory_space<hbm>>) target(%dma_start3A_24 : memref<32xf32, #tpu.memory_space<vmem>>) target_semaphore(%arg20 : memref<!tpu.dma_semaphore, #tpu.memory_space<semaphore_mem>>)
    %dma_start3A_28 = arith.constant 2 : i32
    %dma_start3A_29 = arith.constant 64 : i32
    %dma_start3A_30 = tpu.memref_slice %arg10[%dma_start3A_29] : memref<128xf32, #tpu.memory_space<vmem>> -> memref<32xf32, #tpu.memory_space<vmem>>
    %dma_start3A_31 = arith.constant 0 : i32
    %dma_start3A_32 = tpu.memref_slice %arg5[%dma_start3A_28, %dma_start3A_31] : memref<4x32xf32, #tpu.memory_space<hbm>> -> memref<1x32xf32, #tpu.memory_space<hbm>>
    %dma_start3A_33 = tpu.memref_squeeze %dma_start3A_32 : memref<1x32xf32, #tpu.memory_space<hbm>> -> memref<32xf32, #tpu.memory_space<hbm>>
    %dma_start3A_34 = arith.constant 64 : i32
    %dma_start3A_35 = tpu.memref_slice %arg10[%dma_start3A_34] : memref<128xf32, #tpu.memory_space<vmem>> -> memref<32xf32, #tpu.memory_space<vmem>>
    %dma_start3A_36 = arith.constant 0 : i32
    %dma_start3A_37 = tpu.memref_slice %arg5[%dma_start3A_28, %dma_start3A_36] : memref<4x32xf32, #tpu.memory_space<hbm>> -> memref<1x32xf32, #tpu.memory_space<hbm>>
    %dma_start3A_38 = tpu.memref_squeeze %dma_start3A_37 : memref<1x32xf32, #tpu.memory_space<hbm>> -> memref<32xf32, #tpu.memory_space<hbm>>
    tpu.enqueue_dma source(%dma_start3A_38 : memref<32xf32, #tpu.memory_space<hbm>>) target(%dma_start3A_35 : memref<32xf32, #tpu.memory_space<vmem>>) target_semaphore(%arg20 : memref<!tpu.dma_semaphore, #tpu.memory_space<semaphore_mem>>)
    %dma_start3A_39 = arith.constant 3 : i32
    %dma_start3A_40 = arith.constant 96 : i32
    %dma_start3A_41 = tpu.memref_slice %arg10[%dma_start3A_40] : memref<128xf32, #tpu.memory_space<vmem>> -> memref<32xf32, #tpu.memory_space<vmem>>
    %dma_start3A_42 = arith.constant 0 : i32
    %dma_start3A_43 = tpu.memref_slice %arg5[%dma_start3A_39, %dma_start3A_42] : memref<4x32xf32, #tpu.memory_space<hbm>> -> memref<1x32xf32, #tpu.memory_space<hbm>>
    %dma_start3A_44 = tpu.memref_squeeze %dma_start3A_43 : memref<1x32xf32, #tpu.memory_space<hbm>> -> memref<32xf32, #tpu.memory_space<hbm>>
    %dma_start3A_45 = arith.constant 96 : i32
    %dma_start3A_46 = tpu.memref_slice %arg10[%dma_start3A_45] : memref<128xf32, #tpu.memory_space<vmem>> -> memref<32xf32, #tpu.memory_space<vmem>>
    %dma_start3A_47 = arith.constant 0 : i32
    %dma_start3A_48 = tpu.memref_slice %arg5[%dma_start3A_39, %dma_start3A_47] : memref<4x32xf32, #tpu.memory_space<hbm>> -> memref<1x32xf32, #tpu.memory_space<hbm>>
    %dma_start3A_49 = tpu.memref_squeeze %dma_start3A_48 : memref<1x32xf32, #tpu.memory_space<hbm>> -> memref<32xf32, #tpu.memory_space<hbm>>
    tpu.enqueue_dma source(%dma_start3A_49 : memref<32xf32, #tpu.memory_space<hbm>>) target(%dma_start3A_46 : memref<32xf32, #tpu.memory_space<vmem>>) target_semaphore(%arg20 : memref<!tpu.dma_semaphore, #tpu.memory_space<semaphore_mem>>)
    %dma_wait3A = tpu.memref_slice %arg2[%mul3A_2] : memref<819200xi32, #tpu.memory_space<hbm>> -> memref<25600xi32, #tpu.memory_space<hbm>>
    %dma_wait3A_50 = tpu.memref_slice %arg2[%mul3A_2] : memref<819200xi32, #tpu.memory_space<hbm>> -> memref<25600xi32, #tpu.memory_space<hbm>>
    tpu.wait_dma2 semaphore(%arg20 : memref<!tpu.dma_semaphore, #tpu.memory_space<semaphore_mem>>) src(%dma_wait3A_50 : memref<25600xi32, #tpu.memory_space<hbm>>) dst(%arg8 : memref<25600xi32, #tpu.memory_space<vmem>>)
    %dma_wait3A_51 = tpu.memref_slice %arg3[%mul3A_2] : memref<819200xi32, #tpu.memory_space<hbm>> -> memref<25600xi32, #tpu.memory_space<hbm>>
    %dma_wait3A_52 = tpu.memref_slice %arg3[%mul3A_2] : memref<819200xi32, #tpu.memory_space<hbm>> -> memref<25600xi32, #tpu.memory_space<hbm>>
    tpu.wait_dma2 semaphore(%arg20 : memref<!tpu.dma_semaphore, #tpu.memory_space<semaphore_mem>>) src(%dma_wait3A_52 : memref<25600xi32, #tpu.memory_space<hbm>>) dst(%arg9 : memref<25600xi32, #tpu.memory_space<vmem>>)
    %dma_wait3A_53 = arith.constant 0 : i32
    %dma_wait3A_54 = arith.constant 0 : i32
    %dma_wait3A_55 = tpu.memref_slice %arg10[%dma_wait3A_54] : memref<128xf32, #tpu.memory_space<vmem>> -> memref<32xf32, #tpu.memory_space<vmem>>
    %dma_wait3A_56 = arith.constant 0 : i32
    %dma_wait3A_57 = tpu.memref_slice %arg5[%dma_wait3A_53, %dma_wait3A_56] : memref<4x32xf32, #tpu.memory_space<hbm>> -> memref<1x32xf32, #tpu.memory_space<hbm>>
    %dma_wait3A_58 = tpu.memref_squeeze %dma_wait3A_57 : memref<1x32xf32, #tpu.memory_space<hbm>> -> memref<32xf32, #tpu.memory_space<hbm>>
    %dma_wait3A_59 = arith.constant 0 : i32
    %dma_wait3A_60 = tpu.memref_slice %arg10[%dma_wait3A_59] : memref<128xf32, #tpu.memory_space<vmem>> -> memref<32xf32, #tpu.memory_space<vmem>>
    %dma_wait3A_61 = arith.constant 0 : i32
    %dma_wait3A_62 = tpu.memref_slice %arg5[%dma_wait3A_53, %dma_wait3A_61] : memref<4x32xf32, #tpu.memory_space<hbm>> -> memref<1x32xf32, #tpu.memory_space<hbm>>
    %dma_wait3A_63 = tpu.memref_squeeze %dma_wait3A_62 : memref<1x32xf32, #tpu.memory_space<hbm>> -> memref<32xf32, #tpu.memory_space<hbm>>
    tpu.wait_dma2 semaphore(%arg20 : memref<!tpu.dma_semaphore, #tpu.memory_space<semaphore_mem>>) src(%dma_wait3A_63 : memref<32xf32, #tpu.memory_space<hbm>>) dst(%dma_wait3A_60 : memref<32xf32, #tpu.memory_space<vmem>>)
    %dma_wait3A_64 = arith.constant 1 : i32
    %dma_wait3A_65 = arith.constant 32 : i32
    %dma_wait3A_66 = tpu.memref_slice %arg10[%dma_wait3A_65] : memref<128xf32, #tpu.memory_space<vmem>> -> memref<32xf32, #tpu.memory_space<vmem>>
    %dma_wait3A_67 = arith.constant 0 : i32
    %dma_wait3A_68 = tpu.memref_slice %arg5[%dma_wait3A_64, %dma_wait3A_67] : memref<4x32xf32, #tpu.memory_space<hbm>> -> memref<1x32xf32, #tpu.memory_space<hbm>>
    %dma_wait3A_69 = tpu.memref_squeeze %dma_wait3A_68 : memref<1x32xf32, #tpu.memory_space<hbm>> -> memref<32xf32, #tpu.memory_space<hbm>>
    %dma_wait3A_70 = arith.constant 32 : i32
    %dma_wait3A_71 = tpu.memref_slice %arg10[%dma_wait3A_70] : memref<128xf32, #tpu.memory_space<vmem>> -> memref<32xf32, #tpu.memory_space<vmem>>
    %dma_wait3A_72 = arith.constant 0 : i32
    %dma_wait3A_73 = tpu.memref_slice %arg5[%dma_wait3A_64, %dma_wait3A_72] : memref<4x32xf32, #tpu.memory_space<hbm>> -> memref<1x32xf32, #tpu.memory_space<hbm>>
    %dma_wait3A_74 = tpu.memref_squeeze %dma_wait3A_73 : memref<1x32xf32, #tpu.memory_space<hbm>> -> memref<32xf32, #tpu.memory_space<hbm>>
    tpu.wait_dma2 semaphore(%arg20 : memref<!tpu.dma_semaphore, #tpu.memory_space<semaphore_mem>>) src(%dma_wait3A_74 : memref<32xf32, #tpu.memory_space<hbm>>) dst(%dma_wait3A_71 : memref<32xf32, #tpu.memory_space<vmem>>)
    %dma_wait3A_75 = arith.constant 2 : i32
    %dma_wait3A_76 = arith.constant 64 : i32
    %dma_wait3A_77 = tpu.memref_slice %arg10[%dma_wait3A_76] : memref<128xf32, #tpu.memory_space<vmem>> -> memref<32xf32, #tpu.memory_space<vmem>>
    %dma_wait3A_78 = arith.constant 0 : i32
    %dma_wait3A_79 = tpu.memref_slice %arg5[%dma_wait3A_75, %dma_wait3A_78] : memref<4x32xf32, #tpu.memory_space<hbm>> -> memref<1x32xf32, #tpu.memory_space<hbm>>
    %dma_wait3A_80 = tpu.memref_squeeze %dma_wait3A_79 : memref<1x32xf32, #tpu.memory_space<hbm>> -> memref<32xf32, #tpu.memory_space<hbm>>
    %dma_wait3A_81 = arith.constant 64 : i32
    %dma_wait3A_82 = tpu.memref_slice %arg10[%dma_wait3A_81] : memref<128xf32, #tpu.memory_space<vmem>> -> memref<32xf32, #tpu.memory_space<vmem>>
    %dma_wait3A_83 = arith.constant 0 : i32
    %dma_wait3A_84 = tpu.memref_slice %arg5[%dma_wait3A_75, %dma_wait3A_83] : memref<4x32xf32, #tpu.memory_space<hbm>> -> memref<1x32xf32, #tpu.memory_space<hbm>>
    %dma_wait3A_85 = tpu.memref_squeeze %dma_wait3A_84 : memref<1x32xf32, #tpu.memory_space<hbm>> -> memref<32xf32, #tpu.memory_space<hbm>>
    tpu.wait_dma2 semaphore(%arg20 : memref<!tpu.dma_semaphore, #tpu.memory_space<semaphore_mem>>) src(%dma_wait3A_85 : memref<32xf32, #tpu.memory_space<hbm>>) dst(%dma_wait3A_82 : memref<32xf32, #tpu.memory_space<vmem>>)
    %dma_wait3A_86 = arith.constant 3 : i32
    %dma_wait3A_87 = arith.constant 96 : i32
    %dma_wait3A_88 = tpu.memref_slice %arg10[%dma_wait3A_87] : memref<128xf32, #tpu.memory_space<vmem>> -> memref<32xf32, #tpu.memory_space<vmem>>
    %dma_wait3A_89 = arith.constant 0 : i32
    %dma_wait3A_90 = tpu.memref_slice %arg5[%dma_wait3A_86, %dma_wait3A_89] : memref<4x32xf32, #tpu.memory_space<hbm>> -> memref<1x32xf32, #tpu.memory_space<hbm>>
    %dma_wait3A_91 = tpu.memref_squeeze %dma_wait3A_90 : memref<1x32xf32, #tpu.memory_space<hbm>> -> memref<32xf32, #tpu.memory_space<hbm>>
    %dma_wait3A_92 = arith.constant 96 : i32
    %dma_wait3A_93 = tpu.memref_slice %arg10[%dma_wait3A_92] : memref<128xf32, #tpu.memory_space<vmem>> -> memref<32xf32, #tpu.memory_space<vmem>>
    %dma_wait3A_94 = arith.constant 0 : i32
    %dma_wait3A_95 = tpu.memref_slice %arg5[%dma_wait3A_86, %dma_wait3A_94] : memref<4x32xf32, #tpu.memory_space<hbm>> -> memref<1x32xf32, #tpu.memory_space<hbm>>
    %dma_wait3A_96 = tpu.memref_squeeze %dma_wait3A_95 : memref<1x32xf32, #tpu.memory_space<hbm>> -> memref<32xf32, #tpu.memory_space<hbm>>
    tpu.wait_dma2 semaphore(%arg20 : memref<!tpu.dma_semaphore, #tpu.memory_space<semaphore_mem>>) src(%dma_wait3A_96 : memref<32xf32, #tpu.memory_space<hbm>>) dst(%dma_wait3A_93 : memref<32xf32, #tpu.memory_space<vmem>>)
    %iota3A = tpu.iota {dimensions = array<i32: 0>} : vector<16xi32>
    %mul3A_97 = arith.constant 0 : i32
    %mul3A_98 = arith.constant 128 : i32
    %mul3A_99 = arith.muli %mul3A_97, %mul3A_98 : i32
    %dma_start3A_100 = tpu.memref_slice %arg8[%mul3A_99] : memref<25600xi32, #tpu.memory_space<vmem>> -> memref<128xi32, #tpu.memory_space<vmem>>
    %dma_start3A_101 = arith.constant 0 : i32
    %dma_start3A_102 = arith.constant 0 : i32
    %dma_start3A_103 = tpu.memref_slice %arg4[%dma_start3A_101, %dma_start3A_102] : memref<100000x128xf32, #tpu.memory_space<hbm>> -> memref<100000x128xf32, #tpu.memory_space<hbm>>
    tpu.enqueue_indirect_dma source(%dma_start3A_103 : memref<100000x128xf32, #tpu.memory_space<hbm>>) target(%arg11 : memref<128x128xf32, #tpu.memory_space<vmem>>) offsets(%dma_start3A_100 : memref<128xi32, #tpu.memory_space<vmem>>) semaphore(%arg21 : memref<!tpu.dma_semaphore, #tpu.memory_space<semaphore_mem>>)
    %scan3A = arith.constant 0 : i32
    %scan3A_104 = arith.constant 0 : i32
    %scan3A_105 = arith.constant 67 : i32
    %scan3A_106 = arith.addi %scan3A_104, %scan3A_105 : i32
    %scan3A_107 = arith.constant 1 : i32
    scf.for %scan3A_140 = %scan3A_104 to %scan3A_106 step %scan3A_107  : i32 {
      %mul3A_141 = arith.constant 3 : i32
      %mul3A_142 = arith.muli %scan3A_140, %mul3A_141 : i32
      %add3A_143 = arith.constant 0 : i32
      %add3A_144 = arith.addi %mul3A_142, %add3A_143 : i32
      %min3A_145 = arith.constant 199 : i32
      %min3A_146 = arith.minsi %add3A_144, %min3A_145 : i32
      %mul3A_147 = arith.constant 128 : i32
      %mul3A_148 = arith.muli %min3A_146, %mul3A_147 : i32
      %ge3A = arith.constant 2 : i32
      %ge3A_149 = arith.cmpi sge, %add3A_144, %ge3A : i32
      %convert_element_type3A = arith.extui %ge3A_149 : i1 to i32
      %cond3A = arith.constant 0 : i32
      %cond3A_150 = arith.cmpi ne, %convert_element_type3A, %cond3A : i32
      scf.if %cond3A_150 {
        %sub3A = arith.constant 2 : i32
        %sub3A_272 = arith.subi %add3A_144, %sub3A : i32
        %min3A_273 = arith.constant 199 : i32
        %min3A_274 = arith.minsi %sub3A_272, %min3A_273 : i32
        %mul3A_275 = arith.constant 128 : i32
        %mul3A_276 = arith.muli %min3A_274, %mul3A_275 : i32
        %add3A_277 = arith.addi %mul3A_2, %mul3A_276 : i32
        %dma_wait3A_278 = arith.constant 0 : i32
        %dma_wait3A_279 = tpu.memref_slice %arg6[%add3A_277, %dma_wait3A_278] : memref<819200x160xf32, #tpu.memory_space<hbm>> -> memref<128x128xf32, #tpu.memory_space<hbm>>
        %dma_wait3A_280 = arith.constant 0 : i32
        %dma_wait3A_281 = tpu.memref_slice %arg6[%add3A_277, %dma_wait3A_280] : memref<819200x160xf32, #tpu.memory_space<hbm>> -> memref<128x128xf32, #tpu.memory_space<hbm>>
        tpu.wait_dma2 semaphore(%arg25 : memref<!tpu.dma_semaphore, #tpu.memory_space<semaphore_mem>>) src(%arg12 : memref<128x128xf32, #tpu.memory_space<vmem>>) dst(%dma_wait3A_281 : memref<128x128xf32, #tpu.memory_space<hbm>>)
        %dma_wait3A_282 = arith.constant 128 : i32
        %dma_wait3A_283 = tpu.memref_slice %arg6[%add3A_277, %dma_wait3A_282] : memref<819200x160xf32, #tpu.memory_space<hbm>> -> memref<128x32xf32, #tpu.memory_space<hbm>>
        %dma_wait3A_284 = arith.constant 128 : i32
        %dma_wait3A_285 = tpu.memref_slice %arg6[%add3A_277, %dma_wait3A_284] : memref<819200x160xf32, #tpu.memory_space<hbm>> -> memref<128x32xf32, #tpu.memory_space<hbm>>
        tpu.wait_dma2 semaphore(%arg25 : memref<!tpu.dma_semaphore, #tpu.memory_space<semaphore_mem>>) src(%arg15 : memref<128x32xf32, #tpu.memory_space<vmem>>) dst(%dma_wait3A_285 : memref<128x32xf32, #tpu.memory_space<hbm>>)
        %dma_wait3A_286 = tpu.memref_slice %arg7[%add3A_277] : memref<819200xi32, #tpu.memory_space<hbm>> -> memref<128xi32, #tpu.memory_space<hbm>>
        %dma_wait3A_287 = tpu.memref_slice %arg7[%add3A_277] : memref<819200xi32, #tpu.memory_space<hbm>> -> memref<128xi32, #tpu.memory_space<hbm>>
        tpu.wait_dma2 semaphore(%arg25 : memref<!tpu.dma_semaphore, #tpu.memory_space<semaphore_mem>>) src(%arg18 : memref<128xi32, #tpu.memory_space<vmem>>) dst(%dma_wait3A_287 : memref<128xi32, #tpu.memory_space<hbm>>)
      } else {
      }
      %add3A_151 = arith.constant 1 : i32
      %add3A_152 = arith.addi %add3A_144, %add3A_151 : i32
      %le3A = arith.constant 200 : i32
      %le3A_153 = arith.cmpi sle, %add3A_152, %le3A : i32
      %convert_element_type3A_154 = arith.extui %le3A_153 : i1 to i32
      %cond3A_155 = arith.constant 0 : i32
      %cond3A_156 = arith.cmpi ne, %convert_element_type3A_154, %cond3A_155 : i32
      scf.if %cond3A_156 {
        %add3A_272 = arith.constant 1 : i32
        %add3A_273 = arith.addi %add3A_144, %add3A_272 : i32
        %min3A_274 = arith.constant 199 : i32
        %min3A_275 = arith.minsi %add3A_273, %min3A_274 : i32
        %mul3A_276 = arith.constant 128 : i32
        %mul3A_277 = arith.muli %min3A_275, %mul3A_276 : i32
        %dma_start3A_278 = tpu.memref_slice %arg8[%mul3A_277] : memref<25600xi32, #tpu.memory_space<vmem>> -> memref<128xi32, #tpu.memory_space<vmem>>
        %dma_start3A_279 = arith.constant 0 : i32
        %dma_start3A_280 = arith.constant 0 : i32
        %dma_start3A_281 = tpu.memref_slice %arg4[%dma_start3A_279, %dma_start3A_280] : memref<100000x128xf32, #tpu.memory_space<hbm>> -> memref<100000x128xf32, #tpu.memory_space<hbm>>
        tpu.enqueue_indirect_dma source(%dma_start3A_281 : memref<100000x128xf32, #tpu.memory_space<hbm>>) target(%arg12 : memref<128x128xf32, #tpu.memory_space<vmem>>) offsets(%dma_start3A_278 : memref<128xi32, #tpu.memory_space<vmem>>) semaphore(%arg22 : memref<!tpu.dma_semaphore, #tpu.memory_space<semaphore_mem>>)
      } else {
      }
      %scan3A_157 = arith.constant 0 : i32
      %scan3A_158 = arith.constant 0 : i32
      %scan3A_159 = arith.constant 8 : i32
      %scan3A_160 = arith.addi %scan3A_158, %scan3A_159 : i32
      %scan3A_161 = arith.constant 1 : i32
      scf.for %scan3A_272 = %scan3A_158 to %scan3A_160 step %scan3A_161  : i32 {
        %mul3A_273 = arith.constant 16 : i32
        %mul3A_274 = arith.muli %scan3A_272, %mul3A_273 : i32
        %add3A_275 = arith.addi %mul3A_148, %mul3A_274 : i32
        %get3A = arith.index_cast %add3A_275 : i32 to index
        %get3A_276 = tpu.vector_load %arg8[%get3A] {strides = array<i32>} : memref<25600xi32, #tpu.memory_space<vmem>>, vector<16xi32>,
        %ne3A = arith.constant 0 : i32
        %ne3A_277 = vector.broadcast %ne3A : i32 to vector<16xi32>
        %ne3A_278 = arith.cmpi ne, %get3A_276, %ne3A_277 : vector<16xi32>
        %jit3A = arith.constant 1 : i32
        %jit3A_279 = arith.constant 0 : i32
        %broadcast_in_dim3A = vector.broadcast %jit3A : i32 to vector<16xi32>
        %broadcast_in_dim3A_280 = vector.broadcast %jit3A_279 : i32 to vector<16xi32>
        %select_n3A = arith.select %ne3A_278, %broadcast_in_dim3A, %broadcast_in_dim3A_280 : vector<16xi1>, vector<16xi32>
        %mul3A_281 = arith.constant 16 : i32
        %mul3A_282 = arith.muli %scan3A_272, %mul3A_281 : i32
        %swap3A = arith.index_cast %mul3A_282 : i32 to index
        %swap3A_283 = tpu.vector_load %arg17[%swap3A] {strides = array<i32>} : memref<128xi32, #tpu.memory_space<vmem>>, vector<16xi32>,
        tpu.vector_store %arg17[%swap3A], %select_n3A {strides = array<i32>} : memref<128xi32, #tpu.memory_space<vmem>>, vector<16xi32>,
        %mul3A_284 = arith.constant 16 : i32
        %mul3A_285 = arith.muli %scan3A_272, %mul3A_284 : i32
        %add3A_286 = arith.addi %mul3A_148, %mul3A_285 : i32
        %get3A_287 = arith.index_cast %add3A_286 : i32 to index
        %get3A_288 = tpu.vector_load %arg9[%get3A_287] {strides = array<i32>} : memref<25600xi32, #tpu.memory_space<vmem>>, vector<16xi32>,
        %mul3A_289 = arith.constant 32 : i32
        %mul3A_290 = vector.broadcast %mul3A_289 : i32 to vector<16xi32>
        %mul3A_291 = arith.muli %get3A_288, %mul3A_290 : vector<16xi32>
        %mul3A_292 = arith.constant 16 : i32
        %mul3A_293 = arith.muli %scan3A_272, %mul3A_292 : i32
        %add3A_294 = vector.broadcast %mul3A_293 : i32 to vector<16xi32>
        %add3A_295 = arith.addi %iota3A, %add3A_294 : vector<16xi32>
        %broadcast_in_dim3A_296 = arith.constant 0 : i32
        %broadcast_in_dim3A_297 = vector.broadcast %broadcast_in_dim3A_296 : i32 to vector<16xi32>
        %add3A_298 = arith.constant 0 : i32
        %add3A_299 = vector.broadcast %add3A_298 : i32 to vector<16xi32>
        %add3A_300 = arith.addi %mul3A_291, %add3A_299 : vector<16xi32>
        %gather3A = tpu.vector_load_idx %arg10[%add3A_300] : memref<128xf32, #tpu.memory_space<vmem>>[vector<16xi32>], vector<16xf32>,
        tpu.vector_store_idx %arg14[%add3A_295, %broadcast_in_dim3A_297], %gather3A : memref<128x32xf32, #tpu.memory_space<vmem>>[vector<16xi32>, vector<16xi32>], vector<16xf32>,
        %broadcast_in_dim3A_301 = arith.constant 1 : i32
        %broadcast_in_dim3A_302 = vector.broadcast %broadcast_in_dim3A_301 : i32 to vector<16xi32>
        %add3A_303 = arith.constant 1 : i32
        %add3A_304 = vector.broadcast %add3A_303 : i32 to vector<16xi32>
        %add3A_305 = arith.addi %mul3A_291, %add3A_304 : vector<16xi32>
        %gather3A_306 = tpu.vector_load_idx %arg10[%add3A_305] : memref<128xf32, #tpu.memory_space<vmem>>[vector<16xi32>], vector<16xf32>,
        tpu.vector_store_idx %arg14[%add3A_295, %broadcast_in_dim3A_302], %gather3A_306 : memref<128x32xf32, #tpu.memory_space<vmem>>[vector<16xi32>, vector<16xi32>], vector<16xf32>,
        %broadcast_in_dim3A_307 = arith.constant 2 : i32
        %broadcast_in_dim3A_308 = vector.broadcast %broadcast_in_dim3A_307 : i32 to vector<16xi32>
        %add3A_309 = arith.constant 2 : i32
        %add3A_310 = vector.broadcast %add3A_309 : i32 to vector<16xi32>
        %add3A_311 = arith.addi %mul3A_291, %add3A_310 : vector<16xi32>
        %gather3A_312 = tpu.vector_load_idx %arg10[%add3A_311] : memref<128xf32, #tpu.memory_space<vmem>>[vector<16xi32>], vector<16xf32>,
        tpu.vector_store_idx %arg14[%add3A_295, %broadcast_in_dim3A_308], %gather3A_312 : memref<128x32xf32, #tpu.memory_space<vmem>>[vector<16xi32>, vector<16xi32>], vector<16xf32>,
        %broadcast_in_dim3A_313 = arith.constant 3 : i32
        %broadcast_in_dim3A_314 = vector.broadcast %broadcast_in_dim3A_313 : i32 to vector<16xi32>
        %add3A_315 = arith.constant 3 : i32
        %add3A_316 = vector.broadcast %add3A_315 : i32 to vector<16xi32>
        %add3A_317 = arith.addi %mul3A_291, %add3A_316 : vector<16xi32>
        %gather3A_318 = tpu.vector_load_idx %arg10[%add3A_317] : memref<128xf32, #tpu.memory_space<vmem>>[vector<16xi32>], vector<16xf32>,
        tpu.vector_store_idx %arg14[%add3A_295, %broadcast_in_dim3A_314], %gather3A_318 : memref<128x32xf32, #tpu.memory_space<vmem>>[vector<16xi32>, vector<16xi32>], vector<16xf32>,
        %broadcast_in_dim3A_319 = arith.constant 4 : i32
        %broadcast_in_dim3A_320 = vector.broadcast %broadcast_in_dim3A_319 : i32 to vector<16xi32>
        %add3A_321 = arith.constant 4 : i32
        %add3A_322 = vector.broadcast %add3A_321 : i32 to vector<16xi32>
        %add3A_323 = arith.addi %mul3A_291, %add3A_322 : vector<16xi32>
        %gather3A_324 = tpu.vector_load_idx %arg10[%add3A_323] : memref<128xf32, #tpu.memory_space<vmem>>[vector<16xi32>], vector<16xf32>,
        tpu.vector_store_idx %arg14[%add3A_295, %broadcast_in_dim3A_320], %gather3A_324 : memref<128x32xf32, #tpu.memory_space<vmem>>[vector<16xi32>, vector<16xi32>], vector<16xf32>,
        %broadcast_in_dim3A_325 = arith.constant 5 : i32
        %broadcast_in_dim3A_326 = vector.broadcast %broadcast_in_dim3A_325 : i32 to vector<16xi32>
        %add3A_327 = arith.constant 5 : i32
        %add3A_328 = vector.broadcast %add3A_327 : i32 to vector<16xi32>
        %add3A_329 = arith.addi %mul3A_291, %add3A_328 : vector<16xi32>
        %gather3A_330 = tpu.vector_load_idx %arg10[%add3A_329] : memref<128xf32, #tpu.memory_space<vmem>>[vector<16xi32>], vector<16xf32>,
        tpu.vector_store_idx %arg14[%add3A_295, %broadcast_in_dim3A_326], %gather3A_330 : memref<128x32xf32, #tpu.memory_space<vmem>>[vector<16xi32>, vector<16xi32>], vector<16xf32>,
        %broadcast_in_dim3A_331 = arith.constant 6 : i32
        %broadcast_in_dim3A_332 = vector.broadcast %broadcast_in_dim3A_331 : i32 to vector<16xi32>
        %add3A_333 = arith.constant 6 : i32
        %add3A_334 = vector.broadcast %add3A_333 : i32 to vector<16xi32>
        %add3A_335 = arith.addi %mul3A_291, %add3A_334 : vector<16xi32>
        %gather3A_336 = tpu.vector_load_idx %arg10[%add3A_335] : memref<128xf32, #tpu.memory_space<vmem>>[vector<16xi32>], vector<16xf32>,
        tpu.vector_store_idx %arg14[%add3A_295, %broadcast_in_dim3A_332], %gather3A_336 : memref<128x32xf32, #tpu.memory_space<vmem>>[vector<16xi32>, vector<16xi32>], vector<16xf32>,
        %broadcast_in_dim3A_337 = arith.constant 7 : i32
        %broadcast_in_dim3A_338 = vector.broadcast %broadcast_in_dim3A_337 : i32 to vector<16xi32>
        %add3A_339 = arith.constant 7 : i32
        %add3A_340 = vector.broadcast %add3A_339 : i32 to vector<16xi32>
        %add3A_341 = arith.addi %mul3A_291, %add3A_340 : vector<16xi32>
        %gather3A_342 = tpu.vector_load_idx %arg10[%add3A_341] : memref<128xf32, #tpu.memory_space<vmem>>[vector<16xi32>], vector<16xf32>,
        tpu.vector_store_idx %arg14[%add3A_295, %broadcast_in_dim3A_338], %gather3A_342 : memref<128x32xf32, #tpu.memory_space<vmem>>[vector<16xi32>, vector<16xi32>], vector<16xf32>,
        %broadcast_in_dim3A_343 = arith.constant 8 : i32
        %broadcast_in_dim3A_344 = vector.broadcast %broadcast_in_dim3A_343 : i32 to vector<16xi32>
        %add3A_345 = arith.constant 8 : i32
        %add3A_346 = vector.broadcast %add3A_345 : i32 to vector<16xi32>
        %add3A_347 = arith.addi %mul3A_291, %add3A_346 : vector<16xi32>
        %gather3A_348 = tpu.vector_load_idx %arg10[%add3A_347] : memref<128xf32, #tpu.memory_space<vmem>>[vector<16xi32>], vector<16xf32>,
        tpu.vector_store_idx %arg14[%add3A_295, %broadcast_in_dim3A_344], %gather3A_348 : memref<128x32xf32, #tpu.memory_space<vmem>>[vector<16xi32>, vector<16xi32>], vector<16xf32>,
        %broadcast_in_dim3A_349 = arith.constant 9 : i32
        %broadcast_in_dim3A_350 = vector.broadcast %broadcast_in_dim3A_349 : i32 to vector<16xi32>
        %add3A_351 = arith.constant 9 : i32
        %add3A_352 = vector.broadcast %add3A_351 : i32 to vector<16xi32>
        %add3A_353 = arith.addi %mul3A_291, %add3A_352 : vector<16xi32>
        %gather3A_354 = tpu.vector_load_idx %arg10[%add3A_353] : memref<128xf32, #tpu.memory_space<vmem>>[vector<16xi32>], vector<16xf32>,
        tpu.vector_store_idx %arg14[%add3A_295, %broadcast_in_dim3A_350], %gather3A_354 : memref<128x32xf32, #tpu.memory_space<vmem>>[vector<16xi32>, vector<16xi32>], vector<16xf32>,
        %broadcast_in_dim3A_355 = arith.constant 10 : i32
        %broadcast_in_dim3A_356 = vector.broadcast %broadcast_in_dim3A_355 : i32 to vector<16xi32>
        %add3A_357 = arith.constant 10 : i32
        %add3A_358 = vector.broadcast %add3A_357 : i32 to vector<16xi32>
        %add3A_359 = arith.addi %mul3A_291, %add3A_358 : vector<16xi32>
        %gather3A_360 = tpu.vector_load_idx %arg10[%add3A_359] : memref<128xf32, #tpu.memory_space<vmem>>[vector<16xi32>], vector<16xf32>,
        tpu.vector_store_idx %arg14[%add3A_295, %broadcast_in_dim3A_356], %gather3A_360 : memref<128x32xf32, #tpu.memory_space<vmem>>[vector<16xi32>, vector<16xi32>], vector<16xf32>,
        %broadcast_in_dim3A_361 = arith.constant 11 : i32
        %broadcast_in_dim3A_362 = vector.broadcast %broadcast_in_dim3A_361 : i32 to vector<16xi32>
        %add3A_363 = arith.constant 11 : i32
        %add3A_364 = vector.broadcast %add3A_363 : i32 to vector<16xi32>
        %add3A_365 = arith.addi %mul3A_291, %add3A_364 : vector<16xi32>
        %gather3A_366 = tpu.vector_load_idx %arg10[%add3A_365] : memref<128xf32, #tpu.memory_space<vmem>>[vector<16xi32>], vector<16xf32>,
        tpu.vector_store_idx %arg14[%add3A_295, %broadcast_in_dim3A_362], %gather3A_366 : memref<128x32xf32, #tpu.memory_space<vmem>>[vector<16xi32>, vector<16xi32>], vector<16xf32>,
        %broadcast_in_dim3A_367 = arith.constant 12 : i32
        %broadcast_in_dim3A_368 = vector.broadcast %broadcast_in_dim3A_367 : i32 to vector<16xi32>
        %add3A_369 = arith.constant 12 : i32
        %add3A_370 = vector.broadcast %add3A_369 : i32 to vector<16xi32>
        %add3A_371 = arith.addi %mul3A_291, %add3A_370 : vector<16xi32>
        %gather3A_372 = tpu.vector_load_idx %arg10[%add3A_371] : memref<128xf32, #tpu.memory_space<vmem>>[vector<16xi32>], vector<16xf32>,
        tpu.vector_store_idx %arg14[%add3A_295, %broadcast_in_dim3A_368], %gather3A_372 : memref<128x32xf32, #tpu.memory_space<vmem>>[vector<16xi32>, vector<16xi32>], vector<16xf32>,
        %broadcast_in_dim3A_373 = arith.constant 13 : i32
        %broadcast_in_dim3A_374 = vector.broadcast %broadcast_in_dim3A_373 : i32 to vector<16xi32>
        %add3A_375 = arith.constant 13 : i32
        %add3A_376 = vector.broadcast %add3A_375 : i32 to vector<16xi32>
        %add3A_377 = arith.addi %mul3A_291, %add3A_376 : vector<16xi32>
        %gather3A_378 = tpu.vector_load_idx %arg10[%add3A_377] : memref<128xf32, #tpu.memory_space<vmem>>[vector<16xi32>], vector<16xf32>,
        tpu.vector_store_idx %arg14[%add3A_295, %broadcast_in_dim3A_374], %gather3A_378 : memref<128x32xf32, #tpu.memory_space<vmem>>[vector<16xi32>, vector<16xi32>], vector<16xf32>,
        %broadcast_in_dim3A_379 = arith.constant 14 : i32
        %broadcast_in_dim3A_380 = vector.broadcast %broadcast_in_dim3A_379 : i32 to vector<16xi32>
        %add3A_381 = arith.constant 14 : i32
        %add3A_382 = vector.broadcast %add3A_381 : i32 to vector<16xi32>
        %add3A_383 = arith.addi %mul3A_291, %add3A_382 : vector<16xi32>
        %gather3A_384 = tpu.vector_load_idx %arg10[%add3A_383] : memref<128xf32, #tpu.memory_space<vmem>>[vector<16xi32>], vector<16xf32>,
        tpu.vector_store_idx %arg14[%add3A_295, %broadcast_in_dim3A_380], %gather3A_384 : memref<128x32xf32, #tpu.memory_space<vmem>>[vector<16xi32>, vector<16xi32>], vector<16xf32>,
        %broadcast_in_dim3A_385 = arith.constant 15 : i32
        %broadcast_in_dim3A_386 = vector.broadcast %broadcast_in_dim3A_385 : i32 to vector<16xi32>
        %add3A_387 = arith.constant 15 : i32
        %add3A_388 = vector.broadcast %add3A_387 : i32 to vector<16xi32>
        %add3A_389 = arith.addi %mul3A_291, %add3A_388 : vector<16xi32>
        %gather3A_390 = tpu.vector_load_idx %arg10[%add3A_389] : memref<128xf32, #tpu.memory_space<vmem>>[vector<16xi32>], vector<16xf32>,
        tpu.vector_store_idx %arg14[%add3A_295, %broadcast_in_dim3A_386], %gather3A_390 : memref<128x32xf32, #tpu.memory_space<vmem>>[vector<16xi32>, vector<16xi32>], vector<16xf32>,
        %broadcast_in_dim3A_391 = arith.constant 16 : i32
        %broadcast_in_dim3A_392 = vector.broadcast %broadcast_in_dim3A_391 : i32 to vector<16xi32>
        %add3A_393 = arith.constant 16 : i32
        %add3A_394 = vector.broadcast %add3A_393 : i32 to vector<16xi32>
        %add3A_395 = arith.addi %mul3A_291, %add3A_394 : vector<16xi32>
        %gather3A_396 = tpu.vector_load_idx %arg10[%add3A_395] : memref<128xf32, #tpu.memory_space<vmem>>[vector<16xi32>], vector<16xf32>,
        tpu.vector_store_idx %arg14[%add3A_295, %broadcast_in_dim3A_392], %gather3A_396 : memref<128x32xf32, #tpu.memory_space<vmem>>[vector<16xi32>, vector<16xi32>], vector<16xf32>,
        %broadcast_in_dim3A_397 = arith.constant 17 : i32
        %broadcast_in_dim3A_398 = vector.broadcast %broadcast_in_dim3A_397 : i32 to vector<16xi32>
        %add3A_399 = arith.constant 17 : i32
        %add3A_400 = vector.broadcast %add3A_399 : i32 to vector<16xi32>
        %add3A_401 = arith.addi %mul3A_291, %add3A_400 : vector<16xi32>
        %gather3A_402 = tpu.vector_load_idx %arg10[%add3A_401] : memref<128xf32, #tpu.memory_space<vmem>>[vector<16xi32>], vector<16xf32>,
        tpu.vector_store_idx %arg14[%add3A_295, %broadcast_in_dim3A_398], %gather3A_402 : memref<128x32xf32, #tpu.memory_space<vmem>>[vector<16xi32>, vector<16xi32>], vector<16xf32>,
        %broadcast_in_dim3A_403 = arith.constant 18 : i32
        %broadcast_in_dim3A_404 = vector.broadcast %broadcast_in_dim3A_403 : i32 to vector<16xi32>
        %add3A_405 = arith.constant 18 : i32
        %add3A_406 = vector.broadcast %add3A_405 : i32 to vector<16xi32>
        %add3A_407 = arith.addi %mul3A_291, %add3A_406 : vector<16xi32>
        %gather3A_408 = tpu.vector_load_idx %arg10[%add3A_407] : memref<128xf32, #tpu.memory_space<vmem>>[vector<16xi32>], vector<16xf32>,
        tpu.vector_store_idx %arg14[%add3A_295, %broadcast_in_dim3A_404], %gather3A_408 : memref<128x32xf32, #tpu.memory_space<vmem>>[vector<16xi32>, vector<16xi32>], vector<16xf32>,
        %broadcast_in_dim3A_409 = arith.constant 19 : i32
        %broadcast_in_dim3A_410 = vector.broadcast %broadcast_in_dim3A_409 : i32 to vector<16xi32>
        %add3A_411 = arith.constant 19 : i32
        %add3A_412 = vector.broadcast %add3A_411 : i32 to vector<16xi32>
        %add3A_413 = arith.addi %mul3A_291, %add3A_412 : vector<16xi32>
        %gather3A_414 = tpu.vector_load_idx %arg10[%add3A_413] : memref<128xf32, #tpu.memory_space<vmem>>[vector<16xi32>], vector<16xf32>,
        tpu.vector_store_idx %arg14[%add3A_295, %broadcast_in_dim3A_410], %gather3A_414 : memref<128x32xf32, #tpu.memory_space<vmem>>[vector<16xi32>, vector<16xi32>], vector<16xf32>,
        %broadcast_in_dim3A_415 = arith.constant 20 : i32
        %broadcast_in_dim3A_416 = vector.broadcast %broadcast_in_dim3A_415 : i32 to vector<16xi32>
        %add3A_417 = arith.constant 20 : i32
        %add3A_418 = vector.broadcast %add3A_417 : i32 to vector<16xi32>
        %add3A_419 = arith.addi %mul3A_291, %add3A_418 : vector<16xi32>
        %gather3A_420 = tpu.vector_load_idx %arg10[%add3A_419] : memref<128xf32, #tpu.memory_space<vmem>>[vector<16xi32>], vector<16xf32>,
        tpu.vector_store_idx %arg14[%add3A_295, %broadcast_in_dim3A_416], %gather3A_420 : memref<128x32xf32, #tpu.memory_space<vmem>>[vector<16xi32>, vector<16xi32>], vector<16xf32>,
        %broadcast_in_dim3A_421 = arith.constant 21 : i32
        %broadcast_in_dim3A_422 = vector.broadcast %broadcast_in_dim3A_421 : i32 to vector<16xi32>
        %add3A_423 = arith.constant 21 : i32
        %add3A_424 = vector.broadcast %add3A_423 : i32 to vector<16xi32>
        %add3A_425 = arith.addi %mul3A_291, %add3A_424 : vector<16xi32>
        %gather3A_426 = tpu.vector_load_idx %arg10[%add3A_425] : memref<128xf32, #tpu.memory_space<vmem>>[vector<16xi32>], vector<16xf32>,
        tpu.vector_store_idx %arg14[%add3A_295, %broadcast_in_dim3A_422], %gather3A_426 : memref<128x32xf32, #tpu.memory_space<vmem>>[vector<16xi32>, vector<16xi32>], vector<16xf32>,
        %broadcast_in_dim3A_427 = arith.constant 22 : i32
        %broadcast_in_dim3A_428 = vector.broadcast %broadcast_in_dim3A_427 : i32 to vector<16xi32>
        %add3A_429 = arith.constant 22 : i32
        %add3A_430 = vector.broadcast %add3A_429 : i32 to vector<16xi32>
        %add3A_431 = arith.addi %mul3A_291, %add3A_430 : vector<16xi32>
        %gather3A_432 = tpu.vector_load_idx %arg10[%add3A_431] : memref<128xf32, #tpu.memory_space<vmem>>[vector<16xi32>], vector<16xf32>,
        tpu.vector_store_idx %arg14[%add3A_295, %broadcast_in_dim3A_428], %gather3A_432 : memref<128x32xf32, #tpu.memory_space<vmem>>[vector<16xi32>, vector<16xi32>], vector<16xf32>,
        %broadcast_in_dim3A_433 = arith.constant 23 : i32
        %broadcast_in_dim3A_434 = vector.broadcast %broadcast_in_dim3A_433 : i32 to vector<16xi32>
        %add3A_435 = arith.constant 23 : i32
        %add3A_436 = vector.broadcast %add3A_435 : i32 to vector<16xi32>
        %add3A_437 = arith.addi %mul3A_291, %add3A_436 : vector<16xi32>
        %gather3A_438 = tpu.vector_load_idx %arg10[%add3A_437] : memref<128xf32, #tpu.memory_space<vmem>>[vector<16xi32>], vector<16xf32>,
        tpu.vector_store_idx %arg14[%add3A_295, %broadcast_in_dim3A_434], %gather3A_438 : memref<128x32xf32, #tpu.memory_space<vmem>>[vector<16xi32>, vector<16xi32>], vector<16xf32>,
        %broadcast_in_dim3A_439 = arith.constant 24 : i32
        %broadcast_in_dim3A_440 = vector.broadcast %broadcast_in_dim3A_439 : i32 to vector<16xi32>
        %add3A_441 = arith.constant 24 : i32
        %add3A_442 = vector.broadcast %add3A_441 : i32 to vector<16xi32>
        %add3A_443 = arith.addi %mul3A_291, %add3A_442 : vector<16xi32>
        %gather3A_444 = tpu.vector_load_idx %arg10[%add3A_443] : memref<128xf32, #tpu.memory_space<vmem>>[vector<16xi32>], vector<16xf32>,
        tpu.vector_store_idx %arg14[%add3A_295, %broadcast_in_dim3A_440], %gather3A_444 : memref<128x32xf32, #tpu.memory_space<vmem>>[vector<16xi32>, vector<16xi32>], vector<16xf32>,
        %broadcast_in_dim3A_445 = arith.constant 25 : i32
        %broadcast_in_dim3A_446 = vector.broadcast %broadcast_in_dim3A_445 : i32 to vector<16xi32>
        %add3A_447 = arith.constant 25 : i32
        %add3A_448 = vector.broadcast %add3A_447 : i32 to vector<16xi32>
        %add3A_449 = arith.addi %mul3A_291, %add3A_448 : vector<16xi32>
        %gather3A_450 = tpu.vector_load_idx %arg10[%add3A_449] : memref<128xf32, #tpu.memory_space<vmem>>[vector<16xi32>], vector<16xf32>,
        tpu.vector_store_idx %arg14[%add3A_295, %broadcast_in_dim3A_446], %gather3A_450 : memref<128x32xf32, #tpu.memory_space<vmem>>[vector<16xi32>, vector<16xi32>], vector<16xf32>,
        %broadcast_in_dim3A_451 = arith.constant 26 : i32
        %broadcast_in_dim3A_452 = vector.broadcast %broadcast_in_dim3A_451 : i32 to vector<16xi32>
        %add3A_453 = arith.constant 26 : i32
        %add3A_454 = vector.broadcast %add3A_453 : i32 to vector<16xi32>
        %add3A_455 = arith.addi %mul3A_291, %add3A_454 : vector<16xi32>
        %gather3A_456 = tpu.vector_load_idx %arg10[%add3A_455] : memref<128xf32, #tpu.memory_space<vmem>>[vector<16xi32>], vector<16xf32>,
        tpu.vector_store_idx %arg14[%add3A_295, %broadcast_in_dim3A_452], %gather3A_456 : memref<128x32xf32, #tpu.memory_space<vmem>>[vector<16xi32>, vector<16xi32>], vector<16xf32>,
        %broadcast_in_dim3A_457 = arith.constant 27 : i32
        %broadcast_in_dim3A_458 = vector.broadcast %broadcast_in_dim3A_457 : i32 to vector<16xi32>
        %add3A_459 = arith.constant 27 : i32
        %add3A_460 = vector.broadcast %add3A_459 : i32 to vector<16xi32>
        %add3A_461 = arith.addi %mul3A_291, %add3A_460 : vector<16xi32>
        %gather3A_462 = tpu.vector_load_idx %arg10[%add3A_461] : memref<128xf32, #tpu.memory_space<vmem>>[vector<16xi32>], vector<16xf32>,
        tpu.vector_store_idx %arg14[%add3A_295, %broadcast_in_dim3A_458], %gather3A_462 : memref<128x32xf32, #tpu.memory_space<vmem>>[vector<16xi32>, vector<16xi32>], vector<16xf32>,
        %broadcast_in_dim3A_463 = arith.constant 28 : i32
        %broadcast_in_dim3A_464 = vector.broadcast %broadcast_in_dim3A_463 : i32 to vector<16xi32>
        %add3A_465 = arith.constant 28 : i32
        %add3A_466 = vector.broadcast %add3A_465 : i32 to vector<16xi32>
        %add3A_467 = arith.addi %mul3A_291, %add3A_466 : vector<16xi32>
        %gather3A_468 = tpu.vector_load_idx %arg10[%add3A_467] : memref<128xf32, #tpu.memory_space<vmem>>[vector<16xi32>], vector<16xf32>,
        tpu.vector_store_idx %arg14[%add3A_295, %broadcast_in_dim3A_464], %gather3A_468 : memref<128x32xf32, #tpu.memory_space<vmem>>[vector<16xi32>, vector<16xi32>], vector<16xf32>,
        %broadcast_in_dim3A_469 = arith.constant 29 : i32
        %broadcast_in_dim3A_470 = vector.broadcast %broadcast_in_dim3A_469 : i32 to vector<16xi32>
        %add3A_471 = arith.constant 29 : i32
        %add3A_472 = vector.broadcast %add3A_471 : i32 to vector<16xi32>
        %add3A_473 = arith.addi %mul3A_291, %add3A_472 : vector<16xi32>
        %gather3A_474 = tpu.vector_load_idx %arg10[%add3A_473] : memref<128xf32, #tpu.memory_space<vmem>>[vector<16xi32>], vector<16xf32>,
        tpu.vector_store_idx %arg14[%add3A_295, %broadcast_in_dim3A_470], %gather3A_474 : memref<128x32xf32, #tpu.memory_space<vmem>>[vector<16xi32>, vector<16xi32>], vector<16xf32>,
        %broadcast_in_dim3A_475 = arith.constant 30 : i32
        %broadcast_in_dim3A_476 = vector.broadcast %broadcast_in_dim3A_475 : i32 to vector<16xi32>
        %add3A_477 = arith.constant 30 : i32
        %add3A_478 = vector.broadcast %add3A_477 : i32 to vector<16xi32>
        %add3A_479 = arith.addi %mul3A_291, %add3A_478 : vector<16xi32>
        %gather3A_480 = tpu.vector_load_idx %arg10[%add3A_479] : memref<128xf32, #tpu.memory_space<vmem>>[vector<16xi32>], vector<16xf32>,
        tpu.vector_store_idx %arg14[%add3A_295, %broadcast_in_dim3A_476], %gather3A_480 : memref<128x32xf32, #tpu.memory_space<vmem>>[vector<16xi32>, vector<16xi32>], vector<16xf32>,
        %broadcast_in_dim3A_481 = arith.constant 31 : i32
        %broadcast_in_dim3A_482 = vector.broadcast %broadcast_in_dim3A_481 : i32 to vector<16xi32>
        %add3A_483 = arith.constant 31 : i32
        %add3A_484 = vector.broadcast %add3A_483 : i32 to vector<16xi32>
        %add3A_485 = arith.addi %mul3A_291, %add3A_484 : vector<16xi32>
        %gather3A_486 = tpu.vector_load_idx %arg10[%add3A_485] : memref<128xf32, #tpu.memory_space<vmem>>[vector<16xi32>], vector<16xf32>,
        tpu.vector_store_idx %arg14[%add3A_295, %broadcast_in_dim3A_482], %gather3A_486 : memref<128x32xf32, #tpu.memory_space<vmem>>[vector<16xi32>, vector<16xi32>], vector<16xf32>,
      }
      %scan3A_162 = arith.constant 8 : i32
      %mul3A_163 = arith.constant 128 : i32
      %mul3A_164 = arith.muli %min3A_146, %mul3A_163 : i32
      %dma_wait3A_165 = tpu.memref_slice %arg8[%mul3A_164] : memref<25600xi32, #tpu.memory_space<vmem>> -> memref<128xi32, #tpu.memory_space<vmem>>
      %dma_wait3A_166 = arith.constant 0 : i32
      %dma_wait3A_167 = arith.constant 0 : i32
      %dma_wait3A_168 = tpu.memref_slice %arg4[%dma_wait3A_166, %dma_wait3A_167] : memref<100000x128xf32, #tpu.memory_space<hbm>> -> memref<100000x128xf32, #tpu.memory_space<hbm>>
      tpu.wait_indirect_dma semaphore(%arg21 : memref<!tpu.dma_semaphore, #tpu.memory_space<semaphore_mem>>) src(%dma_wait3A_168 : memref<100000x128xf32, #tpu.memory_space<hbm>>) dst(%arg11 : memref<128x128xf32, #tpu.memory_space<vmem>>)
      %mul3A_169 = arith.constant 128 : i32
      %mul3A_170 = arith.muli %min3A_146, %mul3A_169 : i32
      %add3A_171 = arith.addi %mul3A_2, %mul3A_170 : i32
      %dma_start3A_172 = arith.constant 0 : i32
      %dma_start3A_173 = tpu.memref_slice %arg6[%add3A_171, %dma_start3A_172] : memref<819200x160xf32, #tpu.memory_space<hbm>> -> memref<128x128xf32, #tpu.memory_space<hbm>>
      %dma_start3A_174 = arith.constant 0 : i32
      %dma_start3A_175 = tpu.memref_slice %arg6[%add3A_171, %dma_start3A_174] : memref<819200x160xf32, #tpu.memory_space<hbm>> -> memref<128x128xf32, #tpu.memory_space<hbm>>
      tpu.enqueue_dma source(%arg11 : memref<128x128xf32, #tpu.memory_space<vmem>>) target(%dma_start3A_175 : memref<128x128xf32, #tpu.memory_space<hbm>>) target_semaphore(%arg24 : memref<!tpu.dma_semaphore, #tpu.memory_space<semaphore_mem>>)
      %dma_start3A_176 = arith.constant 128 : i32
      %dma_start3A_177 = tpu.memref_slice %arg6[%add3A_171, %dma_start3A_176] : memref<819200x160xf32, #tpu.memory_space<hbm>> -> memref<128x32xf32, #tpu.memory_space<hbm>>
      %dma_start3A_178 = arith.constant 128 : i32
      %dma_start3A_179 = tpu.memref_slice %arg6[%add3A_171, %dma_start3A_178] : memref<819200x160xf32, #tpu.memory_space<hbm>> -> memref<128x32xf32, #tpu.memory_space<hbm>>
      tpu.enqueue_dma source(%arg14 : memref<128x32xf32, #tpu.memory_space<vmem>>) target(%dma_start3A_179 : memref<128x32xf32, #tpu.memory_space<hbm>>) target_semaphore(%arg24 : memref<!tpu.dma_semaphore, #tpu.memory_space<semaphore_mem>>)
      %dma_start3A_180 = tpu.memref_slice %arg7[%add3A_171] : memref<819200xi32, #tpu.memory_space<hbm>> -> memref<128xi32, #tpu.memory_space<hbm>>
      %dma_start3A_181 = tpu.memref_slice %arg7[%add3A_171] : memref<819200xi32, #tpu.memory_space<hbm>> -> memref<128xi32, #tpu.memory_space<hbm>>
      tpu.enqueue_dma source(%arg17 : memref<128xi32, #tpu.memory_space<vmem>>) target(%dma_start3A_181 : memref<128xi32, #tpu.memory_space<hbm>>) target_semaphore(%arg24 : memref<!tpu.dma_semaphore, #tpu.memory_space<semaphore_mem>>)
      %mul3A_182 = arith.constant 3 : i32
      %mul3A_183 = arith.muli %scan3A_140, %mul3A_182 : i32
      %add3A_184 = arith.constant 1 : i32
      %add3A_185 = arith.addi %mul3A_183, %add3A_184 : i32
      %min3A_186 = arith.constant 199 : i32
      %min3A_187 = arith.minsi %add3A_185, %min3A_186 : i32
      %mul3A_188 = arith.constant 128 : i32
      %mul3A_189 = arith.muli %min3A_187, %mul3A_188 : i32
      %ge3A_190 = arith.constant 2 : i32
      %ge3A_191 = arith.cmpi sge, %add3A_185, %ge3A_190 : i32
      %convert_element_type3A_192 = arith.extui %ge3A_191 : i1 to i32
      %cond3A_193 = arith.constant 0 : i32
      %cond3A_194 = arith.cmpi ne, %convert_element_type3A_192, %cond3A_193 : i32
      scf.if %cond3A_194 {
        %sub3A = arith.constant 2 : i32
        %sub3A_272 = arith.subi %add3A_185, %sub3A : i32
        %min3A_273 = arith.constant 199 : i32
        %min3A_274 = arith.minsi %sub3A_272, %min3A_273 : i32
        %mul3A_275 = arith.constant 128 : i32
        %mul3A_276 = arith.muli %min3A_274, %mul3A_275 : i32
        %add3A_277 = arith.addi %mul3A_2, %mul3A_276 : i32
        %dma_wait3A_278 = arith.constant 0 : i32
        %dma_wait3A_279 = tpu.memref_slice %arg6[%add3A_277, %dma_wait3A_278] : memref<819200x160xf32, #tpu.memory_space<hbm>> -> memref<128x128xf32, #tpu.memory_space<hbm>>
        %dma_wait3A_280 = arith.constant 0 : i32
        %dma_wait3A_281 = tpu.memref_slice %arg6[%add3A_277, %dma_wait3A_280] : memref<819200x160xf32, #tpu.memory_space<hbm>> -> memref<128x128xf32, #tpu.memory_space<hbm>>
        tpu.wait_dma2 semaphore(%arg26 : memref<!tpu.dma_semaphore, #tpu.memory_space<semaphore_mem>>) src(%arg13 : memref<128x128xf32, #tpu.memory_space<vmem>>) dst(%dma_wait3A_281 : memref<128x128xf32, #tpu.memory_space<hbm>>)
        %dma_wait3A_282 = arith.constant 128 : i32
        %dma_wait3A_283 = tpu.memref_slice %arg6[%add3A_277, %dma_wait3A_282] : memref<819200x160xf32, #tpu.memory_space<hbm>> -> memref<128x32xf32, #tpu.memory_space<hbm>>
        %dma_wait3A_284 = arith.constant 128 : i32
        %dma_wait3A_285 = tpu.memref_slice %arg6[%add3A_277, %dma_wait3A_284] : memref<819200x160xf32, #tpu.memory_space<hbm>> -> memref<128x32xf32, #tpu.memory_space<hbm>>
        tpu.wait_dma2 semaphore(%arg26 : memref<!tpu.dma_semaphore, #tpu.memory_space<semaphore_mem>>) src(%arg16 : memref<128x32xf32, #tpu.memory_space<vmem>>) dst(%dma_wait3A_285 : memref<128x32xf32, #tpu.memory_space<hbm>>)
        %dma_wait3A_286 = tpu.memref_slice %arg7[%add3A_277] : memref<819200xi32, #tpu.memory_space<hbm>> -> memref<128xi32, #tpu.memory_space<hbm>>
        %dma_wait3A_287 = tpu.memref_slice %arg7[%add3A_277] : memref<819200xi32, #tpu.memory_space<hbm>> -> memref<128xi32, #tpu.memory_space<hbm>>
        tpu.wait_dma2 semaphore(%arg26 : memref<!tpu.dma_semaphore, #tpu.memory_space<semaphore_mem>>) src(%arg19 : memref<128xi32, #tpu.memory_space<vmem>>) dst(%dma_wait3A_287 : memref<128xi32, #tpu.memory_space<hbm>>)
      } else {
      }
      %add3A_195 = arith.constant 1 : i32
      %add3A_196 = arith.addi %add3A_185, %add3A_195 : i32
      %le3A_197 = arith.constant 200 : i32
      %le3A_198 = arith.cmpi sle, %add3A_196, %le3A_197 : i32
      %convert_element_type3A_199 = arith.extui %le3A_198 : i1 to i32
      %cond3A_200 = arith.constant 0 : i32
      %cond3A_201 = arith.cmpi ne, %convert_element_type3A_199, %cond3A_200 : i32
      scf.if %cond3A_201 {
        %add3A_272 = arith.constant 1 : i32
        %add3A_273 = arith.addi %add3A_185, %add3A_272 : i32
        %min3A_274 = arith.constant 199 : i32
        %min3A_275 = arith.minsi %add3A_273, %min3A_274 : i32
        %mul3A_276 = arith.constant 128 : i32
        %mul3A_277 = arith.muli %min3A_275, %mul3A_276 : i32
        %dma_start3A_278 = tpu.memref_slice %arg8[%mul3A_277] : memref<25600xi32, #tpu.memory_space<vmem>> -> memref<128xi32, #tpu.memory_space<vmem>>
        %dma_start3A_279 = arith.constant 0 : i32
        %dma_start3A_280 = arith.constant 0 : i32
        %dma_start3A_281 = tpu.memref_slice %arg4[%dma_start3A_279, %dma_start3A_280] : memref<100000x128xf32, #tpu.memory_space<hbm>> -> memref<100000x128xf32, #tpu.memory_space<hbm>>
        tpu.enqueue_indirect_dma source(%dma_start3A_281 : memref<100000x128xf32, #tpu.memory_space<hbm>>) target(%arg13 : memref<128x128xf32, #tpu.memory_space<vmem>>) offsets(%dma_start3A_278 : memref<128xi32, #tpu.memory_space<vmem>>) semaphore(%arg23 : memref<!tpu.dma_semaphore, #tpu.memory_space<semaphore_mem>>)
      } else {
      }
      %scan3A_202 = arith.constant 0 : i32
      %scan3A_203 = arith.constant 0 : i32
      %scan3A_204 = arith.constant 8 : i32
      %scan3A_205 = arith.addi %scan3A_203, %scan3A_204 : i32
      %scan3A_206 = arith.constant 1 : i32
      scf.for %scan3A_272 = %scan3A_203 to %scan3A_205 step %scan3A_206  : i32 {
        %mul3A_273 = arith.constant 16 : i32
        %mul3A_274 = arith.muli %scan3A_272, %mul3A_273 : i32
        %add3A_275 = arith.addi %mul3A_189, %mul3A_274 : i32
        %get3A = arith.index_cast %add3A_275 : i32 to index
        %get3A_276 = tpu.vector_load %arg8[%get3A] {strides = array<i32>} : memref<25600xi32, #tpu.memory_space<vmem>>, vector<16xi32>,
        %ne3A = arith.constant 0 : i32
        %ne3A_277 = vector.broadcast %ne3A : i32 to vector<16xi32>
        %ne3A_278 = arith.cmpi ne, %get3A_276, %ne3A_277 : vector<16xi32>
        %jit3A = arith.constant 1 : i32
        %jit3A_279 = arith.constant 0 : i32
        %broadcast_in_dim3A = vector.broadcast %jit3A : i32 to vector<16xi32>
        %broadcast_in_dim3A_280 = vector.broadcast %jit3A_279 : i32 to vector<16xi32>
        %select_n3A = arith.select %ne3A_278, %broadcast_in_dim3A, %broadcast_in_dim3A_280 : vector<16xi1>, vector<16xi32>
        %mul3A_281 = arith.constant 16 : i32
        %mul3A_282 = arith.muli %scan3A_272, %mul3A_281 : i32
        %swap3A = arith.index_cast %mul3A_282 : i32 to index
        %swap3A_283 = tpu.vector_load %arg18[%swap3A] {strides = array<i32>} : memref<128xi32, #tpu.memory_space<vmem>>, vector<16xi32>,
        tpu.vector_store %arg18[%swap3A], %select_n3A {strides = array<i32>} : memref<128xi32, #tpu.memory_space<vmem>>, vector<16xi32>,
        %mul3A_284 = arith.constant 16 : i32
        %mul3A_285 = arith.muli %scan3A_272, %mul3A_284 : i32
        %add3A_286 = arith.addi %mul3A_189, %mul3A_285 : i32
        %get3A_287 = arith.index_cast %add3A_286 : i32 to index
        %get3A_288 = tpu.vector_load %arg9[%get3A_287] {strides = array<i32>} : memref<25600xi32, #tpu.memory_space<vmem>>, vector<16xi32>,
        %mul3A_289 = arith.constant 32 : i32
        %mul3A_290 = vector.broadcast %mul3A_289 : i32 to vector<16xi32>
        %mul3A_291 = arith.muli %get3A_288, %mul3A_290 : vector<16xi32>
        %mul3A_292 = arith.constant 16 : i32
        %mul3A_293 = arith.muli %scan3A_272, %mul3A_292 : i32
        %add3A_294 = vector.broadcast %mul3A_293 : i32 to vector<16xi32>
        %add3A_295 = arith.addi %iota3A, %add3A_294 : vector<16xi32>
        %broadcast_in_dim3A_296 = arith.constant 0 : i32
        %broadcast_in_dim3A_297 = vector.broadcast %broadcast_in_dim3A_296 : i32 to vector<16xi32>
        %add3A_298 = arith.constant 0 : i32
        %add3A_299 = vector.broadcast %add3A_298 : i32 to vector<16xi32>
        %add3A_300 = arith.addi %mul3A_291, %add3A_299 : vector<16xi32>
        %gather3A = tpu.vector_load_idx %arg10[%add3A_300] : memref<128xf32, #tpu.memory_space<vmem>>[vector<16xi32>], vector<16xf32>,
        tpu.vector_store_idx %arg15[%add3A_295, %broadcast_in_dim3A_297], %gather3A : memref<128x32xf32, #tpu.memory_space<vmem>>[vector<16xi32>, vector<16xi32>], vector<16xf32>,
        %broadcast_in_dim3A_301 = arith.constant 1 : i32
        %broadcast_in_dim3A_302 = vector.broadcast %broadcast_in_dim3A_301 : i32 to vector<16xi32>
        %add3A_303 = arith.constant 1 : i32
        %add3A_304 = vector.broadcast %add3A_303 : i32 to vector<16xi32>
        %add3A_305 = arith.addi %mul3A_291, %add3A_304 : vector<16xi32>
        %gather3A_306 = tpu.vector_load_idx %arg10[%add3A_305] : memref<128xf32, #tpu.memory_space<vmem>>[vector<16xi32>], vector<16xf32>,
        tpu.vector_store_idx %arg15[%add3A_295, %broadcast_in_dim3A_302], %gather3A_306 : memref<128x32xf32, #tpu.memory_space<vmem>>[vector<16xi32>, vector<16xi32>], vector<16xf32>,
        %broadcast_in_dim3A_307 = arith.constant 2 : i32
        %broadcast_in_dim3A_308 = vector.broadcast %broadcast_in_dim3A_307 : i32 to vector<16xi32>
        %add3A_309 = arith.constant 2 : i32
        %add3A_310 = vector.broadcast %add3A_309 : i32 to vector<16xi32>
        %add3A_311 = arith.addi %mul3A_291, %add3A_310 : vector<16xi32>
        %gather3A_312 = tpu.vector_load_idx %arg10[%add3A_311] : memref<128xf32, #tpu.memory_space<vmem>>[vector<16xi32>], vector<16xf32>,
        tpu.vector_store_idx %arg15[%add3A_295, %broadcast_in_dim3A_308], %gather3A_312 : memref<128x32xf32, #tpu.memory_space<vmem>>[vector<16xi32>, vector<16xi32>], vector<16xf32>,
        %broadcast_in_dim3A_313 = arith.constant 3 : i32
        %broadcast_in_dim3A_314 = vector.broadcast %broadcast_in_dim3A_313 : i32 to vector<16xi32>
        %add3A_315 = arith.constant 3 : i32
        %add3A_316 = vector.broadcast %add3A_315 : i32 to vector<16xi32>
        %add3A_317 = arith.addi %mul3A_291, %add3A_316 : vector<16xi32>
        %gather3A_318 = tpu.vector_load_idx %arg10[%add3A_317] : memref<128xf32, #tpu.memory_space<vmem>>[vector<16xi32>], vector<16xf32>,
        tpu.vector_store_idx %arg15[%add3A_295, %broadcast_in_dim3A_314], %gather3A_318 : memref<128x32xf32, #tpu.memory_space<vmem>>[vector<16xi32>, vector<16xi32>], vector<16xf32>,
        %broadcast_in_dim3A_319 = arith.constant 4 : i32
        %broadcast_in_dim3A_320 = vector.broadcast %broadcast_in_dim3A_319 : i32 to vector<16xi32>
        %add3A_321 = arith.constant 4 : i32
        %add3A_322 = vector.broadcast %add3A_321 : i32 to vector<16xi32>
        %add3A_323 = arith.addi %mul3A_291, %add3A_322 : vector<16xi32>
        %gather3A_324 = tpu.vector_load_idx %arg10[%add3A_323] : memref<128xf32, #tpu.memory_space<vmem>>[vector<16xi32>], vector<16xf32>,
        tpu.vector_store_idx %arg15[%add3A_295, %broadcast_in_dim3A_320], %gather3A_324 : memref<128x32xf32, #tpu.memory_space<vmem>>[vector<16xi32>, vector<16xi32>], vector<16xf32>,
        %broadcast_in_dim3A_325 = arith.constant 5 : i32
        %broadcast_in_dim3A_326 = vector.broadcast %broadcast_in_dim3A_325 : i32 to vector<16xi32>
        %add3A_327 = arith.constant 5 : i32
        %add3A_328 = vector.broadcast %add3A_327 : i32 to vector<16xi32>
        %add3A_329 = arith.addi %mul3A_291, %add3A_328 : vector<16xi32>
        %gather3A_330 = tpu.vector_load_idx %arg10[%add3A_329] : memref<128xf32, #tpu.memory_space<vmem>>[vector<16xi32>], vector<16xf32>,
        tpu.vector_store_idx %arg15[%add3A_295, %broadcast_in_dim3A_326], %gather3A_330 : memref<128x32xf32, #tpu.memory_space<vmem>>[vector<16xi32>, vector<16xi32>], vector<16xf32>,
        %broadcast_in_dim3A_331 = arith.constant 6 : i32
        %broadcast_in_dim3A_332 = vector.broadcast %broadcast_in_dim3A_331 : i32 to vector<16xi32>
        %add3A_333 = arith.constant 6 : i32
        %add3A_334 = vector.broadcast %add3A_333 : i32 to vector<16xi32>
        %add3A_335 = arith.addi %mul3A_291, %add3A_334 : vector<16xi32>
        %gather3A_336 = tpu.vector_load_idx %arg10[%add3A_335] : memref<128xf32, #tpu.memory_space<vmem>>[vector<16xi32>], vector<16xf32>,
        tpu.vector_store_idx %arg15[%add3A_295, %broadcast_in_dim3A_332], %gather3A_336 : memref<128x32xf32, #tpu.memory_space<vmem>>[vector<16xi32>, vector<16xi32>], vector<16xf32>,
        %broadcast_in_dim3A_337 = arith.constant 7 : i32
        %broadcast_in_dim3A_338 = vector.broadcast %broadcast_in_dim3A_337 : i32 to vector<16xi32>
        %add3A_339 = arith.constant 7 : i32
        %add3A_340 = vector.broadcast %add3A_339 : i32 to vector<16xi32>
        %add3A_341 = arith.addi %mul3A_291, %add3A_340 : vector<16xi32>
        %gather3A_342 = tpu.vector_load_idx %arg10[%add3A_341] : memref<128xf32, #tpu.memory_space<vmem>>[vector<16xi32>], vector<16xf32>,
        tpu.vector_store_idx %arg15[%add3A_295, %broadcast_in_dim3A_338], %gather3A_342 : memref<128x32xf32, #tpu.memory_space<vmem>>[vector<16xi32>, vector<16xi32>], vector<16xf32>,
        %broadcast_in_dim3A_343 = arith.constant 8 : i32
        %broadcast_in_dim3A_344 = vector.broadcast %broadcast_in_dim3A_343 : i32 to vector<16xi32>
        %add3A_345 = arith.constant 8 : i32
        %add3A_346 = vector.broadcast %add3A_345 : i32 to vector<16xi32>
        %add3A_347 = arith.addi %mul3A_291, %add3A_346 : vector<16xi32>
        %gather3A_348 = tpu.vector_load_idx %arg10[%add3A_347] : memref<128xf32, #tpu.memory_space<vmem>>[vector<16xi32>], vector<16xf32>,
        tpu.vector_store_idx %arg15[%add3A_295, %broadcast_in_dim3A_344], %gather3A_348 : memref<128x32xf32, #tpu.memory_space<vmem>>[vector<16xi32>, vector<16xi32>], vector<16xf32>,
        %broadcast_in_dim3A_349 = arith.constant 9 : i32
        %broadcast_in_dim3A_350 = vector.broadcast %broadcast_in_dim3A_349 : i32 to vector<16xi32>
        %add3A_351 = arith.constant 9 : i32
        %add3A_352 = vector.broadcast %add3A_351 : i32 to vector<16xi32>
        %add3A_353 = arith.addi %mul3A_291, %add3A_352 : vector<16xi32>
        %gather3A_354 = tpu.vector_load_idx %arg10[%add3A_353] : memref<128xf32, #tpu.memory_space<vmem>>[vector<16xi32>], vector<16xf32>,
        tpu.vector_store_idx %arg15[%add3A_295, %broadcast_in_dim3A_350], %gather3A_354 : memref<128x32xf32, #tpu.memory_space<vmem>>[vector<16xi32>, vector<16xi32>], vector<16xf32>,
        %broadcast_in_dim3A_355 = arith.constant 10 : i32
        %broadcast_in_dim3A_356 = vector.broadcast %broadcast_in_dim3A_355 : i32 to vector<16xi32>
        %add3A_357 = arith.constant 10 : i32
        %add3A_358 = vector.broadcast %add3A_357 : i32 to vector<16xi32>
        %add3A_359 = arith.addi %mul3A_291, %add3A_358 : vector<16xi32>
        %gather3A_360 = tpu.vector_load_idx %arg10[%add3A_359] : memref<128xf32, #tpu.memory_space<vmem>>[vector<16xi32>], vector<16xf32>,
        tpu.vector_store_idx %arg15[%add3A_295, %broadcast_in_dim3A_356], %gather3A_360 : memref<128x32xf32, #tpu.memory_space<vmem>>[vector<16xi32>, vector<16xi32>], vector<16xf32>,
        %broadcast_in_dim3A_361 = arith.constant 11 : i32
        %broadcast_in_dim3A_362 = vector.broadcast %broadcast_in_dim3A_361 : i32 to vector<16xi32>
        %add3A_363 = arith.constant 11 : i32
        %add3A_364 = vector.broadcast %add3A_363 : i32 to vector<16xi32>
        %add3A_365 = arith.addi %mul3A_291, %add3A_364 : vector<16xi32>
        %gather3A_366 = tpu.vector_load_idx %arg10[%add3A_365] : memref<128xf32, #tpu.memory_space<vmem>>[vector<16xi32>], vector<16xf32>,
        tpu.vector_store_idx %arg15[%add3A_295, %broadcast_in_dim3A_362], %gather3A_366 : memref<128x32xf32, #tpu.memory_space<vmem>>[vector<16xi32>, vector<16xi32>], vector<16xf32>,
        %broadcast_in_dim3A_367 = arith.constant 12 : i32
        %broadcast_in_dim3A_368 = vector.broadcast %broadcast_in_dim3A_367 : i32 to vector<16xi32>
        %add3A_369 = arith.constant 12 : i32
        %add3A_370 = vector.broadcast %add3A_369 : i32 to vector<16xi32>
        %add3A_371 = arith.addi %mul3A_291, %add3A_370 : vector<16xi32>
        %gather3A_372 = tpu.vector_load_idx %arg10[%add3A_371] : memref<128xf32, #tpu.memory_space<vmem>>[vector<16xi32>], vector<16xf32>,
        tpu.vector_store_idx %arg15[%add3A_295, %broadcast_in_dim3A_368], %gather3A_372 : memref<128x32xf32, #tpu.memory_space<vmem>>[vector<16xi32>, vector<16xi32>], vector<16xf32>,
        %broadcast_in_dim3A_373 = arith.constant 13 : i32
        %broadcast_in_dim3A_374 = vector.broadcast %broadcast_in_dim3A_373 : i32 to vector<16xi32>
        %add3A_375 = arith.constant 13 : i32
        %add3A_376 = vector.broadcast %add3A_375 : i32 to vector<16xi32>
        %add3A_377 = arith.addi %mul3A_291, %add3A_376 : vector<16xi32>
        %gather3A_378 = tpu.vector_load_idx %arg10[%add3A_377] : memref<128xf32, #tpu.memory_space<vmem>>[vector<16xi32>], vector<16xf32>,
        tpu.vector_store_idx %arg15[%add3A_295, %broadcast_in_dim3A_374], %gather3A_378 : memref<128x32xf32, #tpu.memory_space<vmem>>[vector<16xi32>, vector<16xi32>], vector<16xf32>,
        %broadcast_in_dim3A_379 = arith.constant 14 : i32
        %broadcast_in_dim3A_380 = vector.broadcast %broadcast_in_dim3A_379 : i32 to vector<16xi32>
        %add3A_381 = arith.constant 14 : i32
        %add3A_382 = vector.broadcast %add3A_381 : i32 to vector<16xi32>
        %add3A_383 = arith.addi %mul3A_291, %add3A_382 : vector<16xi32>
        %gather3A_384 = tpu.vector_load_idx %arg10[%add3A_383] : memref<128xf32, #tpu.memory_space<vmem>>[vector<16xi32>], vector<16xf32>,
        tpu.vector_store_idx %arg15[%add3A_295, %broadcast_in_dim3A_380], %gather3A_384 : memref<128x32xf32, #tpu.memory_space<vmem>>[vector<16xi32>, vector<16xi32>], vector<16xf32>,
        %broadcast_in_dim3A_385 = arith.constant 15 : i32
        %broadcast_in_dim3A_386 = vector.broadcast %broadcast_in_dim3A_385 : i32 to vector<16xi32>
        %add3A_387 = arith.constant 15 : i32
        %add3A_388 = vector.broadcast %add3A_387 : i32 to vector<16xi32>
        %add3A_389 = arith.addi %mul3A_291, %add3A_388 : vector<16xi32>
        %gather3A_390 = tpu.vector_load_idx %arg10[%add3A_389] : memref<128xf32, #tpu.memory_space<vmem>>[vector<16xi32>], vector<16xf32>,
        tpu.vector_store_idx %arg15[%add3A_295, %broadcast_in_dim3A_386], %gather3A_390 : memref<128x32xf32, #tpu.memory_space<vmem>>[vector<16xi32>, vector<16xi32>], vector<16xf32>,
        %broadcast_in_dim3A_391 = arith.constant 16 : i32
        %broadcast_in_dim3A_392 = vector.broadcast %broadcast_in_dim3A_391 : i32 to vector<16xi32>
        %add3A_393 = arith.constant 16 : i32
        %add3A_394 = vector.broadcast %add3A_393 : i32 to vector<16xi32>
        %add3A_395 = arith.addi %mul3A_291, %add3A_394 : vector<16xi32>
        %gather3A_396 = tpu.vector_load_idx %arg10[%add3A_395] : memref<128xf32, #tpu.memory_space<vmem>>[vector<16xi32>], vector<16xf32>,
        tpu.vector_store_idx %arg15[%add3A_295, %broadcast_in_dim3A_392], %gather3A_396 : memref<128x32xf32, #tpu.memory_space<vmem>>[vector<16xi32>, vector<16xi32>], vector<16xf32>,
        %broadcast_in_dim3A_397 = arith.constant 17 : i32
        %broadcast_in_dim3A_398 = vector.broadcast %broadcast_in_dim3A_397 : i32 to vector<16xi32>
        %add3A_399 = arith.constant 17 : i32
        %add3A_400 = vector.broadcast %add3A_399 : i32 to vector<16xi32>
        %add3A_401 = arith.addi %mul3A_291, %add3A_400 : vector<16xi32>
        %gather3A_402 = tpu.vector_load_idx %arg10[%add3A_401] : memref<128xf32, #tpu.memory_space<vmem>>[vector<16xi32>], vector<16xf32>,
        tpu.vector_store_idx %arg15[%add3A_295, %broadcast_in_dim3A_398], %gather3A_402 : memref<128x32xf32, #tpu.memory_space<vmem>>[vector<16xi32>, vector<16xi32>], vector<16xf32>,
        %broadcast_in_dim3A_403 = arith.constant 18 : i32
        %broadcast_in_dim3A_404 = vector.broadcast %broadcast_in_dim3A_403 : i32 to vector<16xi32>
        %add3A_405 = arith.constant 18 : i32
        %add3A_406 = vector.broadcast %add3A_405 : i32 to vector<16xi32>
        %add3A_407 = arith.addi %mul3A_291, %add3A_406 : vector<16xi32>
        %gather3A_408 = tpu.vector_load_idx %arg10[%add3A_407] : memref<128xf32, #tpu.memory_space<vmem>>[vector<16xi32>], vector<16xf32>,
        tpu.vector_store_idx %arg15[%add3A_295, %broadcast_in_dim3A_404], %gather3A_408 : memref<128x32xf32, #tpu.memory_space<vmem>>[vector<16xi32>, vector<16xi32>], vector<16xf32>,
        %broadcast_in_dim3A_409 = arith.constant 19 : i32
        %broadcast_in_dim3A_410 = vector.broadcast %broadcast_in_dim3A_409 : i32 to vector<16xi32>
        %add3A_411 = arith.constant 19 : i32
        %add3A_412 = vector.broadcast %add3A_411 : i32 to vector<16xi32>
        %add3A_413 = arith.addi %mul3A_291, %add3A_412 : vector<16xi32>
        %gather3A_414 = tpu.vector_load_idx %arg10[%add3A_413] : memref<128xf32, #tpu.memory_space<vmem>>[vector<16xi32>], vector<16xf32>,
        tpu.vector_store_idx %arg15[%add3A_295, %broadcast_in_dim3A_410], %gather3A_414 : memref<128x32xf32, #tpu.memory_space<vmem>>[vector<16xi32>, vector<16xi32>], vector<16xf32>,
        %broadcast_in_dim3A_415 = arith.constant 20 : i32
        %broadcast_in_dim3A_416 = vector.broadcast %broadcast_in_dim3A_415 : i32 to vector<16xi32>
        %add3A_417 = arith.constant 20 : i32
        %add3A_418 = vector.broadcast %add3A_417 : i32 to vector<16xi32>
        %add3A_419 = arith.addi %mul3A_291, %add3A_418 : vector<16xi32>
        %gather3A_420 = tpu.vector_load_idx %arg10[%add3A_419] : memref<128xf32, #tpu.memory_space<vmem>>[vector<16xi32>], vector<16xf32>,
        tpu.vector_store_idx %arg15[%add3A_295, %broadcast_in_dim3A_416], %gather3A_420 : memref<128x32xf32, #tpu.memory_space<vmem>>[vector<16xi32>, vector<16xi32>], vector<16xf32>,
        %broadcast_in_dim3A_421 = arith.constant 21 : i32
        %broadcast_in_dim3A_422 = vector.broadcast %broadcast_in_dim3A_421 : i32 to vector<16xi32>
        %add3A_423 = arith.constant 21 : i32
        %add3A_424 = vector.broadcast %add3A_423 : i32 to vector<16xi32>
        %add3A_425 = arith.addi %mul3A_291, %add3A_424 : vector<16xi32>
        %gather3A_426 = tpu.vector_load_idx %arg10[%add3A_425] : memref<128xf32, #tpu.memory_space<vmem>>[vector<16xi32>], vector<16xf32>,
        tpu.vector_store_idx %arg15[%add3A_295, %broadcast_in_dim3A_422], %gather3A_426 : memref<128x32xf32, #tpu.memory_space<vmem>>[vector<16xi32>, vector<16xi32>], vector<16xf32>,
        %broadcast_in_dim3A_427 = arith.constant 22 : i32
        %broadcast_in_dim3A_428 = vector.broadcast %broadcast_in_dim3A_427 : i32 to vector<16xi32>
        %add3A_429 = arith.constant 22 : i32
        %add3A_430 = vector.broadcast %add3A_429 : i32 to vector<16xi32>
        %add3A_431 = arith.addi %mul3A_291, %add3A_430 : vector<16xi32>
        %gather3A_432 = tpu.vector_load_idx %arg10[%add3A_431] : memref<128xf32, #tpu.memory_space<vmem>>[vector<16xi32>], vector<16xf32>,
        tpu.vector_store_idx %arg15[%add3A_295, %broadcast_in_dim3A_428], %gather3A_432 : memref<128x32xf32, #tpu.memory_space<vmem>>[vector<16xi32>, vector<16xi32>], vector<16xf32>,
        %broadcast_in_dim3A_433 = arith.constant 23 : i32
        %broadcast_in_dim3A_434 = vector.broadcast %broadcast_in_dim3A_433 : i32 to vector<16xi32>
        %add3A_435 = arith.constant 23 : i32
        %add3A_436 = vector.broadcast %add3A_435 : i32 to vector<16xi32>
        %add3A_437 = arith.addi %mul3A_291, %add3A_436 : vector<16xi32>
        %gather3A_438 = tpu.vector_load_idx %arg10[%add3A_437] : memref<128xf32, #tpu.memory_space<vmem>>[vector<16xi32>], vector<16xf32>,
        tpu.vector_store_idx %arg15[%add3A_295, %broadcast_in_dim3A_434], %gather3A_438 : memref<128x32xf32, #tpu.memory_space<vmem>>[vector<16xi32>, vector<16xi32>], vector<16xf32>,
        %broadcast_in_dim3A_439 = arith.constant 24 : i32
        %broadcast_in_dim3A_440 = vector.broadcast %broadcast_in_dim3A_439 : i32 to vector<16xi32>
        %add3A_441 = arith.constant 24 : i32
        %add3A_442 = vector.broadcast %add3A_441 : i32 to vector<16xi32>
        %add3A_443 = arith.addi %mul3A_291, %add3A_442 : vector<16xi32>
        %gather3A_444 = tpu.vector_load_idx %arg10[%add3A_443] : memref<128xf32, #tpu.memory_space<vmem>>[vector<16xi32>], vector<16xf32>,
        tpu.vector_store_idx %arg15[%add3A_295, %broadcast_in_dim3A_440], %gather3A_444 : memref<128x32xf32, #tpu.memory_space<vmem>>[vector<16xi32>, vector<16xi32>], vector<16xf32>,
        %broadcast_in_dim3A_445 = arith.constant 25 : i32
        %broadcast_in_dim3A_446 = vector.broadcast %broadcast_in_dim3A_445 : i32 to vector<16xi32>
        %add3A_447 = arith.constant 25 : i32
        %add3A_448 = vector.broadcast %add3A_447 : i32 to vector<16xi32>
        %add3A_449 = arith.addi %mul3A_291, %add3A_448 : vector<16xi32>
        %gather3A_450 = tpu.vector_load_idx %arg10[%add3A_449] : memref<128xf32, #tpu.memory_space<vmem>>[vector<16xi32>], vector<16xf32>,
        tpu.vector_store_idx %arg15[%add3A_295, %broadcast_in_dim3A_446], %gather3A_450 : memref<128x32xf32, #tpu.memory_space<vmem>>[vector<16xi32>, vector<16xi32>], vector<16xf32>,
        %broadcast_in_dim3A_451 = arith.constant 26 : i32
        %broadcast_in_dim3A_452 = vector.broadcast %broadcast_in_dim3A_451 : i32 to vector<16xi32>
        %add3A_453 = arith.constant 26 : i32
        %add3A_454 = vector.broadcast %add3A_453 : i32 to vector<16xi32>
        %add3A_455 = arith.addi %mul3A_291, %add3A_454 : vector<16xi32>
        %gather3A_456 = tpu.vector_load_idx %arg10[%add3A_455] : memref<128xf32, #tpu.memory_space<vmem>>[vector<16xi32>], vector<16xf32>,
        tpu.vector_store_idx %arg15[%add3A_295, %broadcast_in_dim3A_452], %gather3A_456 : memref<128x32xf32, #tpu.memory_space<vmem>>[vector<16xi32>, vector<16xi32>], vector<16xf32>,
        %broadcast_in_dim3A_457 = arith.constant 27 : i32
        %broadcast_in_dim3A_458 = vector.broadcast %broadcast_in_dim3A_457 : i32 to vector<16xi32>
        %add3A_459 = arith.constant 27 : i32
        %add3A_460 = vector.broadcast %add3A_459 : i32 to vector<16xi32>
        %add3A_461 = arith.addi %mul3A_291, %add3A_460 : vector<16xi32>
        %gather3A_462 = tpu.vector_load_idx %arg10[%add3A_461] : memref<128xf32, #tpu.memory_space<vmem>>[vector<16xi32>], vector<16xf32>,
        tpu.vector_store_idx %arg15[%add3A_295, %broadcast_in_dim3A_458], %gather3A_462 : memref<128x32xf32, #tpu.memory_space<vmem>>[vector<16xi32>, vector<16xi32>], vector<16xf32>,
        %broadcast_in_dim3A_463 = arith.constant 28 : i32
        %broadcast_in_dim3A_464 = vector.broadcast %broadcast_in_dim3A_463 : i32 to vector<16xi32>
        %add3A_465 = arith.constant 28 : i32
        %add3A_466 = vector.broadcast %add3A_465 : i32 to vector<16xi32>
        %add3A_467 = arith.addi %mul3A_291, %add3A_466 : vector<16xi32>
        %gather3A_468 = tpu.vector_load_idx %arg10[%add3A_467] : memref<128xf32, #tpu.memory_space<vmem>>[vector<16xi32>], vector<16xf32>,
        tpu.vector_store_idx %arg15[%add3A_295, %broadcast_in_dim3A_464], %gather3A_468 : memref<128x32xf32, #tpu.memory_space<vmem>>[vector<16xi32>, vector<16xi32>], vector<16xf32>,
        %broadcast_in_dim3A_469 = arith.constant 29 : i32
        %broadcast_in_dim3A_470 = vector.broadcast %broadcast_in_dim3A_469 : i32 to vector<16xi32>
        %add3A_471 = arith.constant 29 : i32
        %add3A_472 = vector.broadcast %add3A_471 : i32 to vector<16xi32>
        %add3A_473 = arith.addi %mul3A_291, %add3A_472 : vector<16xi32>
        %gather3A_474 = tpu.vector_load_idx %arg10[%add3A_473] : memref<128xf32, #tpu.memory_space<vmem>>[vector<16xi32>], vector<16xf32>,
        tpu.vector_store_idx %arg15[%add3A_295, %broadcast_in_dim3A_470], %gather3A_474 : memref<128x32xf32, #tpu.memory_space<vmem>>[vector<16xi32>, vector<16xi32>], vector<16xf32>,
        %broadcast_in_dim3A_475 = arith.constant 30 : i32
        %broadcast_in_dim3A_476 = vector.broadcast %broadcast_in_dim3A_475 : i32 to vector<16xi32>
        %add3A_477 = arith.constant 30 : i32
        %add3A_478 = vector.broadcast %add3A_477 : i32 to vector<16xi32>
        %add3A_479 = arith.addi %mul3A_291, %add3A_478 : vector<16xi32>
        %gather3A_480 = tpu.vector_load_idx %arg10[%add3A_479] : memref<128xf32, #tpu.memory_space<vmem>>[vector<16xi32>], vector<16xf32>,
        tpu.vector_store_idx %arg15[%add3A_295, %broadcast_in_dim3A_476], %gather3A_480 : memref<128x32xf32, #tpu.memory_space<vmem>>[vector<16xi32>, vector<16xi32>], vector<16xf32>,
        %broadcast_in_dim3A_481 = arith.constant 31 : i32
        %broadcast_in_dim3A_482 = vector.broadcast %broadcast_in_dim3A_481 : i32 to vector<16xi32>
        %add3A_483 = arith.constant 31 : i32
        %add3A_484 = vector.broadcast %add3A_483 : i32 to vector<16xi32>
        %add3A_485 = arith.addi %mul3A_291, %add3A_484 : vector<16xi32>
        %gather3A_486 = tpu.vector_load_idx %arg10[%add3A_485] : memref<128xf32, #tpu.memory_space<vmem>>[vector<16xi32>], vector<16xf32>,
        tpu.vector_store_idx %arg15[%add3A_295, %broadcast_in_dim3A_482], %gather3A_486 : memref<128x32xf32, #tpu.memory_space<vmem>>[vector<16xi32>, vector<16xi32>], vector<16xf32>,
      }
      %scan3A_207 = arith.constant 8 : i32
      %mul3A_208 = arith.constant 128 : i32
      %mul3A_209 = arith.muli %min3A_187, %mul3A_208 : i32
      %dma_wait3A_210 = tpu.memref_slice %arg8[%mul3A_209] : memref<25600xi32, #tpu.memory_space<vmem>> -> memref<128xi32, #tpu.memory_space<vmem>>
      %dma_wait3A_211 = arith.constant 0 : i32
      %dma_wait3A_212 = arith.constant 0 : i32
      %dma_wait3A_213 = tpu.memref_slice %arg4[%dma_wait3A_211, %dma_wait3A_212] : memref<100000x128xf32, #tpu.memory_space<hbm>> -> memref<100000x128xf32, #tpu.memory_space<hbm>>
      tpu.wait_indirect_dma semaphore(%arg22 : memref<!tpu.dma_semaphore, #tpu.memory_space<semaphore_mem>>) src(%dma_wait3A_213 : memref<100000x128xf32, #tpu.memory_space<hbm>>) dst(%arg12 : memref<128x128xf32, #tpu.memory_space<vmem>>)
      %mul3A_214 = arith.constant 128 : i32
      %mul3A_215 = arith.muli %min3A_187, %mul3A_214 : i32
      %add3A_216 = arith.addi %mul3A_2, %mul3A_215 : i32
      %dma_start3A_217 = arith.constant 0 : i32
      %dma_start3A_218 = tpu.memref_slice %arg6[%add3A_216, %dma_start3A_217] : memref<819200x160xf32, #tpu.memory_space<hbm>> -> memref<128x128xf32, #tpu.memory_space<hbm>>
      %dma_start3A_219 = arith.constant 0 : i32
      %dma_start3A_220 = tpu.memref_slice %arg6[%add3A_216, %dma_start3A_219] : memref<819200x160xf32, #tpu.memory_space<hbm>> -> memref<128x128xf32, #tpu.memory_space<hbm>>
      tpu.enqueue_dma source(%arg12 : memref<128x128xf32, #tpu.memory_space<vmem>>) target(%dma_start3A_220 : memref<128x128xf32, #tpu.memory_space<hbm>>) target_semaphore(%arg25 : memref<!tpu.dma_semaphore, #tpu.memory_space<semaphore_mem>>)
      %dma_start3A_221 = arith.constant 128 : i32
      %dma_start3A_222 = tpu.memref_slice %arg6[%add3A_216, %dma_start3A_221] : memref<819200x160xf32, #tpu.memory_space<hbm>> -> memref<128x32xf32, #tpu.memory_space<hbm>>
      %dma_start3A_223 = arith.constant 128 : i32
      %dma_start3A_224 = tpu.memref_slice %arg6[%add3A_216, %dma_start3A_223] : memref<819200x160xf32, #tpu.memory_space<hbm>> -> memref<128x32xf32, #tpu.memory_space<hbm>>
      tpu.enqueue_dma source(%arg15 : memref<128x32xf32, #tpu.memory_space<vmem>>) target(%dma_start3A_224 : memref<128x32xf32, #tpu.memory_space<hbm>>) target_semaphore(%arg25 : memref<!tpu.dma_semaphore, #tpu.memory_space<semaphore_mem>>)
      %dma_start3A_225 = tpu.memref_slice %arg7[%add3A_216] : memref<819200xi32, #tpu.memory_space<hbm>> -> memref<128xi32, #tpu.memory_space<hbm>>
      %dma_start3A_226 = tpu.memref_slice %arg7[%add3A_216] : memref<819200xi32, #tpu.memory_space<hbm>> -> memref<128xi32, #tpu.memory_space<hbm>>
      tpu.enqueue_dma source(%arg18 : memref<128xi32, #tpu.memory_space<vmem>>) target(%dma_start3A_226 : memref<128xi32, #tpu.memory_space<hbm>>) target_semaphore(%arg25 : memref<!tpu.dma_semaphore, #tpu.memory_space<semaphore_mem>>)
      %mul3A_227 = arith.constant 3 : i32
      %mul3A_228 = arith.muli %scan3A_140, %mul3A_227 : i32
      %add3A_229 = arith.constant 2 : i32
      %add3A_230 = arith.addi %mul3A_228, %add3A_229 : i32
      %min3A_231 = arith.constant 199 : i32
      %min3A_232 = arith.minsi %add3A_230, %min3A_231 : i32
      %mul3A_233 = arith.constant 128 : i32
      %mul3A_234 = arith.muli %min3A_232, %mul3A_233 : i32
      %ge3A_235 = arith.constant 2 : i32
      %ge3A_236 = arith.cmpi sge, %add3A_230, %ge3A_235 : i32
      %convert_element_type3A_237 = arith.extui %ge3A_236 : i1 to i32
      %cond3A_238 = arith.constant 0 : i32
      %cond3A_239 = arith.cmpi ne, %convert_element_type3A_237, %cond3A_238 : i32
      scf.if %cond3A_239 {
        %sub3A = arith.constant 2 : i32
        %sub3A_272 = arith.subi %add3A_230, %sub3A : i32
        %min3A_273 = arith.constant 199 : i32
        %min3A_274 = arith.minsi %sub3A_272, %min3A_273 : i32
        %mul3A_275 = arith.constant 128 : i32
        %mul3A_276 = arith.muli %min3A_274, %mul3A_275 : i32
        %add3A_277 = arith.addi %mul3A_2, %mul3A_276 : i32
        %dma_wait3A_278 = arith.constant 0 : i32
        %dma_wait3A_279 = tpu.memref_slice %arg6[%add3A_277, %dma_wait3A_278] : memref<819200x160xf32, #tpu.memory_space<hbm>> -> memref<128x128xf32, #tpu.memory_space<hbm>>
        %dma_wait3A_280 = arith.constant 0 : i32
        %dma_wait3A_281 = tpu.memref_slice %arg6[%add3A_277, %dma_wait3A_280] : memref<819200x160xf32, #tpu.memory_space<hbm>> -> memref<128x128xf32, #tpu.memory_space<hbm>>
        tpu.wait_dma2 semaphore(%arg24 : memref<!tpu.dma_semaphore, #tpu.memory_space<semaphore_mem>>) src(%arg11 : memref<128x128xf32, #tpu.memory_space<vmem>>) dst(%dma_wait3A_281 : memref<128x128xf32, #tpu.memory_space<hbm>>)
        %dma_wait3A_282 = arith.constant 128 : i32
        %dma_wait3A_283 = tpu.memref_slice %arg6[%add3A_277, %dma_wait3A_282] : memref<819200x160xf32, #tpu.memory_space<hbm>> -> memref<128x32xf32, #tpu.memory_space<hbm>>
        %dma_wait3A_284 = arith.constant 128 : i32
        %dma_wait3A_285 = tpu.memref_slice %arg6[%add3A_277, %dma_wait3A_284] : memref<819200x160xf32, #tpu.memory_space<hbm>> -> memref<128x32xf32, #tpu.memory_space<hbm>>
        tpu.wait_dma2 semaphore(%arg24 : memref<!tpu.dma_semaphore, #tpu.memory_space<semaphore_mem>>) src(%arg14 : memref<128x32xf32, #tpu.memory_space<vmem>>) dst(%dma_wait3A_285 : memref<128x32xf32, #tpu.memory_space<hbm>>)
        %dma_wait3A_286 = tpu.memref_slice %arg7[%add3A_277] : memref<819200xi32, #tpu.memory_space<hbm>> -> memref<128xi32, #tpu.memory_space<hbm>>
        %dma_wait3A_287 = tpu.memref_slice %arg7[%add3A_277] : memref<819200xi32, #tpu.memory_space<hbm>> -> memref<128xi32, #tpu.memory_space<hbm>>
        tpu.wait_dma2 semaphore(%arg24 : memref<!tpu.dma_semaphore, #tpu.memory_space<semaphore_mem>>) src(%arg17 : memref<128xi32, #tpu.memory_space<vmem>>) dst(%dma_wait3A_287 : memref<128xi32, #tpu.memory_space<hbm>>)
      } else {
      }
      %add3A_240 = arith.constant 1 : i32
      %add3A_241 = arith.addi %add3A_230, %add3A_240 : i32
      %le3A_242 = arith.constant 200 : i32
      %le3A_243 = arith.cmpi sle, %add3A_241, %le3A_242 : i32
      %convert_element_type3A_244 = arith.extui %le3A_243 : i1 to i32
      %cond3A_245 = arith.constant 0 : i32
      %cond3A_246 = arith.cmpi ne, %convert_element_type3A_244, %cond3A_245 : i32
      scf.if %cond3A_246 {
        %add3A_272 = arith.constant 1 : i32
        %add3A_273 = arith.addi %add3A_230, %add3A_272 : i32
        %min3A_274 = arith.constant 199 : i32
        %min3A_275 = arith.minsi %add3A_273, %min3A_274 : i32
        %mul3A_276 = arith.constant 128 : i32
        %mul3A_277 = arith.muli %min3A_275, %mul3A_276 : i32
        %dma_start3A_278 = tpu.memref_slice %arg8[%mul3A_277] : memref<25600xi32, #tpu.memory_space<vmem>> -> memref<128xi32, #tpu.memory_space<vmem>>
        %dma_start3A_279 = arith.constant 0 : i32
        %dma_start3A_280 = arith.constant 0 : i32
        %dma_start3A_281 = tpu.memref_slice %arg4[%dma_start3A_279, %dma_start3A_280] : memref<100000x128xf32, #tpu.memory_space<hbm>> -> memref<100000x128xf32, #tpu.memory_space<hbm>>
        tpu.enqueue_indirect_dma source(%dma_start3A_281 : memref<100000x128xf32, #tpu.memory_space<hbm>>) target(%arg11 : memref<128x128xf32, #tpu.memory_space<vmem>>) offsets(%dma_start3A_278 : memref<128xi32, #tpu.memory_space<vmem>>) semaphore(%arg21 : memref<!tpu.dma_semaphore, #tpu.memory_space<semaphore_mem>>)
      } else {
      }
      %scan3A_247 = arith.constant 0 : i32
      %scan3A_248 = arith.constant 0 : i32
      %scan3A_249 = arith.constant 8 : i32
      %scan3A_250 = arith.addi %scan3A_248, %scan3A_249 : i32
      %scan3A_251 = arith.constant 1 : i32
      scf.for %scan3A_272 = %scan3A_248 to %scan3A_250 step %scan3A_251  : i32 {
        %mul3A_273 = arith.constant 16 : i32
        %mul3A_274 = arith.muli %scan3A_272, %mul3A_273 : i32
        %add3A_275 = arith.addi %mul3A_234, %mul3A_274 : i32
        %get3A = arith.index_cast %add3A_275 : i32 to index
        %get3A_276 = tpu.vector_load %arg8[%get3A] {strides = array<i32>} : memref<25600xi32, #tpu.memory_space<vmem>>, vector<16xi32>,
        %ne3A = arith.constant 0 : i32
        %ne3A_277 = vector.broadcast %ne3A : i32 to vector<16xi32>
        %ne3A_278 = arith.cmpi ne, %get3A_276, %ne3A_277 : vector<16xi32>
        %jit3A = arith.constant 1 : i32
        %jit3A_279 = arith.constant 0 : i32
        %broadcast_in_dim3A = vector.broadcast %jit3A : i32 to vector<16xi32>
        %broadcast_in_dim3A_280 = vector.broadcast %jit3A_279 : i32 to vector<16xi32>
        %select_n3A = arith.select %ne3A_278, %broadcast_in_dim3A, %broadcast_in_dim3A_280 : vector<16xi1>, vector<16xi32>
        %mul3A_281 = arith.constant 16 : i32
        %mul3A_282 = arith.muli %scan3A_272, %mul3A_281 : i32
        %swap3A = arith.index_cast %mul3A_282 : i32 to index
        %swap3A_283 = tpu.vector_load %arg19[%swap3A] {strides = array<i32>} : memref<128xi32, #tpu.memory_space<vmem>>, vector<16xi32>,
        tpu.vector_store %arg19[%swap3A], %select_n3A {strides = array<i32>} : memref<128xi32, #tpu.memory_space<vmem>>, vector<16xi32>,
        %mul3A_284 = arith.constant 16 : i32
        %mul3A_285 = arith.muli %scan3A_272, %mul3A_284 : i32
        %add3A_286 = arith.addi %mul3A_234, %mul3A_285 : i32
        %get3A_287 = arith.index_cast %add3A_286 : i32 to index
        %get3A_288 = tpu.vector_load %arg9[%get3A_287] {strides = array<i32>} : memref<25600xi32, #tpu.memory_space<vmem>>, vector<16xi32>,
        %mul3A_289 = arith.constant 32 : i32
        %mul3A_290 = vector.broadcast %mul3A_289 : i32 to vector<16xi32>
        %mul3A_291 = arith.muli %get3A_288, %mul3A_290 : vector<16xi32>
        %mul3A_292 = arith.constant 16 : i32
        %mul3A_293 = arith.muli %scan3A_272, %mul3A_292 : i32
        %add3A_294 = vector.broadcast %mul3A_293 : i32 to vector<16xi32>
        %add3A_295 = arith.addi %iota3A, %add3A_294 : vector<16xi32>
        %broadcast_in_dim3A_296 = arith.constant 0 : i32
        %broadcast_in_dim3A_297 = vector.broadcast %broadcast_in_dim3A_296 : i32 to vector<16xi32>
        %add3A_298 = arith.constant 0 : i32
        %add3A_299 = vector.broadcast %add3A_298 : i32 to vector<16xi32>
        %add3A_300 = arith.addi %mul3A_291, %add3A_299 : vector<16xi32>
        %gather3A = tpu.vector_load_idx %arg10[%add3A_300] : memref<128xf32, #tpu.memory_space<vmem>>[vector<16xi32>], vector<16xf32>,
        tpu.vector_store_idx %arg16[%add3A_295, %broadcast_in_dim3A_297], %gather3A : memref<128x32xf32, #tpu.memory_space<vmem>>[vector<16xi32>, vector<16xi32>], vector<16xf32>,
        %broadcast_in_dim3A_301 = arith.constant 1 : i32
        %broadcast_in_dim3A_302 = vector.broadcast %broadcast_in_dim3A_301 : i32 to vector<16xi32>
        %add3A_303 = arith.constant 1 : i32
        %add3A_304 = vector.broadcast %add3A_303 : i32 to vector<16xi32>
        %add3A_305 = arith.addi %mul3A_291, %add3A_304 : vector<16xi32>
        %gather3A_306 = tpu.vector_load_idx %arg10[%add3A_305] : memref<128xf32, #tpu.memory_space<vmem>>[vector<16xi32>], vector<16xf32>,
        tpu.vector_store_idx %arg16[%add3A_295, %broadcast_in_dim3A_302], %gather3A_306 : memref<128x32xf32, #tpu.memory_space<vmem>>[vector<16xi32>, vector<16xi32>], vector<16xf32>,
        %broadcast_in_dim3A_307 = arith.constant 2 : i32
        %broadcast_in_dim3A_308 = vector.broadcast %broadcast_in_dim3A_307 : i32 to vector<16xi32>
        %add3A_309 = arith.constant 2 : i32
        %add3A_310 = vector.broadcast %add3A_309 : i32 to vector<16xi32>
        %add3A_311 = arith.addi %mul3A_291, %add3A_310 : vector<16xi32>
        %gather3A_312 = tpu.vector_load_idx %arg10[%add3A_311] : memref<128xf32, #tpu.memory_space<vmem>>[vector<16xi32>], vector<16xf32>,
        tpu.vector_store_idx %arg16[%add3A_295, %broadcast_in_dim3A_308], %gather3A_312 : memref<128x32xf32, #tpu.memory_space<vmem>>[vector<16xi32>, vector<16xi32>], vector<16xf32>,
        %broadcast_in_dim3A_313 = arith.constant 3 : i32
        %broadcast_in_dim3A_314 = vector.broadcast %broadcast_in_dim3A_313 : i32 to vector<16xi32>
        %add3A_315 = arith.constant 3 : i32
        %add3A_316 = vector.broadcast %add3A_315 : i32 to vector<16xi32>
        %add3A_317 = arith.addi %mul3A_291, %add3A_316 : vector<16xi32>
        %gather3A_318 = tpu.vector_load_idx %arg10[%add3A_317] : memref<128xf32, #tpu.memory_space<vmem>>[vector<16xi32>], vector<16xf32>,
        tpu.vector_store_idx %arg16[%add3A_295, %broadcast_in_dim3A_314], %gather3A_318 : memref<128x32xf32, #tpu.memory_space<vmem>>[vector<16xi32>, vector<16xi32>], vector<16xf32>,
        %broadcast_in_dim3A_319 = arith.constant 4 : i32
        %broadcast_in_dim3A_320 = vector.broadcast %broadcast_in_dim3A_319 : i32 to vector<16xi32>
        %add3A_321 = arith.constant 4 : i32
        %add3A_322 = vector.broadcast %add3A_321 : i32 to vector<16xi32>
        %add3A_323 = arith.addi %mul3A_291, %add3A_322 : vector<16xi32>
        %gather3A_324 = tpu.vector_load_idx %arg10[%add3A_323] : memref<128xf32, #tpu.memory_space<vmem>>[vector<16xi32>], vector<16xf32>,
        tpu.vector_store_idx %arg16[%add3A_295, %broadcast_in_dim3A_320], %gather3A_324 : memref<128x32xf32, #tpu.memory_space<vmem>>[vector<16xi32>, vector<16xi32>], vector<16xf32>,
        %broadcast_in_dim3A_325 = arith.constant 5 : i32
        %broadcast_in_dim3A_326 = vector.broadcast %broadcast_in_dim3A_325 : i32 to vector<16xi32>
        %add3A_327 = arith.constant 5 : i32
        %add3A_328 = vector.broadcast %add3A_327 : i32 to vector<16xi32>
        %add3A_329 = arith.addi %mul3A_291, %add3A_328 : vector<16xi32>
        %gather3A_330 = tpu.vector_load_idx %arg10[%add3A_329] : memref<128xf32, #tpu.memory_space<vmem>>[vector<16xi32>], vector<16xf32>,
        tpu.vector_store_idx %arg16[%add3A_295, %broadcast_in_dim3A_326], %gather3A_330 : memref<128x32xf32, #tpu.memory_space<vmem>>[vector<16xi32>, vector<16xi32>], vector<16xf32>,
        %broadcast_in_dim3A_331 = arith.constant 6 : i32
        %broadcast_in_dim3A_332 = vector.broadcast %broadcast_in_dim3A_331 : i32 to vector<16xi32>
        %add3A_333 = arith.constant 6 : i32
        %add3A_334 = vector.broadcast %add3A_333 : i32 to vector<16xi32>
        %add3A_335 = arith.addi %mul3A_291, %add3A_334 : vector<16xi32>
        %gather3A_336 = tpu.vector_load_idx %arg10[%add3A_335] : memref<128xf32, #tpu.memory_space<vmem>>[vector<16xi32>], vector<16xf32>,
        tpu.vector_store_idx %arg16[%add3A_295, %broadcast_in_dim3A_332], %gather3A_336 : memref<128x32xf32, #tpu.memory_space<vmem>>[vector<16xi32>, vector<16xi32>], vector<16xf32>,
        %broadcast_in_dim3A_337 = arith.constant 7 : i32
        %broadcast_in_dim3A_338 = vector.broadcast %broadcast_in_dim3A_337 : i32 to vector<16xi32>
        %add3A_339 = arith.constant 7 : i32
        %add3A_340 = vector.broadcast %add3A_339 : i32 to vector<16xi32>
        %add3A_341 = arith.addi %mul3A_291, %add3A_340 : vector<16xi32>
        %gather3A_342 = tpu.vector_load_idx %arg10[%add3A_341] : memref<128xf32, #tpu.memory_space<vmem>>[vector<16xi32>], vector<16xf32>,
        tpu.vector_store_idx %arg16[%add3A_295, %broadcast_in_dim3A_338], %gather3A_342 : memref<128x32xf32, #tpu.memory_space<vmem>>[vector<16xi32>, vector<16xi32>], vector<16xf32>,
        %broadcast_in_dim3A_343 = arith.constant 8 : i32
        %broadcast_in_dim3A_344 = vector.broadcast %broadcast_in_dim3A_343 : i32 to vector<16xi32>
        %add3A_345 = arith.constant 8 : i32
        %add3A_346 = vector.broadcast %add3A_345 : i32 to vector<16xi32>
        %add3A_347 = arith.addi %mul3A_291, %add3A_346 : vector<16xi32>
        %gather3A_348 = tpu.vector_load_idx %arg10[%add3A_347] : memref<128xf32, #tpu.memory_space<vmem>>[vector<16xi32>], vector<16xf32>,
        tpu.vector_store_idx %arg16[%add3A_295, %broadcast_in_dim3A_344], %gather3A_348 : memref<128x32xf32, #tpu.memory_space<vmem>>[vector<16xi32>, vector<16xi32>], vector<16xf32>,
        %broadcast_in_dim3A_349 = arith.constant 9 : i32
        %broadcast_in_dim3A_350 = vector.broadcast %broadcast_in_dim3A_349 : i32 to vector<16xi32>
        %add3A_351 = arith.constant 9 : i32
        %add3A_352 = vector.broadcast %add3A_351 : i32 to vector<16xi32>
        %add3A_353 = arith.addi %mul3A_291, %add3A_352 : vector<16xi32>
        %gather3A_354 = tpu.vector_load_idx %arg10[%add3A_353] : memref<128xf32, #tpu.memory_space<vmem>>[vector<16xi32>], vector<16xf32>,
        tpu.vector_store_idx %arg16[%add3A_295, %broadcast_in_dim3A_350], %gather3A_354 : memref<128x32xf32, #tpu.memory_space<vmem>>[vector<16xi32>, vector<16xi32>], vector<16xf32>,
        %broadcast_in_dim3A_355 = arith.constant 10 : i32
        %broadcast_in_dim3A_356 = vector.broadcast %broadcast_in_dim3A_355 : i32 to vector<16xi32>
        %add3A_357 = arith.constant 10 : i32
        %add3A_358 = vector.broadcast %add3A_357 : i32 to vector<16xi32>
        %add3A_359 = arith.addi %mul3A_291, %add3A_358 : vector<16xi32>
        %gather3A_360 = tpu.vector_load_idx %arg10[%add3A_359] : memref<128xf32, #tpu.memory_space<vmem>>[vector<16xi32>], vector<16xf32>,
        tpu.vector_store_idx %arg16[%add3A_295, %broadcast_in_dim3A_356], %gather3A_360 : memref<128x32xf32, #tpu.memory_space<vmem>>[vector<16xi32>, vector<16xi32>], vector<16xf32>,
        %broadcast_in_dim3A_361 = arith.constant 11 : i32
        %broadcast_in_dim3A_362 = vector.broadcast %broadcast_in_dim3A_361 : i32 to vector<16xi32>
        %add3A_363 = arith.constant 11 : i32
        %add3A_364 = vector.broadcast %add3A_363 : i32 to vector<16xi32>
        %add3A_365 = arith.addi %mul3A_291, %add3A_364 : vector<16xi32>
        %gather3A_366 = tpu.vector_load_idx %arg10[%add3A_365] : memref<128xf32, #tpu.memory_space<vmem>>[vector<16xi32>], vector<16xf32>,
        tpu.vector_store_idx %arg16[%add3A_295, %broadcast_in_dim3A_362], %gather3A_366 : memref<128x32xf32, #tpu.memory_space<vmem>>[vector<16xi32>, vector<16xi32>], vector<16xf32>,
        %broadcast_in_dim3A_367 = arith.constant 12 : i32
        %broadcast_in_dim3A_368 = vector.broadcast %broadcast_in_dim3A_367 : i32 to vector<16xi32>
        %add3A_369 = arith.constant 12 : i32
        %add3A_370 = vector.broadcast %add3A_369 : i32 to vector<16xi32>
        %add3A_371 = arith.addi %mul3A_291, %add3A_370 : vector<16xi32>
        %gather3A_372 = tpu.vector_load_idx %arg10[%add3A_371] : memref<128xf32, #tpu.memory_space<vmem>>[vector<16xi32>], vector<16xf32>,
        tpu.vector_store_idx %arg16[%add3A_295, %broadcast_in_dim3A_368], %gather3A_372 : memref<128x32xf32, #tpu.memory_space<vmem>>[vector<16xi32>, vector<16xi32>], vector<16xf32>,
        %broadcast_in_dim3A_373 = arith.constant 13 : i32
        %broadcast_in_dim3A_374 = vector.broadcast %broadcast_in_dim3A_373 : i32 to vector<16xi32>
        %add3A_375 = arith.constant 13 : i32
        %add3A_376 = vector.broadcast %add3A_375 : i32 to vector<16xi32>
        %add3A_377 = arith.addi %mul3A_291, %add3A_376 : vector<16xi32>
        %gather3A_378 = tpu.vector_load_idx %arg10[%add3A_377] : memref<128xf32, #tpu.memory_space<vmem>>[vector<16xi32>], vector<16xf32>,
        tpu.vector_store_idx %arg16[%add3A_295, %broadcast_in_dim3A_374], %gather3A_378 : memref<128x32xf32, #tpu.memory_space<vmem>>[vector<16xi32>, vector<16xi32>], vector<16xf32>,
        %broadcast_in_dim3A_379 = arith.constant 14 : i32
        %broadcast_in_dim3A_380 = vector.broadcast %broadcast_in_dim3A_379 : i32 to vector<16xi32>
        %add3A_381 = arith.constant 14 : i32
        %add3A_382 = vector.broadcast %add3A_381 : i32 to vector<16xi32>
        %add3A_383 = arith.addi %mul3A_291, %add3A_382 : vector<16xi32>
        %gather3A_384 = tpu.vector_load_idx %arg10[%add3A_383] : memref<128xf32, #tpu.memory_space<vmem>>[vector<16xi32>], vector<16xf32>,
        tpu.vector_store_idx %arg16[%add3A_295, %broadcast_in_dim3A_380], %gather3A_384 : memref<128x32xf32, #tpu.memory_space<vmem>>[vector<16xi32>, vector<16xi32>], vector<16xf32>,
        %broadcast_in_dim3A_385 = arith.constant 15 : i32
        %broadcast_in_dim3A_386 = vector.broadcast %broadcast_in_dim3A_385 : i32 to vector<16xi32>
        %add3A_387 = arith.constant 15 : i32
        %add3A_388 = vector.broadcast %add3A_387 : i32 to vector<16xi32>
        %add3A_389 = arith.addi %mul3A_291, %add3A_388 : vector<16xi32>
        %gather3A_390 = tpu.vector_load_idx %arg10[%add3A_389] : memref<128xf32, #tpu.memory_space<vmem>>[vector<16xi32>], vector<16xf32>,
        tpu.vector_store_idx %arg16[%add3A_295, %broadcast_in_dim3A_386], %gather3A_390 : memref<128x32xf32, #tpu.memory_space<vmem>>[vector<16xi32>, vector<16xi32>], vector<16xf32>,
        %broadcast_in_dim3A_391 = arith.constant 16 : i32
        %broadcast_in_dim3A_392 = vector.broadcast %broadcast_in_dim3A_391 : i32 to vector<16xi32>
        %add3A_393 = arith.constant 16 : i32
        %add3A_394 = vector.broadcast %add3A_393 : i32 to vector<16xi32>
        %add3A_395 = arith.addi %mul3A_291, %add3A_394 : vector<16xi32>
        %gather3A_396 = tpu.vector_load_idx %arg10[%add3A_395] : memref<128xf32, #tpu.memory_space<vmem>>[vector<16xi32>], vector<16xf32>,
        tpu.vector_store_idx %arg16[%add3A_295, %broadcast_in_dim3A_392], %gather3A_396 : memref<128x32xf32, #tpu.memory_space<vmem>>[vector<16xi32>, vector<16xi32>], vector<16xf32>,
        %broadcast_in_dim3A_397 = arith.constant 17 : i32
        %broadcast_in_dim3A_398 = vector.broadcast %broadcast_in_dim3A_397 : i32 to vector<16xi32>
        %add3A_399 = arith.constant 17 : i32
        %add3A_400 = vector.broadcast %add3A_399 : i32 to vector<16xi32>
        %add3A_401 = arith.addi %mul3A_291, %add3A_400 : vector<16xi32>
        %gather3A_402 = tpu.vector_load_idx %arg10[%add3A_401] : memref<128xf32, #tpu.memory_space<vmem>>[vector<16xi32>], vector<16xf32>,
        tpu.vector_store_idx %arg16[%add3A_295, %broadcast_in_dim3A_398], %gather3A_402 : memref<128x32xf32, #tpu.memory_space<vmem>>[vector<16xi32>, vector<16xi32>], vector<16xf32>,
        %broadcast_in_dim3A_403 = arith.constant 18 : i32
        %broadcast_in_dim3A_404 = vector.broadcast %broadcast_in_dim3A_403 : i32 to vector<16xi32>
        %add3A_405 = arith.constant 18 : i32
        %add3A_406 = vector.broadcast %add3A_405 : i32 to vector<16xi32>
        %add3A_407 = arith.addi %mul3A_291, %add3A_406 : vector<16xi32>
        %gather3A_408 = tpu.vector_load_idx %arg10[%add3A_407] : memref<128xf32, #tpu.memory_space<vmem>>[vector<16xi32>], vector<16xf32>,
        tpu.vector_store_idx %arg16[%add3A_295, %broadcast_in_dim3A_404], %gather3A_408 : memref<128x32xf32, #tpu.memory_space<vmem>>[vector<16xi32>, vector<16xi32>], vector<16xf32>,
        %broadcast_in_dim3A_409 = arith.constant 19 : i32
        %broadcast_in_dim3A_410 = vector.broadcast %broadcast_in_dim3A_409 : i32 to vector<16xi32>
        %add3A_411 = arith.constant 19 : i32
        %add3A_412 = vector.broadcast %add3A_411 : i32 to vector<16xi32>
        %add3A_413 = arith.addi %mul3A_291, %add3A_412 : vector<16xi32>
        %gather3A_414 = tpu.vector_load_idx %arg10[%add3A_413] : memref<128xf32, #tpu.memory_space<vmem>>[vector<16xi32>], vector<16xf32>,
        tpu.vector_store_idx %arg16[%add3A_295, %broadcast_in_dim3A_410], %gather3A_414 : memref<128x32xf32, #tpu.memory_space<vmem>>[vector<16xi32>, vector<16xi32>], vector<16xf32>,
        %broadcast_in_dim3A_415 = arith.constant 20 : i32
        %broadcast_in_dim3A_416 = vector.broadcast %broadcast_in_dim3A_415 : i32 to vector<16xi32>
        %add3A_417 = arith.constant 20 : i32
        %add3A_418 = vector.broadcast %add3A_417 : i32 to vector<16xi32>
        %add3A_419 = arith.addi %mul3A_291, %add3A_418 : vector<16xi32>
        %gather3A_420 = tpu.vector_load_idx %arg10[%add3A_419] : memref<128xf32, #tpu.memory_space<vmem>>[vector<16xi32>], vector<16xf32>,
        tpu.vector_store_idx %arg16[%add3A_295, %broadcast_in_dim3A_416], %gather3A_420 : memref<128x32xf32, #tpu.memory_space<vmem>>[vector<16xi32>, vector<16xi32>], vector<16xf32>,
        %broadcast_in_dim3A_421 = arith.constant 21 : i32
        %broadcast_in_dim3A_422 = vector.broadcast %broadcast_in_dim3A_421 : i32 to vector<16xi32>
        %add3A_423 = arith.constant 21 : i32
        %add3A_424 = vector.broadcast %add3A_423 : i32 to vector<16xi32>
        %add3A_425 = arith.addi %mul3A_291, %add3A_424 : vector<16xi32>
        %gather3A_426 = tpu.vector_load_idx %arg10[%add3A_425] : memref<128xf32, #tpu.memory_space<vmem>>[vector<16xi32>], vector<16xf32>,
        tpu.vector_store_idx %arg16[%add3A_295, %broadcast_in_dim3A_422], %gather3A_426 : memref<128x32xf32, #tpu.memory_space<vmem>>[vector<16xi32>, vector<16xi32>], vector<16xf32>,
        %broadcast_in_dim3A_427 = arith.constant 22 : i32
        %broadcast_in_dim3A_428 = vector.broadcast %broadcast_in_dim3A_427 : i32 to vector<16xi32>
        %add3A_429 = arith.constant 22 : i32
        %add3A_430 = vector.broadcast %add3A_429 : i32 to vector<16xi32>
        %add3A_431 = arith.addi %mul3A_291, %add3A_430 : vector<16xi32>
        %gather3A_432 = tpu.vector_load_idx %arg10[%add3A_431] : memref<128xf32, #tpu.memory_space<vmem>>[vector<16xi32>], vector<16xf32>,
        tpu.vector_store_idx %arg16[%add3A_295, %broadcast_in_dim3A_428], %gather3A_432 : memref<128x32xf32, #tpu.memory_space<vmem>>[vector<16xi32>, vector<16xi32>], vector<16xf32>,
        %broadcast_in_dim3A_433 = arith.constant 23 : i32
        %broadcast_in_dim3A_434 = vector.broadcast %broadcast_in_dim3A_433 : i32 to vector<16xi32>
        %add3A_435 = arith.constant 23 : i32
        %add3A_436 = vector.broadcast %add3A_435 : i32 to vector<16xi32>
        %add3A_437 = arith.addi %mul3A_291, %add3A_436 : vector<16xi32>
        %gather3A_438 = tpu.vector_load_idx %arg10[%add3A_437] : memref<128xf32, #tpu.memory_space<vmem>>[vector<16xi32>], vector<16xf32>,
        tpu.vector_store_idx %arg16[%add3A_295, %broadcast_in_dim3A_434], %gather3A_438 : memref<128x32xf32, #tpu.memory_space<vmem>>[vector<16xi32>, vector<16xi32>], vector<16xf32>,
        %broadcast_in_dim3A_439 = arith.constant 24 : i32
        %broadcast_in_dim3A_440 = vector.broadcast %broadcast_in_dim3A_439 : i32 to vector<16xi32>
        %add3A_441 = arith.constant 24 : i32
        %add3A_442 = vector.broadcast %add3A_441 : i32 to vector<16xi32>
        %add3A_443 = arith.addi %mul3A_291, %add3A_442 : vector<16xi32>
        %gather3A_444 = tpu.vector_load_idx %arg10[%add3A_443] : memref<128xf32, #tpu.memory_space<vmem>>[vector<16xi32>], vector<16xf32>,
        tpu.vector_store_idx %arg16[%add3A_295, %broadcast_in_dim3A_440], %gather3A_444 : memref<128x32xf32, #tpu.memory_space<vmem>>[vector<16xi32>, vector<16xi32>], vector<16xf32>,
        %broadcast_in_dim3A_445 = arith.constant 25 : i32
        %broadcast_in_dim3A_446 = vector.broadcast %broadcast_in_dim3A_445 : i32 to vector<16xi32>
        %add3A_447 = arith.constant 25 : i32
        %add3A_448 = vector.broadcast %add3A_447 : i32 to vector<16xi32>
        %add3A_449 = arith.addi %mul3A_291, %add3A_448 : vector<16xi32>
        %gather3A_450 = tpu.vector_load_idx %arg10[%add3A_449] : memref<128xf32, #tpu.memory_space<vmem>>[vector<16xi32>], vector<16xf32>,
        tpu.vector_store_idx %arg16[%add3A_295, %broadcast_in_dim3A_446], %gather3A_450 : memref<128x32xf32, #tpu.memory_space<vmem>>[vector<16xi32>, vector<16xi32>], vector<16xf32>,
        %broadcast_in_dim3A_451 = arith.constant 26 : i32
        %broadcast_in_dim3A_452 = vector.broadcast %broadcast_in_dim3A_451 : i32 to vector<16xi32>
        %add3A_453 = arith.constant 26 : i32
        %add3A_454 = vector.broadcast %add3A_453 : i32 to vector<16xi32>
        %add3A_455 = arith.addi %mul3A_291, %add3A_454 : vector<16xi32>
        %gather3A_456 = tpu.vector_load_idx %arg10[%add3A_455] : memref<128xf32, #tpu.memory_space<vmem>>[vector<16xi32>], vector<16xf32>,
        tpu.vector_store_idx %arg16[%add3A_295, %broadcast_in_dim3A_452], %gather3A_456 : memref<128x32xf32, #tpu.memory_space<vmem>>[vector<16xi32>, vector<16xi32>], vector<16xf32>,
        %broadcast_in_dim3A_457 = arith.constant 27 : i32
        %broadcast_in_dim3A_458 = vector.broadcast %broadcast_in_dim3A_457 : i32 to vector<16xi32>
        %add3A_459 = arith.constant 27 : i32
        %add3A_460 = vector.broadcast %add3A_459 : i32 to vector<16xi32>
        %add3A_461 = arith.addi %mul3A_291, %add3A_460 : vector<16xi32>
        %gather3A_462 = tpu.vector_load_idx %arg10[%add3A_461] : memref<128xf32, #tpu.memory_space<vmem>>[vector<16xi32>], vector<16xf32>,
        tpu.vector_store_idx %arg16[%add3A_295, %broadcast_in_dim3A_458], %gather3A_462 : memref<128x32xf32, #tpu.memory_space<vmem>>[vector<16xi32>, vector<16xi32>], vector<16xf32>,
        %broadcast_in_dim3A_463 = arith.constant 28 : i32
        %broadcast_in_dim3A_464 = vector.broadcast %broadcast_in_dim3A_463 : i32 to vector<16xi32>
        %add3A_465 = arith.constant 28 : i32
        %add3A_466 = vector.broadcast %add3A_465 : i32 to vector<16xi32>
        %add3A_467 = arith.addi %mul3A_291, %add3A_466 : vector<16xi32>
        %gather3A_468 = tpu.vector_load_idx %arg10[%add3A_467] : memref<128xf32, #tpu.memory_space<vmem>>[vector<16xi32>], vector<16xf32>,
        tpu.vector_store_idx %arg16[%add3A_295, %broadcast_in_dim3A_464], %gather3A_468 : memref<128x32xf32, #tpu.memory_space<vmem>>[vector<16xi32>, vector<16xi32>], vector<16xf32>,
        %broadcast_in_dim3A_469 = arith.constant 29 : i32
        %broadcast_in_dim3A_470 = vector.broadcast %broadcast_in_dim3A_469 : i32 to vector<16xi32>
        %add3A_471 = arith.constant 29 : i32
        %add3A_472 = vector.broadcast %add3A_471 : i32 to vector<16xi32>
        %add3A_473 = arith.addi %mul3A_291, %add3A_472 : vector<16xi32>
        %gather3A_474 = tpu.vector_load_idx %arg10[%add3A_473] : memref<128xf32, #tpu.memory_space<vmem>>[vector<16xi32>], vector<16xf32>,
        tpu.vector_store_idx %arg16[%add3A_295, %broadcast_in_dim3A_470], %gather3A_474 : memref<128x32xf32, #tpu.memory_space<vmem>>[vector<16xi32>, vector<16xi32>], vector<16xf32>,
        %broadcast_in_dim3A_475 = arith.constant 30 : i32
        %broadcast_in_dim3A_476 = vector.broadcast %broadcast_in_dim3A_475 : i32 to vector<16xi32>
        %add3A_477 = arith.constant 30 : i32
        %add3A_478 = vector.broadcast %add3A_477 : i32 to vector<16xi32>
        %add3A_479 = arith.addi %mul3A_291, %add3A_478 : vector<16xi32>
        %gather3A_480 = tpu.vector_load_idx %arg10[%add3A_479] : memref<128xf32, #tpu.memory_space<vmem>>[vector<16xi32>], vector<16xf32>,
        tpu.vector_store_idx %arg16[%add3A_295, %broadcast_in_dim3A_476], %gather3A_480 : memref<128x32xf32, #tpu.memory_space<vmem>>[vector<16xi32>, vector<16xi32>], vector<16xf32>,
        %broadcast_in_dim3A_481 = arith.constant 31 : i32
        %broadcast_in_dim3A_482 = vector.broadcast %broadcast_in_dim3A_481 : i32 to vector<16xi32>
        %add3A_483 = arith.constant 31 : i32
        %add3A_484 = vector.broadcast %add3A_483 : i32 to vector<16xi32>
        %add3A_485 = arith.addi %mul3A_291, %add3A_484 : vector<16xi32>
        %gather3A_486 = tpu.vector_load_idx %arg10[%add3A_485] : memref<128xf32, #tpu.memory_space<vmem>>[vector<16xi32>], vector<16xf32>,
        tpu.vector_store_idx %arg16[%add3A_295, %broadcast_in_dim3A_482], %gather3A_486 : memref<128x32xf32, #tpu.memory_space<vmem>>[vector<16xi32>, vector<16xi32>], vector<16xf32>,
      }
      %scan3A_252 = arith.constant 8 : i32
      %mul3A_253 = arith.constant 128 : i32
      %mul3A_254 = arith.muli %min3A_232, %mul3A_253 : i32
      %dma_wait3A_255 = tpu.memref_slice %arg8[%mul3A_254] : memref<25600xi32, #tpu.memory_space<vmem>> -> memref<128xi32, #tpu.memory_space<vmem>>
      %dma_wait3A_256 = arith.constant 0 : i32
      %dma_wait3A_257 = arith.constant 0 : i32
      %dma_wait3A_258 = tpu.memref_slice %arg4[%dma_wait3A_256, %dma_wait3A_257] : memref<100000x128xf32, #tpu.memory_space<hbm>> -> memref<100000x128xf32, #tpu.memory_space<hbm>>
      tpu.wait_indirect_dma semaphore(%arg23 : memref<!tpu.dma_semaphore, #tpu.memory_space<semaphore_mem>>) src(%dma_wait3A_258 : memref<100000x128xf32, #tpu.memory_space<hbm>>) dst(%arg13 : memref<128x128xf32, #tpu.memory_space<vmem>>)
      %mul3A_259 = arith.constant 128 : i32
      %mul3A_260 = arith.muli %min3A_232, %mul3A_259 : i32
      %add3A_261 = arith.addi %mul3A_2, %mul3A_260 : i32
      %dma_start3A_262 = arith.constant 0 : i32
      %dma_start3A_263 = tpu.memref_slice %arg6[%add3A_261, %dma_start3A_262] : memref<819200x160xf32, #tpu.memory_space<hbm>> -> memref<128x128xf32, #tpu.memory_space<hbm>>
      %dma_start3A_264 = arith.constant 0 : i32
      %dma_start3A_265 = tpu.memref_slice %arg6[%add3A_261, %dma_start3A_264] : memref<819200x160xf32, #tpu.memory_space<hbm>> -> memref<128x128xf32, #tpu.memory_space<hbm>>
      tpu.enqueue_dma source(%arg13 : memref<128x128xf32, #tpu.memory_space<vmem>>) target(%dma_start3A_265 : memref<128x128xf32, #tpu.memory_space<hbm>>) target_semaphore(%arg26 : memref<!tpu.dma_semaphore, #tpu.memory_space<semaphore_mem>>)
      %dma_start3A_266 = arith.constant 128 : i32
      %dma_start3A_267 = tpu.memref_slice %arg6[%add3A_261, %dma_start3A_266] : memref<819200x160xf32, #tpu.memory_space<hbm>> -> memref<128x32xf32, #tpu.memory_space<hbm>>
      %dma_start3A_268 = arith.constant 128 : i32
      %dma_start3A_269 = tpu.memref_slice %arg6[%add3A_261, %dma_start3A_268] : memref<819200x160xf32, #tpu.memory_space<hbm>> -> memref<128x32xf32, #tpu.memory_space<hbm>>
      tpu.enqueue_dma source(%arg16 : memref<128x32xf32, #tpu.memory_space<vmem>>) target(%dma_start3A_269 : memref<128x32xf32, #tpu.memory_space<hbm>>) target_semaphore(%arg26 : memref<!tpu.dma_semaphore, #tpu.memory_space<semaphore_mem>>)
      %dma_start3A_270 = tpu.memref_slice %arg7[%add3A_261] : memref<819200xi32, #tpu.memory_space<hbm>> -> memref<128xi32, #tpu.memory_space<hbm>>
      %dma_start3A_271 = tpu.memref_slice %arg7[%add3A_261] : memref<819200xi32, #tpu.memory_space<hbm>> -> memref<128xi32, #tpu.memory_space<hbm>>
      tpu.enqueue_dma source(%arg19 : memref<128xi32, #tpu.memory_space<vmem>>) target(%dma_start3A_271 : memref<128xi32, #tpu.memory_space<hbm>>) target_semaphore(%arg26 : memref<!tpu.dma_semaphore, #tpu.memory_space<semaphore_mem>>)
    }
    %scan3A_108 = arith.constant 67 : i32
    %min3A = arith.constant 199 : i32
    %min3A_109 = arith.constant 199 : i32
    %min3A_110 = arith.minsi %min3A, %min3A_109 : i32
    %mul3A_111 = arith.constant 128 : i32
    %mul3A_112 = arith.muli %min3A_110, %mul3A_111 : i32
    %add3A_113 = arith.addi %mul3A_2, %mul3A_112 : i32
    %dma_wait3A_114 = arith.constant 0 : i32
    %dma_wait3A_115 = tpu.memref_slice %arg6[%add3A_113, %dma_wait3A_114] : memref<819200x160xf32, #tpu.memory_space<hbm>> -> memref<128x128xf32, #tpu.memory_space<hbm>>
    %dma_wait3A_116 = arith.constant 0 : i32
    %dma_wait3A_117 = tpu.memref_slice %arg6[%add3A_113, %dma_wait3A_116] : memref<819200x160xf32, #tpu.memory_space<hbm>> -> memref<128x128xf32, #tpu.memory_space<hbm>>
    tpu.wait_dma2 semaphore(%arg25 : memref<!tpu.dma_semaphore, #tpu.memory_space<semaphore_mem>>) src(%arg12 : memref<128x128xf32, #tpu.memory_space<vmem>>) dst(%dma_wait3A_117 : memref<128x128xf32, #tpu.memory_space<hbm>>)
    %dma_wait3A_118 = arith.constant 128 : i32
    %dma_wait3A_119 = tpu.memref_slice %arg6[%add3A_113, %dma_wait3A_118] : memref<819200x160xf32, #tpu.memory_space<hbm>> -> memref<128x32xf32, #tpu.memory_space<hbm>>
    %dma_wait3A_120 = arith.constant 128 : i32
    %dma_wait3A_121 = tpu.memref_slice %arg6[%add3A_113, %dma_wait3A_120] : memref<819200x160xf32, #tpu.memory_space<hbm>> -> memref<128x32xf32, #tpu.memory_space<hbm>>
    tpu.wait_dma2 semaphore(%arg25 : memref<!tpu.dma_semaphore, #tpu.memory_space<semaphore_mem>>) src(%arg15 : memref<128x32xf32, #tpu.memory_space<vmem>>) dst(%dma_wait3A_121 : memref<128x32xf32, #tpu.memory_space<hbm>>)
    %dma_wait3A_122 = tpu.memref_slice %arg7[%add3A_113] : memref<819200xi32, #tpu.memory_space<hbm>> -> memref<128xi32, #tpu.memory_space<hbm>>
    %dma_wait3A_123 = tpu.memref_slice %arg7[%add3A_113] : memref<819200xi32, #tpu.memory_space<hbm>> -> memref<128xi32, #tpu.memory_space<hbm>>
    tpu.wait_dma2 semaphore(%arg25 : memref<!tpu.dma_semaphore, #tpu.memory_space<semaphore_mem>>) src(%arg18 : memref<128xi32, #tpu.memory_space<vmem>>) dst(%dma_wait3A_123 : memref<128xi32, #tpu.memory_space<hbm>>)
    %min3A_124 = arith.constant 200 : i32
    %min3A_125 = arith.constant 199 : i32
    %min3A_126 = arith.minsi %min3A_124, %min3A_125 : i32
    %mul3A_127 = arith.constant 128 : i32
    %mul3A_128 = arith.muli %min3A_126, %mul3A_127 : i32
    %add3A_129 = arith.addi %mul3A_2, %mul3A_128 : i32
    %dma_wait3A_130 = arith.constant 0 : i32
    %dma_wait3A_131 = tpu.memref_slice %arg6[%add3A_129, %dma_wait3A_130] : memref<819200x160xf32, #tpu.memory_space<hbm>> -> memref<128x128xf32, #tpu.memory_space<hbm>>
    %dma_wait3A_132 = arith.constant 0 : i32
    %dma_wait3A_133 = tpu.memref_slice %arg6[%add3A_129, %dma_wait3A_132] : memref<819200x160xf32, #tpu.memory_space<hbm>> -> memref<128x128xf32, #tpu.memory_space<hbm>>
    tpu.wait_dma2 semaphore(%arg26 : memref<!tpu.dma_semaphore, #tpu.memory_space<semaphore_mem>>) src(%arg13 : memref<128x128xf32, #tpu.memory_space<vmem>>) dst(%dma_wait3A_133 : memref<128x128xf32, #tpu.memory_space<hbm>>)
    %dma_wait3A_134 = arith.constant 128 : i32
    %dma_wait3A_135 = tpu.memref_slice %arg6[%add3A_129, %dma_wait3A_134] : memref<819200x160xf32, #tpu.memory_space<hbm>> -> memref<128x32xf32, #tpu.memory_space<hbm>>
    %dma_wait3A_136 = arith.constant 128 : i32
    %dma_wait3A_137 = tpu.memref_slice %arg6[%add3A_129, %dma_wait3A_136] : memref<819200x160xf32, #tpu.memory_space<hbm>> -> memref<128x32xf32, #tpu.memory_space<hbm>>
    tpu.wait_dma2 semaphore(%arg26 : memref<!tpu.dma_semaphore, #tpu.memory_space<semaphore_mem>>) src(%arg16 : memref<128x32xf32, #tpu.memory_space<vmem>>) dst(%dma_wait3A_137 : memref<128x32xf32, #tpu.memory_space<hbm>>)
    %dma_wait3A_138 = tpu.memref_slice %arg7[%add3A_129] : memref<819200xi32, #tpu.memory_space<hbm>> -> memref<128xi32, #tpu.memory_space<hbm>>
    %dma_wait3A_139 = tpu.memref_slice %arg7[%add3A_129] : memref<819200xi32, #tpu.memory_space<hbm>> -> memref<128xi32, #tpu.memory_space<hbm>>
    tpu.wait_dma2 semaphore(%arg26 : memref<!tpu.dma_semaphore, #tpu.memory_space<semaphore_mem>>) src(%arg19 : memref<128xi32, #tpu.memory_space<vmem>>) dst(%dma_wait3A_139 : memref<128xi32, #tpu.memory_space<hbm>>)
    return
  }
}

</mosaic_0001>

<sc_bundles>
// kernel: kernel.3.cloned.1.call-start
scs
__scs_entry_jumppad:
0x0: {  	(pc) =	sbr.rel $0x88, $3  }
0x1: {  	(tag) =	ssettag $0x0;
	lr =	simm.s32 $0x1  }
0x2: {  	[smem:$0x3F9D] =	sst lr;
	_ =	strace $0xD0000000  }
0x3: {  	_ = 	snop  }
0x4: {  	_ = 	snop  }
0x5: {  	_ = 	snop  }
0x6: {  	_ = 	snop  }
0x7: {  	_ = 	snop  }
__scs_overlays_trampoline_lowered:
0x8: {  	[smem:$0x3FAC] =	sst s0  }
0x9: {  	[smem:$0x3FAD] =	sst s1  }
0xa: {  	[smem:$0x3FAE] =	sst s2  }
0xb: {  	[smem:$0x3FAF] =	sst s3  }
0xc: {  	[smem:$0x3FB0] =	sst s4  }
0xd: {  	[smem:$0x3FB1] =	sst s5  }
0xe: {  	[smem:$0x3FB2] =	sst s6  }
0xf: {  	[smem:$0x3FB3] =	sst s7  }
0x10: {  	[smem:$0x3FB4] =	sst s8  }
0x11: {  	[smem:$0x3FB5] =	sst s9;
	s0 =	simm.s32 @!p0 $0x0  }
0x12: {  	s1 =	sld [smem:$0x3F9B];
	s0 =	simm.s32 @p0 $0x1  }
0x13: {  	[smem:$0x3FB6] =	sst s0;
	s0 =	simm.s32 @!p1 $0x0  }
0x14: {  	s2 =	sld [smem:$0x3F9A];
	s0 =	simm.s32 @p1 $0x1  }
0x15: {  	[smem:$0x3FB7] =	sst s0;
	s0 =	simm.s32 @!p2 $0x0  }
0x16: {  	s3 =	sld [smem:$0x3FDB];
	s0 =	simm.s32 @p2 $0x1  }
0x17: {  	s4 =	simm.s32 $0x1BF5;
	[smem:$0x3FB9] =	sst s0  }
0x18: {  	s0 =	sld [smem:$0x3F9C];
	_ =	swait.ge [sflag:s4], $0x0  }
0x19: {  	s7 =	sld [smem:$0x3F9D]  }
0x1a: {  	s8 =	sadd.s32 $0xFFFFE003, lr  }
0x1b: {  	s9 =	sadd.s32 $0xFFFFFEF7, lr;
	s5 =	simm.s32 $0xFFFFFFFF;
	p2 =	slt.u32 s8, $0xFFFFF086  }
0x1c: {  	p1 =	slt.u32 s9, $0xF7A;
	s5 =	simm.s32 @!p2 $0x0  }
0x1d: {  	s5 =	simm.s32 @p1 $0x1;
	p0 =	seq.s32 s7, s2  }
0x1e: {  	s7 =	smul.u32 @!p0 $0xF7A, s2;
	p2 =	seq.s32 @!p0 s5, $0x0  }
0x1f: {  	s9 =	smul.u32 $0xF7A, s1;
	s8 =	simm.s32 @!p0 $0x1BF5;
	p2 =	por !p2, p0  }
0x20: {  	[sflag:s8] =	ssyncset.s32 @!p0 $0xFFFFF086;
	s6 =	sadd.s32 @!p0 s3, s7;
	s7 =	simm.s32 @!p0 $0x108  }
0x21: {  	s3 =	sadd.s32 s3, s9;
	s6 =	sadd.s32 @!p0 $0x88, s6;
	s7 =	simm.s32 @p2 $0x1082  }
0x22: {  	[simem:s7], [sflag:s8] =	dma.local @!p0 [hbm:s6], $0xF7A  }
0x23: {  	s9 =	sor.u32 $0xD0000000, s2;
	s6 =	simm.s32 $0x108;
	_ =	swait.ge @!p0 [sflag:s8], $0x0  }
0x24: {  	s3 =	sadd.s32 $0x88, s3;
	s6 =	simm.s32 @!p1 $0x1082;
	[sflag:s4] =	ssyncset.s32 $0xFFFFF086  }
0x25: {  	[simem:s6], [sflag:s4] =	dma.local [hbm:s3], $0xF7A  }
0x26: {  	[smem:$0x3F9D] =	sst s1;
	(tag) =	ssettag s2;
	_ =	strace s9  }
0x27: {  	s1 =	sld [smem:$0x3FAD]  }
0x28: {  	s2 =	sld [smem:$0x3FAE]  }
0x29: {  	s4 =	sld [smem:$0x3FB0]  }
0x2a: {  	p0 =	seq.s32 s5, $0x0;
	s5 =	sld [smem:$0x3FB1]  }
0x2b: {  	s6 =	sld [smem:$0x3FB2]  }
0x2c: {  	s7 =	sld [smem:$0x3FB3]  }
0x2d: {  	s3 =	simm.s32 $0x108;
	s8 =	sld [smem:$0x3FB4]  }
0x2e: {  	s3 =	simm.s32 @!p0 $0x1082;
	s9 =	sld [smem:$0x3FB5]  }
0x2f: {  	lr =	sadd.s32 s0, s3;
	s0 =	sld [smem:$0x3FAC]  }
0x30: {  	s3 =	sld [smem:$0x3FAF]  }
0x31: {  	[smem:$0x3FB8] =	sst s10  }
0x32: {  	s10 =	sld [smem:$0x3FB6];
	_ =	sdelay $0x3  }
0x33: {  	p0 =	seq.s32 s10, $0x1;
	s10 =	sld [smem:$0x3FB8];
	_ =	sdelay $0x3  }
0x34: {  	[smem:$0x3FB8] =	sst s10  }
0x35: {  	s10 =	sld [smem:$0x3FB7];
	_ =	sdelay $0x3  }
0x36: {  	p1 =	seq.s32 s10, $0x1;
	s10 =	sld [smem:$0x3FB8];
	_ =	sdelay $0x3  }
0x37: {  	[smem:$0x3FB8] =	sst s10  }
0x38: {  	s10 =	sld [smem:$0x3FB9]  }
0x39: {  	_ = 	snop;
	(pc) =	sbr.ind lr, $3  }
0x3a: {  	_ = 	snop  }
0x3b: {  	_ = 	snop  }
0x3c: {  	p2 =	seq.s32 s10, $0x1;
	s10 =	sld [smem:$0x3FB8]  }
0x3d: {  	_ =	shalt  }
0x3e: {  	_ =	shalt  }
0x3f: {  	_ =	shalt  }
0x40: {  	_ =	shalt  }
0x41: {  	_ =	shalt  }
0x42: {  	_ =	shalt  }
0x43: {  	_ =	shalt  }
0x44: {  	_ =	shalt  }
0x45: {  	_ =	shalt  }
0x46: {  	_ =	shalt  }
0x47: {  	_ =	shalt  }
0x48: {  	_ =	shalt  }
0x49: {  	_ =	shalt  }
0x4a: {  	_ =	shalt  }
0x4b: {  	_ =	shalt  }
0x4c: {  	_ =	shalt  }
0x4d: {  	_ =	shalt  }
0x4e: {  	_ =	shalt  }
0x4f: {  	_ =	shalt  }
0x50: {  	_ =	shalt  }
0x51: {  	_ =	shalt  }
0x52: {  	_ =	shalt  }
0x53: {  	_ =	shalt  }
0x54: {  	_ =	shalt  }
0x55: {  	_ =	shalt  }
0x56: {  	_ =	shalt  }
0x57: {  	_ =	shalt  }
0x58: {  	_ =	shalt  }
0x59: {  	_ =	shalt  }
0x5a: {  	_ =	shalt  }
0x5b: {  	_ =	shalt  }
0x5c: {  	_ =	shalt  }
0x5d: {  	_ =	shalt  }
0x5e: {  	_ =	shalt  }
0x5f: {  	_ =	shalt  }
0x60: {  	_ =	shalt  }
0x61: {  	_ =	shalt  }
0x62: {  	_ =	shalt  }
0x63: {  	_ =	shalt  }
0x64: {  	_ =	shalt  }
0x65: {  	_ =	shalt  }
0x66: {  	_ =	shalt  }
0x67: {  	_ =	shalt  }
0x68: {  	_ =	shalt  }
0x69: {  	_ =	shalt  }
0x6a: {  	_ =	shalt  }
0x6b: {  	_ =	shalt  }
0x6c: {  	_ =	shalt  }
0x6d: {  	_ =	shalt  }
0x6e: {  	_ =	shalt  }
0x6f: {  	_ =	shalt  }
0x70: {  	_ =	shalt  }
0x71: {  	_ =	shalt  }
0x72: {  	_ =	shalt  }
0x73: {  	_ =	shalt  }
0x74: {  	_ =	shalt  }
0x75: {  	_ =	shalt  }
0x76: {  	_ =	shalt  }
0x77: {  	_ =	shalt  }
0x78: {  	_ =	shalt  }
0x79: {  	_ =	shalt  }
0x7a: {  	_ =	shalt  }
0x7b: {  	_ =	shalt  }
0x7c: {  	_ =	shalt  }
0x7d: {  	_ =	shalt  }
0x7e: {  	_ =	shalt  }
0x7f: {  	_ =	shalt  }
0x80: {  	_ =	shalt  }
0x81: {  	_ =	shalt  }
0x82: {  	_ =	shalt  }
0x83: {  	_ =	shalt  }
0x84: {  	_ =	shalt  }
0x85: {  	_ =	shalt  }
0x86: {  	_ =	shalt  }
0x87: {  	_ =	shalt  }
.Lfunc_end0:
.L_simem_size_0:
called_computation.1_lowered:
.L_overlay_start_0:
0x88: {  	s2 =	sld [smem:$0x3FD9]  }
0x89: {  	s3 =	sld [smem:$0x3FFE];
	_ =	sdelay $0x1  }
0x8a: {  	s1 =	srdreg.scid  }
0x8b: {  	s0 =	sand.u32 $0x1, s1  }
0x8c: {  	s14 =	sshll.u32 s0, $0xA;
	s2 =	sadd.s32 s3, s2  }
0x8d: {  	s2 =	sadd.s32 s2, s14  }
0x8e: {  	[smem:$0x3FC4] =	sst s2  }
0x8f: {  	_ = 	snop  }
0x90: {  	s2 =	sld [smem:$0x3FD0];
	_ =	sdelay $0x2  }
0x91: {  	s4 =	simm.s32 $0xA;
	s5 =	simm.s32 $0x10;
	s15 =	sld [smem:$0x3FC7]  }
0x92: {  	[smem:s5], [sflag:s4] =	dma.local [hbm:s2], $0x1  }
0x93: {  	_ =	swait.eq [sflag:s4], $0x1  }
0x94: {  	[sflag:s4] =	ssyncset.done $0x0  }
0x95: {  	s16 =	sld [smem:$0x10];
	[sflag:s4] =	ssyncadd.s32 $0xFFFFFFFF  }
0x96: {  	s17 =	sld [smem:$0x11];
	(tm) =	ssettm $0x1  }
0x97: {  	s18 =	sld [smem:$0x3FFB];
	_ =	sdelay $0x3  }
0x98: {  	_ =	strace s18  }
0x99: {  	s5 =	sld [smem:$0x3FFC];
	_ =	sdelay $0x3  }
0x9a: {  	_ =	strace s5  }
0x9b: {  	s5 =	sld [smem:$0x3FFD];
	_ =	sdelay $0x3  }
0x9c: {  	_ =	strace s5  }
0x9d: {  	_ =	strace $0x8FFFFFFF  }
0x9e: {  	s19 =	sld [smem:$0x3FDB];
	_ =	sdelay $0x1  }
0x9f: {  	s6 =	simm.s32 $_scs_section_size  }
0xa0: {  	s7 =	simm.s32 $_size__tile_overlayer_lowered;
	s8 =	simm.s32 $_tile_overlayer_lowered  }
0xa1: {  	s22 =	simm.s32 $0x1BFF;
	s21 =	sshll.u32 s8, $0x1;
	s5 =	sadd.s32 s6, s19  }
0xa2: {  	s9 =	simm.s32 $0x0;
	s20 =	sshll.u32 s7, $0x1;
	s7 =	sadd.s32 s21, s5  }
0xa3: {  	[timem:s9], [sflag:s22] =	dma.local [hbm:s7], s20  }
0xa4: {  	_ =	swait.ge [sflag:s22], s20  }
0xa5: {  	s6 =	ssub.s32 $0x0, s20;
	[sflag:s22] =	ssyncset.done $0x0  }
0xa6: {  	[sflag:s22] =	ssyncadd.s32 s6;
	_ =	sdelay $0x1  }
0xa7: {  	s23 =	simm.s32 $0x1B8B  }
0xa8: {  	_ =	swait.ge [sflag:s23], $0x1  }
0xa9: {  	[sflag:s23] =	ssyncset.done $0x0  }
0xaa: {  	s25 =	simm.s32 $0x1B8E;
	s24 =	sld [smem:$0x3FFE];
	[sflag:s23] =	ssyncadd.s32 $0xFFFFFFFF  }
0xab: {  	s26 =	simm.s32 $execute0_lowered;
	[smem:$0x3FD2] =	sst s25  }
0xac: {  	s7 =	sshll.u32 s26, $0x1;
	_ =	strace $0x80000046;
	[dreg:$0x1] =	wrdreg $0xFFFFFFFF  }
0xad: {  	s28 =	simm.s32 $_size_execute0_lowered;
	s5 =	sadd.s32 s5, s7;
	[dreg:$0x0] =	wrdreg $0x0  }
0xae: {  	s7 =	sshll.u32 s28, $0x1;
	[dreg:$0x2] =	wrdreg s5  }
0xaf: {  	[dreg:$0x3] =	wrdreg s7  }
0xb0: {  	[dreg:$0x4] =	wrdreg $0xC0  }
0xb1: {  	_ =	task [dreg:s9], $0x5FFFF  }
0xb2: {  	[dreg:$0x1] =	wrdreg $0xFFFFFFFF  }
0xb3: {  	[dreg:$0x0] =	wrdreg $0x60  }
0xb4: {  	[dreg:$0x2] =	wrdreg s24  }
0xb5: {  	[dreg:$0x3] =	wrdreg s15  }
0xb6: {  	[dreg:$0x4] =	wrdreg s17  }
0xb7: {  	[dreg:$0x5] =	wrdreg s16  }
0xb8: {  	[dreg:$0x6] =	wrdreg $0x9  }
0xb9: {  	_ =	task.clear_ibuf [dreg:s9], $0x7FFFF;
	_ =	strace $0x90000046  }
0xba: {  	s29 =	simm.s32 $0x9;
	_ =	strace $0x80000048  }
0xbb: {  	_ =	swait.ge [sflag:s29], $0x1  }
0xbc: {  	[sflag:s29] =	ssyncadd.s32 $0xFFFFFFFF  }
0xbd: {  	_ =	strace $0x90000048  }
0xbe: {  	_ =	sfence  }
0xbf: {  	s30 =	sld [smem:$0x0];
	_ =	sdelay $0x2  }
0xc0: {  	s31 =	sshll.u32 s1, $0xD;
	s1 =	sshrl.u32 s1, $0x2  }
0xc1: {  	s3 =	sand.u32 $0x4000, s31;
	s1 =	sadd.s32 s1, s30  }
0xc2: {  	s0 =	sor.u32 s3, s0;
	s1 =	sshll.u32 s1, $0x11  }
0xc3: {  	s0 =	sor.u32 s1, s0  }
0xc4: {  	s0 =	sadd.s32 $0x8F2B, s0  }
0xc5: {  	[sflag:s0] =	ssyncadd.remote.s32 $0x1  }
0xc6: {  	_ =	sfence.sel $0xFFFF  }
0xc7: {  	[dreg:$0x0] =	wrdreg $0xFFFFFFFF;
	(pc) =	sbr.abs _section_cstart, $3  }
0xc8: {  	[dreg:$0x1] =	wrdreg $0xFFFFFFFF  }
0xc9: {  	_ =	task.clear_ibuf [dreg:s9], $0x2FFFF;
	_ =	strace $0x9FFFFFFF  }
0xca: {  	(tm) =	ssettm $0x7FFFFFFF  }
0xcb: {  	_ =	shalt  }
tec
execute0_lowered:
.L_overlay_start_1:
0x0: {  	(tag) =	ssettag $0x1  }
0x1: {  	s0 =	rddreg [dreg:$0x0]  }
0x2: {  	s2 =	srdreg.scid;
	s22 =	rddreg [dreg:$0x2]  }
0x3: {  	s1 =	stileid.u32;
	s8 =	rddreg [dreg:$0x3]  }
0x4: {  	s6 =	simm.s32 $0x0;
	s15 =	simm.s32 $0xC800;
	s21 =	simm.s32 $0x80  }
0x5: {  	s30 =	simm.s32 $0x19880;
	s31 =	simm.s32 $0x3;
	s16 =	simm.s32 $0x1A880  }
0x6: {  	s17 =	simm.s32 $0x4;
	s2 =	sand.u32 $0x1, s2;
	s3 =	sshll.u32 s1, $0x1  }
0x7: {  	[smem:$0x7FF] =	sst s6;
	s7 =	sadd.s32 $0x33000, s0;
	s28 =	sadd.s32 $0x4, s22  }
0x8: {  	s29 =	sadd.s32 $0x8, s22;
	s1 =	sadd.s32 $0xC, s22;
	s24 =	smov.u32 s8  }
0x9: {  	s13 =	sadd.s32 $0x10, s8;
	s3 =	sor.u32 s2, s3;
	s2 =	ssub.s32 $0x2, s2  }
0xa: {  	_ =	strace $0x80000047;
	[dreg:$0x7] =	wrdreg s28;
	s5 =	smul.u32 $0x6400, s3  }
0xb: {  	s22 =	simm.s32 $0x10880;
	[dreg:$0x8] =	wrdreg s29;
	s4 =	sshrl.u32 s2, $0x1  }
0xc: {  	[dreg:$0x9] =	wrdreg s1;
	s23 =	ssub.s32 s2, s4;
	s3 =	sshrl.u32 s5, $0x3  }
0xd: {  	s3 =	sadd.s32 s3, s0;
	s0 =	smax.u32 s23, $0x1;
	s23 =	simm.s32 $0x18880  }
0xe: {  	s25 =	sadd.s32 $0x1000, s3;
	s26 =	sadd.s32 $0x1A000, s3;
	[dreg:$0xa] =	wrdreg s0  }
0xf: {  	v1 =	vlaneseq.u32;
	s0 =	simm.s32 $0x5;
	s3 =	simm.s32 $0x0;
	[dreg:$0x5] =	wrdreg s25  }
0x10: {  	v0 =	vimm.s32 $0x0;
	v1 =	vmul.u32 $0x20, v1;
	[dreg:$0x6] =	wrdreg s26;
	s25 =	simm.s32 $0xA0;
	s26 =	simm.s32 $0x20  }
.LBB2_1:
0x11: {  	[dreg:$0xb] =	wrdreg s3  }
0x12: {  	s1 =	rddreg [dreg:$0x5]  }
0x13: {  	[tilespmem:s6], [sflag:$0x1] =	stream.linear.gather [hbm4b:s1+s6], $0x6400, $0x38;
	[tilespmem:$0x1BA00] =	vst v63  }
0x14: {  	s29 =	simm.s32 $0x6400;
	s9 =	rddreg [dreg:$0x6]  }
0x15: {  	[tilespmem:s29], [sflag:$0x1] =	stream.linear.gather [hbm4b:s9+s6], $0x6400, $0x38;
	[tilespmem:$0x1BA00] =	vst v63  }
0x16: {  	s10 =	rddreg [dreg:$0x2]  }
0x17: {  	[tilespmem:s15], [sflag:$0x1] =	stream.linear.gather [hbm4b:s10+s6], $0x20, $0x38;
	[tilespmem:$0x1BA00] =	vst v63  }
0x18: {  	s11 =	rddreg [dreg:$0x7];
	s2 =	simm.s32 $0xC820  }
0x19: {  	[tilespmem:s2], [sflag:$0x1] =	stream.linear.gather [hbm4b:s11+s6], $0x20, $0x38;
	[tilespmem:$0x1BA00] =	vst v63  }
0x1a: {  	s12 =	rddreg [dreg:$0x8];
	s14 =	simm.s32 $0xC840  }
0x1b: {  	[tilespmem:s14], [sflag:$0x1] =	stream.linear.gather [hbm4b:s12+s6], $0x20, $0x38;
	[tilespmem:$0x1BA00] =	vst v63  }
0x1c: {  	s18 =	rddreg [dreg:$0x9];
	s19 =	simm.s32 $0xC860;
	s20 =	simm.s32 $0x1  }
0x1d: {  	[tilespmem:s19], [sflag:$0x1] =	stream.linear.gather [hbm4b:s18+s6], $0x20, $0x38;
	[tilespmem:$0x1BA00] =	vst v63  }
0x1e: {  	_ =	swait.ge [sflag:s20], $0x6400  }
0x1f: {  	[sflag:s20] =	ssyncset.done $0x0  }
0x20: {  	[sflag:s20] =	ssyncadd.s32 $0xFFFF9C00  }
0x21: {  	_ =	swait.ge [sflag:s20], $0x6400  }
0x22: {  	[sflag:s20] =	ssyncset.done $0x0  }
0x23: {  	[sflag:s20] =	ssyncadd.s32 $0xFFFF9C00  }
0x24: {  	_ =	swait.ge [sflag:s20], $0x20  }
0x25: {  	[sflag:s20] =	ssyncset.done $0x0  }
0x26: {  	[sflag:s20] =	ssyncadd.s32 $0xFFFFFFE0  }
0x27: {  	_ =	swait.ge [sflag:s20], $0x20  }
0x28: {  	[sflag:s20] =	ssyncset.done $0x0  }
0x29: {  	[sflag:s20] =	ssyncadd.s32 $0xFFFFFFE0  }
0x2a: {  	_ =	swait.ge [sflag:s20], $0x20  }
0x2b: {  	[sflag:s20] =	ssyncset.done $0x0  }
0x2c: {  	[sflag:s20] =	ssyncadd.s32 $0xFFFFFFE0  }
0x2d: {  	_ =	swait.ge [sflag:s20], $0x20  }
0x2e: {  	s28 =	simm.s32 $0xC880;
	s4 =	simm.s32 $0x0;
	[sflag:s20] =	ssyncset.done $0x0  }
0x2f: {  	s8 =	simm.s32 $0x0;
	s11 =	simm.s32 $0x6480;
	[sflag:s20] =	ssyncadd.s32 $0xFFFFFFE0  }
0x30: {  	s12 =	simm.s32 $0x0;
	s14 =	simm.s32 $0x80;
	s1 =	rddreg [dreg:$0x1]  }
0x31: {  	[tilespmem:s28], [sflag:$0x2] =	stream.indirect.gather [hbm4b:s1+s21], $0x80, s6, s21, $0xb8;
	[tilespmem:$0x1BA00] =	vst v63  }
.LBB2_2:
0x32: {  	p0 =	seq.s32 s8, $0x0  }
0x33: {  	s3 =	simm.s32 @!p0 $0x6  }
0x34: {  	_ =	swait.ge @!p0 [sflag:s3], $0x4000  }
0x35: {  	[sflag:s3] =	ssyncset.done @!p0 $0x0  }
0x36: {  	[sflag:s3] =	ssyncadd.s32 @!p0 $0xFFFFC000  }
0x37: {  	_ =	swait.ge @!p0 [sflag:s3], $0x1000  }
0x38: {  	[sflag:s3] =	ssyncset.done @!p0 $0x0  }
0x39: {  	s28 =	smul.u32 $0x3, s8;
	[sflag:s3] =	ssyncadd.s32 @!p0 $0xFFFFF000  }
0x3a: {  	_ =	swait.ge @!p0 [sflag:s3], $0x80  }
0x3b: {  	s2 =	sadd.s32 $0x1, s28;
	[sflag:s3] =	ssyncset.done @!p0 $0x0  }
0x3c: {  	s2 =	sshll.u32 s2, $0x7;
	[sflag:s3] =	ssyncadd.s32 @!p0 $0xFFFFFF80  }
0x3d: {  	s19 =	sand.u32 $0x3FFFFF80, s2;
	s1 =	rddreg [dreg:$0x1]  }
0x3e: {  	[tilespmem:s22], [sflag:$0x3] =	stream.indirect.gather [hbm4b:s1+s21], $0x80, s19, s21, $0xb8;
	[tilespmem:$0x1BA00] =	vst v63  }
0x3f: {  	v2 =	vld [tilespmem:s4+$0x0];
	_ =	sdelay $0x4  }
0x40: {  	vm0 =	vne.s32 v2, $0x0  }
0x41: {  	s18 =	simm.s32 $0x1B880;
	v2 =	vsel vm0, $0x1, v0  }
0x42: {  	[tilespmem:s18+$0x0] =	vst v2  }
0x43: {  	v2 =	vld [tilespmem:s29+$0x0];
	_ =	sdelay $0x4  }
0x44: {  	v3 =	vshll.u32 v2, $0x5;
	_ =	sdelay $0x1  }
0x45: {  	s20 =	simm.s32 $0x0  }
0x46: {  	v2 =	vmov s20  }
0x47: {  	v2 =	vshll.u32 v2, $0x5  }
0x48: {  	v2 =	vor.u32 v1, v2;
	v4 =	vld.idx.msk [tilespmem:v3+s15+$0x0], $0xffff  }
0x49: {  	v5 =	vor.u32 $0x1, v3;
	_ =	sdelay $0x3  }
0x4a: {  	[tilespmem:v2+s23+$0x0] =	vst.idx.msk $0xffff, v4  }
0x4b: {  	v4 =	vld.idx.msk [tilespmem:v5+s15+$0x0], $0xffff;
	v5 =	vor.u32 $0x1, v2  }
0x4c: {  	v6 =	vor.u32 $0x2, v3;
	_ =	sdelay $0x3  }
0x4d: {  	[tilespmem:v5+s23+$0x0] =	vst.idx.msk $0xffff, v4  }
0x4e: {  	v5 =	vor.u32 $0x2, v2;
	v4 =	vld.idx.msk [tilespmem:v6+s15+$0x0], $0xffff  }
0x4f: {  	v6 =	vor.u32 $0x3, v3;
	_ =	sdelay $0x3  }
0x50: {  	[tilespmem:v5+s23+$0x0] =	vst.idx.msk $0xffff, v4  }
0x51: {  	v5 =	vor.u32 $0x3, v2;
	v4 =	vld.idx.msk [tilespmem:v6+s15+$0x0], $0xffff  }
0x52: {  	v6 =	vor.u32 $0x4, v3;
	_ =	sdelay $0x3  }
0x53: {  	[tilespmem:v5+s23+$0x0] =	vst.idx.msk $0xffff, v4  }
0x54: {  	v5 =	vor.u32 $0x4, v2;
	v4 =	vld.idx.msk [tilespmem:v6+s15+$0x0], $0xffff  }
0x55: {  	v6 =	vor.u32 $0x5, v3;
	_ =	sdelay $0x3  }
0x56: {  	[tilespmem:v5+s23+$0x0] =	vst.idx.msk $0xffff, v4  }
0x57: {  	v5 =	vor.u32 $0x5, v2;
	v4 =	vld.idx.msk [tilespmem:v6+s15+$0x0], $0xffff  }
0x58: {  	v6 =	vor.u32 $0x6, v3;
	_ =	sdelay $0x3  }
0x59: {  	[tilespmem:v5+s23+$0x0] =	vst.idx.msk $0xffff, v4  }
0x5a: {  	v5 =	vor.u32 $0x6, v2;
	v4 =	vld.idx.msk [tilespmem:v6+s15+$0x0], $0xffff  }
0x5b: {  	v6 =	vor.u32 $0x7, v3;
	_ =	sdelay $0x3  }
0x5c: {  	[tilespmem:v5+s23+$0x0] =	vst.idx.msk $0xffff, v4  }
0x5d: {  	v5 =	vor.u32 $0x7, v2;
	v4 =	vld.idx.msk [tilespmem:v6+s15+$0x0], $0xffff  }
0x5e: {  	v6 =	vor.u32 $0x8, v3;
	_ =	sdelay $0x3  }
0x5f: {  	[tilespmem:v5+s23+$0x0] =	vst.idx.msk $0xffff, v4  }
0x60: {  	v5 =	vor.u32 $0x8, v2;
	v4 =	vld.idx.msk [tilespmem:v6+s15+$0x0], $0xffff  }
0x61: {  	v6 =	vor.u32 $0x9, v3;
	_ =	sdelay $0x3  }
0x62: {  	[tilespmem:v5+s23+$0x0] =	vst.idx.msk $0xffff, v4  }
0x63: {  	v5 =	vor.u32 $0x9, v2;
	v4 =	vld.idx.msk [tilespmem:v6+s15+$0x0], $0xffff  }
0x64: {  	v6 =	vor.u32 $0xA, v3;
	_ =	sdelay $0x3  }
0x65: {  	[tilespmem:v5+s23+$0x0] =	vst.idx.msk $0xffff, v4  }
0x66: {  	v5 =	vor.u32 $0xA, v2;
	v4 =	vld.idx.msk [tilespmem:v6+s15+$0x0], $0xffff  }
0x67: {  	v6 =	vor.u32 $0xB, v3;
	_ =	sdelay $0x3  }
0x68: {  	[tilespmem:v5+s23+$0x0] =	vst.idx.msk $0xffff, v4  }
0x69: {  	v5 =	vor.u32 $0xB, v2;
	v4 =	vld.idx.msk [tilespmem:v6+s15+$0x0], $0xffff  }
0x6a: {  	v6 =	vor.u32 $0xC, v3;
	_ =	sdelay $0x3  }
0x6b: {  	[tilespmem:v5+s23+$0x0] =	vst.idx.msk $0xffff, v4  }
0x6c: {  	v5 =	vor.u32 $0xC, v2;
	v4 =	vld.idx.msk [tilespmem:v6+s15+$0x0], $0xffff  }
0x6d: {  	v6 =	vor.u32 $0xD, v3;
	_ =	sdelay $0x3  }
0x6e: {  	[tilespmem:v5+s23+$0x0] =	vst.idx.msk $0xffff, v4  }
0x6f: {  	v5 =	vor.u32 $0xD, v2;
	v4 =	vld.idx.msk [tilespmem:v6+s15+$0x0], $0xffff  }
0x70: {  	v6 =	vor.u32 $0xE, v3;
	_ =	sdelay $0x3  }
0x71: {  	[tilespmem:v5+s23+$0x0] =	vst.idx.msk $0xffff, v4  }
0x72: {  	v5 =	vor.u32 $0xE, v2;
	v4 =	vld.idx.msk [tilespmem:v6+s15+$0x0], $0xffff  }
0x73: {  	v6 =	vor.u32 $0xF, v3;
	_ =	sdelay $0x3  }
0x74: {  	[tilespmem:v5+s23+$0x0] =	vst.idx.msk $0xffff, v4  }
0x75: {  	v5 =	vor.u32 $0xF, v2;
	v4 =	vld.idx.msk [tilespmem:v6+s15+$0x0], $0xffff  }
0x76: {  	v6 =	vor.u32 $0x10, v3;
	_ =	sdelay $0x3  }
0x77: {  	[tilespmem:v5+s23+$0x0] =	vst.idx.msk $0xffff, v4  }
0x78: {  	v5 =	vor.u32 $0x10, v2;
	v4 =	vld.idx.msk [tilespmem:v6+s15+$0x0], $0xffff  }
0x79: {  	v6 =	vor.u32 $0x11, v3;
	_ =	sdelay $0x3  }
0x7a: {  	[tilespmem:v5+s23+$0x0] =	vst.idx.msk $0xffff, v4  }
0x7b: {  	v5 =	vor.u32 $0x11, v2;
	v4 =	vld.idx.msk [tilespmem:v6+s15+$0x0], $0xffff  }
0x7c: {  	v6 =	vor.u32 $0x12, v3;
	_ =	sdelay $0x3  }
0x7d: {  	[tilespmem:v5+s23+$0x0] =	vst.idx.msk $0xffff, v4  }
0x7e: {  	v5 =	vor.u32 $0x12, v2;
	v4 =	vld.idx.msk [tilespmem:v6+s15+$0x0], $0xffff  }
0x7f: {  	v6 =	vor.u32 $0x13, v3;
	_ =	sdelay $0x3  }
0x80: {  	[tilespmem:v5+s23+$0x0] =	vst.idx.msk $0xffff, v4  }
0x81: {  	v5 =	vor.u32 $0x13, v2;
	v4 =	vld.idx.msk [tilespmem:v6+s15+$0x0], $0xffff  }
0x82: {  	v6 =	vor.u32 $0x14, v3;
	_ =	sdelay $0x3  }
0x83: {  	[tilespmem:v5+s23+$0x0] =	vst.idx.msk $0xffff, v4  }
0x84: {  	v5 =	vor.u32 $0x14, v2;
	v4 =	vld.idx.msk [tilespmem:v6+s15+$0x0], $0xffff  }
0x85: {  	v6 =	vor.u32 $0x15, v3;
	_ =	sdelay $0x3  }
0x86: {  	[tilespmem:v5+s23+$0x0] =	vst.idx.msk $0xffff, v4  }
0x87: {  	v5 =	vor.u32 $0x15, v2;
	v4 =	vld.idx.msk [tilespmem:v6+s15+$0x0], $0xffff  }
0x88: {  	v6 =	vor.u32 $0x16, v3;
	_ =	sdelay $0x3  }
0x89: {  	[tilespmem:v5+s23+$0x0] =	vst.idx.msk $0xffff, v4  }
0x8a: {  	v5 =	vor.u32 $0x16, v2;
	v4 =	vld.idx.msk [tilespmem:v6+s15+$0x0], $0xffff  }
0x8b: {  	v6 =	vor.u32 $0x17, v3;
	_ =	sdelay $0x3  }
0x8c: {  	[tilespmem:v5+s23+$0x0] =	vst.idx.msk $0xffff, v4  }
0x8d: {  	v5 =	vor.u32 $0x17, v2;
	v4 =	vld.idx.msk [tilespmem:v6+s15+$0x0], $0xffff  }
0x8e: {  	v6 =	vor.u32 $0x18, v3;
	_ =	sdelay $0x3  }
0x8f: {  	[tilespmem:v5+s23+$0x0] =	vst.idx.msk $0xffff, v4  }
0x90: {  	v5 =	vor.u32 $0x18, v2;
	v4 =	vld.idx.msk [tilespmem:v6+s15+$0x0], $0xffff  }
0x91: {  	v6 =	vor.u32 $0x19, v3;
	_ =	sdelay $0x3  }
0x92: {  	[tilespmem:v5+s23+$0x0] =	vst.idx.msk $0xffff, v4  }
0x93: {  	v5 =	vor.u32 $0x19, v2;
	v4 =	vld.idx.msk [tilespmem:v6+s15+$0x0], $0xffff  }
0x94: {  	v6 =	vor.u32 $0x1A, v3;
	_ =	sdelay $0x3  }
0x95: {  	[tilespmem:v5+s23+$0x0] =	vst.idx.msk $0xffff, v4  }
0x96: {  	v5 =	vor.u32 $0x1A, v2;
	v4 =	vld.idx.msk [tilespmem:v6+s15+$0x0], $0xffff  }
0x97: {  	v6 =	vor.u32 $0x1B, v3;
	_ =	sdelay $0x3  }
0x98: {  	[tilespmem:v5+s23+$0x0] =	vst.idx.msk $0xffff, v4  }
0x99: {  	v5 =	vor.u32 $0x1B, v2;
	v4 =	vld.idx.msk [tilespmem:v6+s15+$0x0], $0xffff  }
0x9a: {  	v6 =	vor.u32 $0x1C, v3;
	_ =	sdelay $0x3  }
0x9b: {  	[tilespmem:v5+s23+$0x0] =	vst.idx.msk $0xffff, v4  }
0x9c: {  	v5 =	vor.u32 $0x1C, v2;
	v4 =	vld.idx.msk [tilespmem:v6+s15+$0x0], $0xffff  }
0x9d: {  	v6 =	vor.u32 $0x1D, v3;
	_ =	sdelay $0x3  }
0x9e: {  	[tilespmem:v5+s23+$0x0] =	vst.idx.msk $0xffff, v4  }
0x9f: {  	v5 =	vor.u32 $0x1D, v2;
	v4 =	vld.idx.msk [tilespmem:v6+s15+$0x0], $0xffff  }
0xa0: {  	v6 =	vor.u32 $0x1E, v3;
	_ =	sdelay $0x3  }
0xa1: {  	[tilespmem:v5+s23+$0x0] =	vst.idx.msk $0xffff, v4  }
0xa2: {  	v5 =	vor.u32 $0x1E, v2;
	v4 =	vld.idx.msk [tilespmem:v6+s15+$0x0], $0xffff  }
0xa3: {  	v3 =	vor.u32 $0x1F, v3;
	_ =	sdelay $0x1  }
0xa4: {  	s22 =	smin.u32 s12, $0xC5  }
0xa5: {  	s3 =	sshll.u32 s22, $0x7  }
0xa6: {  	s10 =	smov.u32 s29;
	s22 =	simm.s32 $0x10;
	s9 =	sadd.s32 $0x6500, s3;
	[tilespmem:v5+s23+$0x0] =	vst.idx.msk $0xffff, v4  }
0xa7: {  	s19 =	sadd.s32 $0x100, s3;
	s3 =	smov.u32 s4;
	s20 =	smul.u32 $0x180, s8;
	v2 =	vor.u32 $0x1F, v2;
	v4 =	vld.idx.msk [tilespmem:v3+s15+$0x0], $0xffff  }
.LBB2_3:
0xa8: {  	_ =	sdelay $0x3  }
0xa9: {  	s10 =	sadd.s32 $0x10, s10;
	s3 =	sadd.s32 $0x10, s3;
	s18 =	sadd.s32 $0x10, s18;
	[tilespmem:v2+s23+$0x0] =	vst.idx.msk $0xffff, v4  }
0xaa: {  	p1 =	sne.s32 s22, $0x70;
	s1 =	smov.u32 s22;
	s22 =	sadd.s32 $0x10, s22;
	v2 =	vld [tilespmem:s3+$0x0]  }
0xab: {  	_ =	sdelay $0x3  }
0xac: {  	vm0 =	vne.s32 v2, $0x0  }
0xad: {  	v2 =	vsel vm0, $0x1, v0  }
0xae: {  	[tilespmem:s18+$0x0] =	vst v2  }
0xaf: {  	v2 =	vld [tilespmem:s10+$0x0];
	_ =	sdelay $0x4  }
0xb0: {  	v2 =	vshll.u32 v2, $0x5;
	_ =	sdelay $0x3  }
0xb1: {  	v3 =	vmov s1  }
0xb2: {  	v3 =	vshll.u32 v3, $0x5;
	v4 =	vld.idx.msk [tilespmem:v2+s15+$0x0], $0xffff  }
0xb3: {  	v3 =	vor.u32 v1, v3  }
0xb4: {  	v5 =	vor.u32 $0x1, v2;
	_ =	sdelay $0x3  }
0xb5: {  	[tilespmem:v3+s23+$0x0] =	vst.idx.msk $0xffff, v4  }
0xb6: {  	v4 =	vld.idx.msk [tilespmem:v5+s15+$0x0], $0xffff  }
0xb7: {  	v5 =	vor.u32 $0x1, v3  }
0xb8: {  	v6 =	vor.u32 $0x2, v2;
	_ =	sdelay $0x3  }
0xb9: {  	[tilespmem:v5+s23+$0x0] =	vst.idx.msk $0xffff, v4  }
0xba: {  	v4 =	vld.idx.msk [tilespmem:v6+s15+$0x0], $0xffff  }
0xbb: {  	v5 =	vor.u32 $0x2, v3  }
0xbc: {  	v6 =	vor.u32 $0x3, v2;
	_ =	sdelay $0x3  }
0xbd: {  	[tilespmem:v5+s23+$0x0] =	vst.idx.msk $0xffff, v4  }
0xbe: {  	v4 =	vld.idx.msk [tilespmem:v6+s15+$0x0], $0xffff  }
0xbf: {  	v5 =	vor.u32 $0x3, v3  }
0xc0: {  	v6 =	vor.u32 $0x4, v2;
	_ =	sdelay $0x3  }
0xc1: {  	[tilespmem:v5+s23+$0x0] =	vst.idx.msk $0xffff, v4  }
0xc2: {  	v4 =	vld.idx.msk [tilespmem:v6+s15+$0x0], $0xffff  }
0xc3: {  	v5 =	vor.u32 $0x4, v3  }
0xc4: {  	v6 =	vor.u32 $0x5, v2;
	_ =	sdelay $0x3  }
0xc5: {  	[tilespmem:v5+s23+$0x0] =	vst.idx.msk $0xffff, v4  }
0xc6: {  	v4 =	vld.idx.msk [tilespmem:v6+s15+$0x0], $0xffff  }
0xc7: {  	v5 =	vor.u32 $0x5, v3  }
0xc8: {  	v6 =	vor.u32 $0x6, v2;
	_ =	sdelay $0x3  }
0xc9: {  	[tilespmem:v5+s23+$0x0] =	vst.idx.msk $0xffff, v4  }
0xca: {  	v4 =	vld.idx.msk [tilespmem:v6+s15+$0x0], $0xffff  }
0xcb: {  	v5 =	vor.u32 $0x6, v3  }
0xcc: {  	v6 =	vor.u32 $0x7, v2;
	_ =	sdelay $0x3  }
0xcd: {  	[tilespmem:v5+s23+$0x0] =	vst.idx.msk $0xffff, v4  }
0xce: {  	v4 =	vld.idx.msk [tilespmem:v6+s15+$0x0], $0xffff  }
0xcf: {  	v5 =	vor.u32 $0x7, v3  }
0xd0: {  	v6 =	vor.u32 $0x8, v2;
	_ =	sdelay $0x3  }
0xd1: {  	[tilespmem:v5+s23+$0x0] =	vst.idx.msk $0xffff, v4  }
0xd2: {  	v4 =	vld.idx.msk [tilespmem:v6+s15+$0x0], $0xffff  }
0xd3: {  	v5 =	vor.u32 $0x8, v3  }
0xd4: {  	v6 =	vor.u32 $0x9, v2;
	_ =	sdelay $0x3  }
0xd5: {  	[tilespmem:v5+s23+$0x0] =	vst.idx.msk $0xffff, v4  }
0xd6: {  	v4 =	vld.idx.msk [tilespmem:v6+s15+$0x0], $0xffff  }
0xd7: {  	v5 =	vor.u32 $0x9, v3  }
0xd8: {  	v6 =	vor.u32 $0xA, v2;
	_ =	sdelay $0x3  }
0xd9: {  	[tilespmem:v5+s23+$0x0] =	vst.idx.msk $0xffff, v4  }
0xda: {  	v4 =	vld.idx.msk [tilespmem:v6+s15+$0x0], $0xffff  }
0xdb: {  	v5 =	vor.u32 $0xA, v3  }
0xdc: {  	v6 =	vor.u32 $0xB, v2;
	_ =	sdelay $0x3  }
0xdd: {  	[tilespmem:v5+s23+$0x0] =	vst.idx.msk $0xffff, v4  }
0xde: {  	v4 =	vld.idx.msk [tilespmem:v6+s15+$0x0], $0xffff  }
0xdf: {  	v5 =	vor.u32 $0xB, v3  }
0xe0: {  	v6 =	vor.u32 $0xC, v2;
	_ =	sdelay $0x3  }
0xe1: {  	[tilespmem:v5+s23+$0x0] =	vst.idx.msk $0xffff, v4  }
0xe2: {  	v4 =	vld.idx.msk [tilespmem:v6+s15+$0x0], $0xffff  }
0xe3: {  	v5 =	vor.u32 $0xC, v3  }
0xe4: {  	v6 =	vor.u32 $0xD, v2;
	_ =	sdelay $0x3  }
0xe5: {  	[tilespmem:v5+s23+$0x0] =	vst.idx.msk $0xffff, v4  }
0xe6: {  	v4 =	vld.idx.msk [tilespmem:v6+s15+$0x0], $0xffff  }
0xe7: {  	v5 =	vor.u32 $0xD, v3  }
0xe8: {  	v6 =	vor.u32 $0xE, v2;
	_ =	sdelay $0x3  }
0xe9: {  	[tilespmem:v5+s23+$0x0] =	vst.idx.msk $0xffff, v4  }
0xea: {  	v4 =	vld.idx.msk [tilespmem:v6+s15+$0x0], $0xffff  }
0xeb: {  	v5 =	vor.u32 $0xE, v3  }
0xec: {  	v6 =	vor.u32 $0xF, v2;
	_ =	sdelay $0x3  }
0xed: {  	[tilespmem:v5+s23+$0x0] =	vst.idx.msk $0xffff, v4  }
0xee: {  	v4 =	vld.idx.msk [tilespmem:v6+s15+$0x0], $0xffff  }
0xef: {  	v5 =	vor.u32 $0xF, v3  }
0xf0: {  	v6 =	vor.u32 $0x10, v2;
	_ =	sdelay $0x3  }
0xf1: {  	[tilespmem:v5+s23+$0x0] =	vst.idx.msk $0xffff, v4  }
0xf2: {  	v4 =	vld.idx.msk [tilespmem:v6+s15+$0x0], $0xffff  }
0xf3: {  	v5 =	vor.u32 $0x10, v3  }
0xf4: {  	v6 =	vor.u32 $0x11, v2;
	_ =	sdelay $0x3  }
0xf5: {  	[tilespmem:v5+s23+$0x0] =	vst.idx.msk $0xffff, v4  }
0xf6: {  	v4 =	vld.idx.msk [tilespmem:v6+s15+$0x0], $0xffff  }
0xf7: {  	v5 =	vor.u32 $0x11, v3  }
0xf8: {  	v6 =	vor.u32 $0x12, v2;
	_ =	sdelay $0x3  }
0xf9: {  	[tilespmem:v5+s23+$0x0] =	vst.idx.msk $0xffff, v4  }
0xfa: {  	v4 =	vld.idx.msk [tilespmem:v6+s15+$0x0], $0xffff  }
0xfb: {  	v5 =	vor.u32 $0x12, v3  }
0xfc: {  	v6 =	vor.u32 $0x13, v2;
	_ =	sdelay $0x3  }
0xfd: {  	[tilespmem:v5+s23+$0x0] =	vst.idx.msk $0xffff, v4  }
0xfe: {  	v4 =	vld.idx.msk [tilespmem:v6+s15+$0x0], $0xffff  }
0xff: {  	v5 =	vor.u32 $0x13, v3  }
0x100: {  	v6 =	vor.u32 $0x14, v2;
	_ =	sdelay $0x3  }
0x101: {  	[tilespmem:v5+s23+$0x0] =	vst.idx.msk $0xffff, v4  }
0x102: {  	v4 =	vld.idx.msk [tilespmem:v6+s15+$0x0], $0xffff  }
0x103: {  	v5 =	vor.u32 $0x14, v3  }
0x104: {  	v6 =	vor.u32 $0x15, v2;
	_ =	sdelay $0x3  }
0x105: {  	[tilespmem:v5+s23+$0x0] =	vst.idx.msk $0xffff, v4  }
0x106: {  	v4 =	vld.idx.msk [tilespmem:v6+s15+$0x0], $0xffff  }
0x107: {  	v5 =	vor.u32 $0x15, v3  }
0x108: {  	v6 =	vor.u32 $0x16, v2;
	_ =	sdelay $0x3  }
0x109: {  	[tilespmem:v5+s23+$0x0] =	vst.idx.msk $0xffff, v4  }
0x10a: {  	v4 =	vld.idx.msk [tilespmem:v6+s15+$0x0], $0xffff  }
0x10b: {  	v5 =	vor.u32 $0x16, v3  }
0x10c: {  	v6 =	vor.u32 $0x17, v2;
	_ =	sdelay $0x3  }
0x10d: {  	[tilespmem:v5+s23+$0x0] =	vst.idx.msk $0xffff, v4  }
0x10e: {  	v4 =	vld.idx.msk [tilespmem:v6+s15+$0x0], $0xffff  }
0x10f: {  	v5 =	vor.u32 $0x17, v3  }
0x110: {  	v6 =	vor.u32 $0x18, v2;
	_ =	sdelay $0x3  }
0x111: {  	[tilespmem:v5+s23+$0x0] =	vst.idx.msk $0xffff, v4  }
0x112: {  	v4 =	vld.idx.msk [tilespmem:v6+s15+$0x0], $0xffff  }
0x113: {  	v5 =	vor.u32 $0x18, v3  }
0x114: {  	v6 =	vor.u32 $0x19, v2;
	_ =	sdelay $0x3  }
0x115: {  	[tilespmem:v5+s23+$0x0] =	vst.idx.msk $0xffff, v4  }
0x116: {  	v4 =	vld.idx.msk [tilespmem:v6+s15+$0x0], $0xffff  }
0x117: {  	v5 =	vor.u32 $0x19, v3  }
0x118: {  	v6 =	vor.u32 $0x1A, v2;
	_ =	sdelay $0x3  }
0x119: {  	[tilespmem:v5+s23+$0x0] =	vst.idx.msk $0xffff, v4  }
0x11a: {  	v4 =	vld.idx.msk [tilespmem:v6+s15+$0x0], $0xffff  }
0x11b: {  	v5 =	vor.u32 $0x1A, v3  }
0x11c: {  	v6 =	vor.u32 $0x1B, v2;
	_ =	sdelay $0x3  }
0x11d: {  	[tilespmem:v5+s23+$0x0] =	vst.idx.msk $0xffff, v4  }
0x11e: {  	v4 =	vld.idx.msk [tilespmem:v6+s15+$0x0], $0xffff  }
0x11f: {  	v5 =	vor.u32 $0x1B, v3  }
0x120: {  	v6 =	vor.u32 $0x1C, v2;
	_ =	sdelay $0x3  }
0x121: {  	[tilespmem:v5+s23+$0x0] =	vst.idx.msk $0xffff, v4  }
0x122: {  	v4 =	vld.idx.msk [tilespmem:v6+s15+$0x0], $0xffff  }
0x123: {  	v5 =	vor.u32 $0x1C, v3  }
0x124: {  	v6 =	vor.u32 $0x1D, v2;
	_ =	sdelay $0x3  }
0x125: {  	[tilespmem:v5+s23+$0x0] =	vst.idx.msk $0xffff, v4  }
0x126: {  	v4 =	vld.idx.msk [tilespmem:v6+s15+$0x0], $0xffff  }
0x127: {  	v5 =	vor.u32 $0x1D, v3  }
0x128: {  	v6 =	vor.u32 $0x1E, v2;
	_ =	sdelay $0x3  }
0x129: {  	[tilespmem:v5+s23+$0x0] =	vst.idx.msk $0xffff, v4  }
0x12a: {  	v4 =	vld.idx.msk [tilespmem:v6+s15+$0x0], $0xffff  }
0x12b: {  	v5 =	vor.u32 $0x1E, v3  }
0x12c: {  	v2 =	vor.u32 $0x1F, v2;
	_ =	sdelay $0x1  }
.Ltmp0:
0x12d: {  	(pc) =	sbr.rel @p1 .LBB2_3-.Ltmp0, $4  }
0x12e: {  	_ = 	snop  }
0x12f: {  	[tilespmem:v5+s23+$0x0] =	vst.idx.msk $0xffff, v4  }
0x130: {  	v4 =	vld.idx.msk [tilespmem:v2+s15+$0x0], $0xffff  }
0x131: {  	v2 =	vor.u32 $0x1F, v3  }
0x132: {  	_ =	sdelay $0x3  }
0x133: {  	s1 =	sadd.s32 s5, s20;
	s10 =	simm.s32 $0x2;
	[tilespmem:v2+s23+$0x0] =	vst.idx.msk $0xffff, v4  }
0x134: {  	s3 =	smul.u32 $0x14, s1;
	_ =	swait.ge [sflag:s10], $0x4000  }
0x135: {  	[sflag:s10] =	ssyncset.done $0x0  }
0x136: {  	s18 =	simm.s32 $0xC880;
	s22 =	sadd.s32 s24, s3;
	[sflag:s10] =	ssyncadd.s32 $0xFFFFC000  }
0x137: {  	[hbm4b:s22+s21] =	stream.strided.scatter [tilespmem:s18], [sflag:$0x5], $0x4000, s25, s21, $0x38;
	[tilespmem:$0x1BA00] =	vst v63  }
0x138: {  	s1 =	sshrl.u32 s1, $0x3;
	s3 =	sadd.s32 s3, s13  }
0x139: {  	[hbm4b:s3+s26] =	stream.strided.scatter [tilespmem:s23], [sflag:$0x5], $0x1000, s25, s26, $0x38;
	[tilespmem:$0x1BA00] =	vst v63  }
0x13a: {  	s1 =	sadd.s32 s7, s1;
	s10 =	simm.s32 $0x1B880  }
0x13b: {  	[hbm4b:s1+s6] =	stream.linear.scatter [tilespmem:s10], [sflag:$0x5], $0x80, $0x38;
	[tilespmem:$0x1BA00] =	vst v63  }
0x13c: {  	s1 =	simm.s32 @!p0 $0x7  }
0x13d: {  	_ =	swait.ge @!p0 [sflag:s1], $0x4000  }
0x13e: {  	[sflag:s1] =	ssyncset.done @!p0 $0x0  }
0x13f: {  	[sflag:s1] =	ssyncadd.s32 @!p0 $0xFFFFC000  }
0x140: {  	_ =	swait.ge @!p0 [sflag:s1], $0x1000  }
0x141: {  	[sflag:s1] =	ssyncset.done @!p0 $0x0  }
0x142: {  	[sflag:s1] =	ssyncadd.s32 @!p0 $0xFFFFF000  }
0x143: {  	_ =	swait.ge @!p0 [sflag:s1], $0x80  }
0x144: {  	s18 =	smin.u32 s28, $0xC5;
	[sflag:s1] =	ssyncset.done @!p0 $0x0  }
0x145: {  	s3 =	sadd.s32 $0x2, s18;
	[sflag:s1] =	ssyncadd.s32 @!p0 $0xFFFFFF80  }
0x146: {  	s20 =	simm.s32 $0x14880;
	s18 =	sshll.u32 s3, $0x7;
	s1 =	rddreg [dreg:$0x1]  }
0x147: {  	[tilespmem:s20], [sflag:$0x4] =	stream.indirect.gather [hbm4b:s1+s21], $0x80, s18, s21, $0xb8;
	[tilespmem:$0x1BA00] =	vst v63  }
0x148: {  	v2 =	vld [tilespmem:s14+$0x0];
	_ =	sdelay $0x4  }
0x149: {  	vm0 =	vne.s32 v2, $0x0  }
0x14a: {  	s20 =	simm.s32 $0x1B900;
	v2 =	vsel vm0, $0x1, v0  }
0x14b: {  	[tilespmem:s20+$0x0] =	vst v2  }
0x14c: {  	v2 =	vld [tilespmem:s11+$0x0];
	_ =	sdelay $0x4  }
0x14d: {  	v2 =	vshll.u32 v2, $0x5;
	_ =	sdelay $0x1  }
0x14e: {  	s22 =	simm.s32 $0x0  }
0x14f: {  	v3 =	vmov s22  }
0x150: {  	v3 =	vshll.u32 v3, $0x5  }
0x151: {  	v3 =	vor.u32 v1, v3;
	v4 =	vld.idx.msk [tilespmem:v2+s15+$0x0], $0xffff  }
0x152: {  	v5 =	vor.u32 $0x1, v2;
	_ =	sdelay $0x3  }
0x153: {  	[tilespmem:v3+s30+$0x0] =	vst.idx.msk $0xffff, v4  }
0x154: {  	v4 =	vld.idx.msk [tilespmem:v5+s15+$0x0], $0xffff;
	v5 =	vor.u32 $0x1, v3  }
0x155: {  	v6 =	vor.u32 $0x2, v2;
	_ =	sdelay $0x3  }
0x156: {  	[tilespmem:v5+s30+$0x0] =	vst.idx.msk $0xffff, v4  }
0x157: {  	v5 =	vor.u32 $0x2, v3;
	v4 =	vld.idx.msk [tilespmem:v6+s15+$0x0], $0xffff  }
0x158: {  	v36 =	vor.u32 $0x3, v2;
	_ =	sdelay $0x3  }
0x159: {  	[tilespmem:v5+s30+$0x0] =	vst.idx.msk $0xffff, v4  }
0x15a: {  	v5 =	vor.u32 $0x3, v3;
	v4 =	vld.idx.msk [tilespmem:v36+s15+$0x0], $0xffff  }
0x15b: {  	v37 =	vor.u32 $0x4, v2;
	_ =	sdelay $0x3  }
0x15c: {  	[tilespmem:v5+s30+$0x0] =	vst.idx.msk $0xffff, v4  }
0x15d: {  	v5 =	vor.u32 $0x4, v3;
	v4 =	vld.idx.msk [tilespmem:v37+s15+$0x0], $0xffff  }
0x15e: {  	v38 =	vor.u32 $0x5, v2;
	_ =	sdelay $0x3  }
0x15f: {  	[tilespmem:v5+s30+$0x0] =	vst.idx.msk $0xffff, v4  }
0x160: {  	v5 =	vor.u32 $0x5, v3;
	v4 =	vld.idx.msk [tilespmem:v38+s15+$0x0], $0xffff  }
0x161: {  	v39 =	vor.u32 $0x6, v2;
	_ =	sdelay $0x3  }
0x162: {  	[tilespmem:v5+s30+$0x0] =	vst.idx.msk $0xffff, v4  }
0x163: {  	v5 =	vor.u32 $0x6, v3;
	v4 =	vld.idx.msk [tilespmem:v39+s15+$0x0], $0xffff  }
0x164: {  	v40 =	vor.u32 $0x7, v2;
	_ =	sdelay $0x3  }
0x165: {  	[tilespmem:v5+s30+$0x0] =	vst.idx.msk $0xffff, v4  }
0x166: {  	v5 =	vor.u32 $0x7, v3;
	v4 =	vld.idx.msk [tilespmem:v40+s15+$0x0], $0xffff  }
0x167: {  	v41 =	vor.u32 $0x8, v2;
	_ =	sdelay $0x3  }
0x168: {  	[tilespmem:v5+s30+$0x0] =	vst.idx.msk $0xffff, v4  }
0x169: {  	v5 =	vor.u32 $0x8, v3;
	v4 =	vld.idx.msk [tilespmem:v41+s15+$0x0], $0xffff  }
0x16a: {  	v42 =	vor.u32 $0x9, v2;
	_ =	sdelay $0x3  }
0x16b: {  	[tilespmem:v5+s30+$0x0] =	vst.idx.msk $0xffff, v4  }
0x16c: {  	v5 =	vor.u32 $0x9, v3;
	v4 =	vld.idx.msk [tilespmem:v42+s15+$0x0], $0xffff  }
0x16d: {  	v43 =	vor.u32 $0xA, v2;
	_ =	sdelay $0x3  }
0x16e: {  	[tilespmem:v5+s30+$0x0] =	vst.idx.msk $0xffff, v4  }
0x16f: {  	v5 =	vor.u32 $0xA, v3;
	v4 =	vld.idx.msk [tilespmem:v43+s15+$0x0], $0xffff  }
0x170: {  	v44 =	vor.u32 $0xB, v2;
	_ =	sdelay $0x3  }
0x171: {  	[tilespmem:v5+s30+$0x0] =	vst.idx.msk $0xffff, v4  }
0x172: {  	v5 =	vor.u32 $0xB, v3;
	v4 =	vld.idx.msk [tilespmem:v44+s15+$0x0], $0xffff  }
0x173: {  	v45 =	vor.u32 $0xC, v2;
	_ =	sdelay $0x3  }
0x174: {  	[tilespmem:v5+s30+$0x0] =	vst.idx.msk $0xffff, v4  }
0x175: {  	v5 =	vor.u32 $0xC, v3;
	v4 =	vld.idx.msk [tilespmem:v45+s15+$0x0], $0xffff  }
0x176: {  	v46 =	vor.u32 $0xD, v2;
	_ =	sdelay $0x3  }
0x177: {  	[tilespmem:v5+s30+$0x0] =	vst.idx.msk $0xffff, v4  }
0x178: {  	v5 =	vor.u32 $0xD, v3;
	v4 =	vld.idx.msk [tilespmem:v46+s15+$0x0], $0xffff  }
0x179: {  	v47 =	vor.u32 $0xE, v2;
	_ =	sdelay $0x3  }
0x17a: {  	[tilespmem:v5+s30+$0x0] =	vst.idx.msk $0xffff, v4  }
0x17b: {  	v5 =	vor.u32 $0xE, v3;
	v4 =	vld.idx.msk [tilespmem:v47+s15+$0x0], $0xffff  }
0x17c: {  	v48 =	vor.u32 $0xF, v2;
	_ =	sdelay $0x3  }
0x17d: {  	[tilespmem:v5+s30+$0x0] =	vst.idx.msk $0xffff, v4  }
0x17e: {  	v5 =	vor.u32 $0xF, v3;
	v4 =	vld.idx.msk [tilespmem:v48+s15+$0x0], $0xffff  }
0x17f: {  	v49 =	vor.u32 $0x10, v2;
	_ =	sdelay $0x3  }
0x180: {  	[tilespmem:v5+s30+$0x0] =	vst.idx.msk $0xffff, v4  }
0x181: {  	v5 =	vor.u32 $0x10, v3;
	v4 =	vld.idx.msk [tilespmem:v49+s15+$0x0], $0xffff  }
0x182: {  	v50 =	vor.u32 $0x11, v2;
	_ =	sdelay $0x3  }
0x183: {  	[tilespmem:v5+s30+$0x0] =	vst.idx.msk $0xffff, v4  }
0x184: {  	v5 =	vor.u32 $0x11, v3;
	v4 =	vld.idx.msk [tilespmem:v50+s15+$0x0], $0xffff  }
0x185: {  	v51 =	vor.u32 $0x12, v2;
	_ =	sdelay $0x3  }
0x186: {  	[tilespmem:v5+s30+$0x0] =	vst.idx.msk $0xffff, v4  }
0x187: {  	v5 =	vor.u32 $0x12, v3;
	v4 =	vld.idx.msk [tilespmem:v51+s15+$0x0], $0xffff  }
0x188: {  	v52 =	vor.u32 $0x13, v2;
	_ =	sdelay $0x3  }
0x189: {  	[tilespmem:v5+s30+$0x0] =	vst.idx.msk $0xffff, v4  }
0x18a: {  	v5 =	vor.u32 $0x13, v3;
	v4 =	vld.idx.msk [tilespmem:v52+s15+$0x0], $0xffff  }
0x18b: {  	v53 =	vor.u32 $0x14, v2;
	_ =	sdelay $0x3  }
0x18c: {  	[tilespmem:v5+s30+$0x0] =	vst.idx.msk $0xffff, v4  }
0x18d: {  	v5 =	vor.u32 $0x14, v3;
	v4 =	vld.idx.msk [tilespmem:v53+s15+$0x0], $0xffff  }
0x18e: {  	v54 =	vor.u32 $0x15, v2;
	_ =	sdelay $0x3  }
0x18f: {  	[tilespmem:v5+s30+$0x0] =	vst.idx.msk $0xffff, v4  }
0x190: {  	v5 =	vor.u32 $0x15, v3;
	v4 =	vld.idx.msk [tilespmem:v54+s15+$0x0], $0xffff  }
0x191: {  	v55 =	vor.u32 $0x16, v2;
	_ =	sdelay $0x3  }
0x192: {  	[tilespmem:v5+s30+$0x0] =	vst.idx.msk $0xffff, v4  }
0x193: {  	v5 =	vor.u32 $0x16, v3;
	v4 =	vld.idx.msk [tilespmem:v55+s15+$0x0], $0xffff  }
0x194: {  	v56 =	vor.u32 $0x17, v2;
	_ =	sdelay $0x3  }
0x195: {  	[tilespmem:v5+s30+$0x0] =	vst.idx.msk $0xffff, v4  }
0x196: {  	v5 =	vor.u32 $0x17, v3;
	v4 =	vld.idx.msk [tilespmem:v56+s15+$0x0], $0xffff  }
0x197: {  	v57 =	vor.u32 $0x18, v2;
	_ =	sdelay $0x3  }
0x198: {  	[tilespmem:v5+s30+$0x0] =	vst.idx.msk $0xffff, v4  }
0x199: {  	v5 =	vor.u32 $0x18, v3;
	v4 =	vld.idx.msk [tilespmem:v57+s15+$0x0], $0xffff  }
0x19a: {  	v58 =	vor.u32 $0x19, v2;
	_ =	sdelay $0x3  }
0x19b: {  	[tilespmem:v5+s30+$0x0] =	vst.idx.msk $0xffff, v4  }
0x19c: {  	v5 =	vor.u32 $0x19, v3;
	v4 =	vld.idx.msk [tilespmem:v58+s15+$0x0], $0xffff  }
0x19d: {  	v59 =	vor.u32 $0x1A, v2;
	_ =	sdelay $0x3  }
0x19e: {  	[tilespmem:v5+s30+$0x0] =	vst.idx.msk $0xffff, v4  }
0x19f: {  	v5 =	vor.u32 $0x1A, v3;
	v4 =	vld.idx.msk [tilespmem:v59+s15+$0x0], $0xffff  }
0x1a0: {  	v60 =	vor.u32 $0x1B, v2;
	_ =	sdelay $0x3  }
0x1a1: {  	[tilespmem:v5+s30+$0x0] =	vst.idx.msk $0xffff, v4  }
0x1a2: {  	v5 =	vor.u32 $0x1B, v3;
	v4 =	vld.idx.msk [tilespmem:v60+s15+$0x0], $0xffff  }
0x1a3: {  	v61 =	vor.u32 $0x1C, v2;
	_ =	sdelay $0x3  }
0x1a4: {  	[tilespmem:v5+s30+$0x0] =	vst.idx.msk $0xffff, v4  }
0x1a5: {  	v5 =	vor.u32 $0x1C, v3;
	v4 =	vld.idx.msk [tilespmem:v61+s15+$0x0], $0xffff  }
0x1a6: {  	v62 =	vor.u32 $0x1D, v2;
	_ =	sdelay $0x3  }
0x1a7: {  	[tilespmem:v5+s30+$0x0] =	vst.idx.msk $0xffff, v4  }
0x1a8: {  	v5 =	vor.u32 $0x1D, v3;
	v4 =	vld.idx.msk [tilespmem:v62+s15+$0x0], $0xffff  }
0x1a9: {  	v63 =	vor.u32 $0x1E, v2;
	_ =	sdelay $0x3  }
0x1aa: {  	[tilespmem:v5+s30+$0x0] =	vst.idx.msk $0xffff, v4  }
0x1ab: {  	v5 =	vor.u32 $0x1E, v3;
	v4 =	vld.idx.msk [tilespmem:v63+s15+$0x0], $0xffff  }
0x1ac: {  	v2 =	vor.u32 $0x1F, v2;
	_ =	sdelay $0x3  }
0x1ad: {  	[tilespmem:v5+s30+$0x0] =	vst.idx.msk $0xffff, v4  }
0x1ae: {  	s22 =	simm.s32 $0x10;
	s3 =	smov.u32 s14;
	s10 =	smov.u32 s11;
	v3 =	vor.u32 $0x1F, v3;
	v2 =	vld.idx.msk [tilespmem:v2+s15+$0x0], $0xffff  }
.LBB2_5:
0x1af: {  	_ =	sdelay $0x3  }
0x1b0: {  	s10 =	sadd.s32 $0x10, s10;
	s3 =	sadd.s32 $0x10, s3;
	s20 =	sadd.s32 $0x10, s20;
	[tilespmem:v3+s30+$0x0] =	vst.idx.msk $0xffff, v2  }
0x1b1: {  	p0 =	sne.s32 s22, $0x70;
	s1 =	smov.u32 s22;
	s22 =	sadd.s32 $0x10, s22;
	v2 =	vld [tilespmem:s3+$0x0]  }
0x1b2: {  	_ =	sdelay $0x3  }
0x1b3: {  	vm0 =	vne.s32 v2, $0x0  }
0x1b4: {  	v2 =	vsel vm0, $0x1, v0  }
0x1b5: {  	[tilespmem:s20+$0x0] =	vst v2  }
0x1b6: {  	v2 =	vld [tilespmem:s10+$0x0];
	_ =	sdelay $0x4  }
0x1b7: {  	v2 =	vshll.u32 v2, $0x5;
	_ =	sdelay $0x3  }
0x1b8: {  	v3 =	vmov s1  }
0x1b9: {  	v3 =	vshll.u32 v3, $0x5;
	v4 =	vld.idx.msk [tilespmem:v2+s15+$0x0], $0xffff  }
0x1ba: {  	v3 =	vor.u32 v1, v3  }
0x1bb: {  	v5 =	vor.u32 $0x1, v2;
	_ =	sdelay $0x3  }
0x1bc: {  	[tilespmem:v3+s30+$0x0] =	vst.idx.msk $0xffff, v4  }
0x1bd: {  	v4 =	vld.idx.msk [tilespmem:v5+s15+$0x0], $0xffff  }
0x1be: {  	v5 =	vor.u32 $0x1, v3  }
0x1bf: {  	v6 =	vor.u32 $0x2, v2;
	_ =	sdelay $0x3  }
0x1c0: {  	[tilespmem:v5+s30+$0x0] =	vst.idx.msk $0xffff, v4  }
0x1c1: {  	v4 =	vld.idx.msk [tilespmem:v6+s15+$0x0], $0xffff  }
0x1c2: {  	v5 =	vor.u32 $0x2, v3  }
0x1c3: {  	v6 =	vor.u32 $0x3, v2;
	_ =	sdelay $0x3  }
0x1c4: {  	[tilespmem:v5+s30+$0x0] =	vst.idx.msk $0xffff, v4  }
0x1c5: {  	v4 =	vld.idx.msk [tilespmem:v6+s15+$0x0], $0xffff  }
0x1c6: {  	v5 =	vor.u32 $0x3, v3  }
0x1c7: {  	v6 =	vor.u32 $0x4, v2;
	_ =	sdelay $0x3  }
0x1c8: {  	[tilespmem:v5+s30+$0x0] =	vst.idx.msk $0xffff, v4  }
0x1c9: {  	v4 =	vld.idx.msk [tilespmem:v6+s15+$0x0], $0xffff  }
0x1ca: {  	v5 =	vor.u32 $0x4, v3  }
0x1cb: {  	v6 =	vor.u32 $0x5, v2;
	_ =	sdelay $0x3  }
0x1cc: {  	[tilespmem:v5+s30+$0x0] =	vst.idx.msk $0xffff, v4  }
0x1cd: {  	v4 =	vld.idx.msk [tilespmem:v6+s15+$0x0], $0xffff  }
0x1ce: {  	v5 =	vor.u32 $0x5, v3  }
0x1cf: {  	v6 =	vor.u32 $0x6, v2;
	_ =	sdelay $0x3  }
0x1d0: {  	[tilespmem:v5+s30+$0x0] =	vst.idx.msk $0xffff, v4  }
0x1d1: {  	v4 =	vld.idx.msk [tilespmem:v6+s15+$0x0], $0xffff  }
0x1d2: {  	v5 =	vor.u32 $0x6, v3  }
0x1d3: {  	v6 =	vor.u32 $0x7, v2;
	_ =	sdelay $0x3  }
0x1d4: {  	[tilespmem:v5+s30+$0x0] =	vst.idx.msk $0xffff, v4  }
0x1d5: {  	v4 =	vld.idx.msk [tilespmem:v6+s15+$0x0], $0xffff  }
0x1d6: {  	v5 =	vor.u32 $0x7, v3  }
0x1d7: {  	v6 =	vor.u32 $0x8, v2;
	_ =	sdelay $0x3  }
0x1d8: {  	[tilespmem:v5+s30+$0x0] =	vst.idx.msk $0xffff, v4  }
0x1d9: {  	v4 =	vld.idx.msk [tilespmem:v6+s15+$0x0], $0xffff  }
0x1da: {  	v5 =	vor.u32 $0x8, v3  }
0x1db: {  	v6 =	vor.u32 $0x9, v2;
	_ =	sdelay $0x3  }
0x1dc: {  	[tilespmem:v5+s30+$0x0] =	vst.idx.msk $0xffff, v4  }
0x1dd: {  	v4 =	vld.idx.msk [tilespmem:v6+s15+$0x0], $0xffff  }
0x1de: {  	v5 =	vor.u32 $0x9, v3  }
0x1df: {  	v6 =	vor.u32 $0xA, v2;
	_ =	sdelay $0x3  }
0x1e0: {  	[tilespmem:v5+s30+$0x0] =	vst.idx.msk $0xffff, v4  }
0x1e1: {  	v4 =	vld.idx.msk [tilespmem:v6+s15+$0x0], $0xffff  }
0x1e2: {  	v5 =	vor.u32 $0xA, v3  }
0x1e3: {  	v6 =	vor.u32 $0xB, v2;
	_ =	sdelay $0x3  }
0x1e4: {  	[tilespmem:v5+s30+$0x0] =	vst.idx.msk $0xffff, v4  }
0x1e5: {  	v4 =	vld.idx.msk [tilespmem:v6+s15+$0x0], $0xffff  }
0x1e6: {  	v5 =	vor.u32 $0xB, v3  }
0x1e7: {  	v6 =	vor.u32 $0xC, v2;
	_ =	sdelay $0x3  }
0x1e8: {  	[tilespmem:v5+s30+$0x0] =	vst.idx.msk $0xffff, v4  }
0x1e9: {  	v4 =	vld.idx.msk [tilespmem:v6+s15+$0x0], $0xffff  }
0x1ea: {  	v5 =	vor.u32 $0xC, v3  }
0x1eb: {  	v6 =	vor.u32 $0xD, v2;
	_ =	sdelay $0x3  }
0x1ec: {  	[tilespmem:v5+s30+$0x0] =	vst.idx.msk $0xffff, v4  }
0x1ed: {  	v4 =	vld.idx.msk [tilespmem:v6+s15+$0x0], $0xffff  }
0x1ee: {  	v5 =	vor.u32 $0xD, v3  }
0x1ef: {  	v6 =	vor.u32 $0xE, v2;
	_ =	sdelay $0x3  }
0x1f0: {  	[tilespmem:v5+s30+$0x0] =	vst.idx.msk $0xffff, v4  }
0x1f1: {  	v4 =	vld.idx.msk [tilespmem:v6+s15+$0x0], $0xffff  }
0x1f2: {  	v5 =	vor.u32 $0xE, v3  }
0x1f3: {  	v6 =	vor.u32 $0xF, v2;
	_ =	sdelay $0x3  }
0x1f4: {  	[tilespmem:v5+s30+$0x0] =	vst.idx.msk $0xffff, v4  }
0x1f5: {  	v4 =	vld.idx.msk [tilespmem:v6+s15+$0x0], $0xffff  }
0x1f6: {  	v5 =	vor.u32 $0xF, v3  }
0x1f7: {  	v6 =	vor.u32 $0x10, v2;
	_ =	sdelay $0x3  }
0x1f8: {  	[tilespmem:v5+s30+$0x0] =	vst.idx.msk $0xffff, v4  }
0x1f9: {  	v4 =	vld.idx.msk [tilespmem:v6+s15+$0x0], $0xffff  }
0x1fa: {  	v5 =	vor.u32 $0x10, v3  }
0x1fb: {  	v6 =	vor.u32 $0x11, v2;
	_ =	sdelay $0x3  }
0x1fc: {  	[tilespmem:v5+s30+$0x0] =	vst.idx.msk $0xffff, v4  }
0x1fd: {  	v4 =	vld.idx.msk [tilespmem:v6+s15+$0x0], $0xffff  }
0x1fe: {  	v5 =	vor.u32 $0x11, v3  }
0x1ff: {  	v6 =	vor.u32 $0x12, v2;
	_ =	sdelay $0x3  }
0x200: {  	[tilespmem:v5+s30+$0x0] =	vst.idx.msk $0xffff, v4  }
0x201: {  	v4 =	vld.idx.msk [tilespmem:v6+s15+$0x0], $0xffff  }
0x202: {  	v5 =	vor.u32 $0x12, v3  }
0x203: {  	v6 =	vor.u32 $0x13, v2;
	_ =	sdelay $0x3  }
0x204: {  	[tilespmem:v5+s30+$0x0] =	vst.idx.msk $0xffff, v4  }
0x205: {  	v4 =	vld.idx.msk [tilespmem:v6+s15+$0x0], $0xffff  }
0x206: {  	v5 =	vor.u32 $0x13, v3  }
0x207: {  	v6 =	vor.u32 $0x14, v2;
	_ =	sdelay $0x3  }
0x208: {  	[tilespmem:v5+s30+$0x0] =	vst.idx.msk $0xffff, v4  }
0x209: {  	v4 =	vld.idx.msk [tilespmem:v6+s15+$0x0], $0xffff  }
0x20a: {  	v5 =	vor.u32 $0x14, v3  }
0x20b: {  	v6 =	vor.u32 $0x15, v2;
	_ =	sdelay $0x3  }
0x20c: {  	[tilespmem:v5+s30+$0x0] =	vst.idx.msk $0xffff, v4  }
0x20d: {  	v4 =	vld.idx.msk [tilespmem:v6+s15+$0x0], $0xffff  }
0x20e: {  	v5 =	vor.u32 $0x15, v3  }
0x20f: {  	v6 =	vor.u32 $0x16, v2;
	_ =	sdelay $0x3  }
0x210: {  	[tilespmem:v5+s30+$0x0] =	vst.idx.msk $0xffff, v4  }
0x211: {  	v4 =	vld.idx.msk [tilespmem:v6+s15+$0x0], $0xffff  }
0x212: {  	v5 =	vor.u32 $0x16, v3  }
0x213: {  	v6 =	vor.u32 $0x17, v2;
	_ =	sdelay $0x3  }
0x214: {  	[tilespmem:v5+s30+$0x0] =	vst.idx.msk $0xffff, v4  }
0x215: {  	v4 =	vld.idx.msk [tilespmem:v6+s15+$0x0], $0xffff  }
0x216: {  	v5 =	vor.u32 $0x17, v3  }
0x217: {  	v6 =	vor.u32 $0x18, v2;
	_ =	sdelay $0x3  }
0x218: {  	[tilespmem:v5+s30+$0x0] =	vst.idx.msk $0xffff, v4  }
0x219: {  	v4 =	vld.idx.msk [tilespmem:v6+s15+$0x0], $0xffff  }
0x21a: {  	v5 =	vor.u32 $0x18, v3  }
0x21b: {  	v6 =	vor.u32 $0x19, v2;
	_ =	sdelay $0x3  }
0x21c: {  	[tilespmem:v5+s30+$0x0] =	vst.idx.msk $0xffff, v4  }
0x21d: {  	v4 =	vld.idx.msk [tilespmem:v6+s15+$0x0], $0xffff  }
0x21e: {  	v5 =	vor.u32 $0x19, v3  }
0x21f: {  	v6 =	vor.u32 $0x1A, v2;
	_ =	sdelay $0x3  }
0x220: {  	[tilespmem:v5+s30+$0x0] =	vst.idx.msk $0xffff, v4  }
0x221: {  	v4 =	vld.idx.msk [tilespmem:v6+s15+$0x0], $0xffff  }
0x222: {  	v5 =	vor.u32 $0x1A, v3  }
0x223: {  	v6 =	vor.u32 $0x1B, v2;
	_ =	sdelay $0x3  }
0x224: {  	[tilespmem:v5+s30+$0x0] =	vst.idx.msk $0xffff, v4  }
0x225: {  	v4 =	vld.idx.msk [tilespmem:v6+s15+$0x0], $0xffff  }
0x226: {  	v5 =	vor.u32 $0x1B, v3  }
0x227: {  	v6 =	vor.u32 $0x1C, v2;
	_ =	sdelay $0x3  }
0x228: {  	[tilespmem:v5+s30+$0x0] =	vst.idx.msk $0xffff, v4  }
0x229: {  	v4 =	vld.idx.msk [tilespmem:v6+s15+$0x0], $0xffff  }
0x22a: {  	v5 =	vor.u32 $0x1C, v3  }
0x22b: {  	v6 =	vor.u32 $0x1D, v2;
	_ =	sdelay $0x3  }
0x22c: {  	[tilespmem:v5+s30+$0x0] =	vst.idx.msk $0xffff, v4  }
0x22d: {  	v4 =	vld.idx.msk [tilespmem:v6+s15+$0x0], $0xffff  }
0x22e: {  	v5 =	vor.u32 $0x1D, v3  }
0x22f: {  	v6 =	vor.u32 $0x1E, v2;
	_ =	sdelay $0x3  }
0x230: {  	[tilespmem:v5+s30+$0x0] =	vst.idx.msk $0xffff, v4  }
0x231: {  	v4 =	vld.idx.msk [tilespmem:v6+s15+$0x0], $0xffff  }
0x232: {  	v5 =	vor.u32 $0x1E, v3  }
0x233: {  	v2 =	vor.u32 $0x1F, v2;
	_ =	sdelay $0x1  }
.Ltmp1:
0x234: {  	(pc) =	sbr.rel @p0 .LBB2_5-.Ltmp1, $4  }
0x235: {  	_ = 	snop  }
0x236: {  	[tilespmem:v5+s30+$0x0] =	vst.idx.msk $0xffff, v4  }
0x237: {  	v2 =	vld.idx.msk [tilespmem:v2+s15+$0x0], $0xffff  }
0x238: {  	v3 =	vor.u32 $0x1F, v3  }
0x239: {  	_ =	sdelay $0x3  }
0x23a: {  	s1 =	sadd.s32 s5, s2;
	[tilespmem:v3+s30+$0x0] =	vst.idx.msk $0xffff, v2  }
0x23b: {  	s2 =	smul.u32 $0x14, s1;
	_ =	swait.ge [sflag:s31], $0x4000  }
0x23c: {  	[sflag:s31] =	ssyncset.done $0x0  }
0x23d: {  	s22 =	simm.s32 $0x10880;
	s3 =	sadd.s32 s24, s2;
	[sflag:s31] =	ssyncadd.s32 $0xFFFFC000  }
0x23e: {  	[hbm4b:s3+s21] =	stream.strided.scatter [tilespmem:s22], [sflag:$0x6], $0x4000, s25, s21, $0x38;
	[tilespmem:$0x1BA00] =	vst v63  }
0x23f: {  	s1 =	sshrl.u32 s1, $0x3;
	s2 =	sadd.s32 s2, s13  }
0x240: {  	[hbm4b:s2+s26] =	stream.strided.scatter [tilespmem:s30], [sflag:$0x6], $0x1000, s25, s26, $0x38;
	[tilespmem:$0x1BA00] =	vst v63  }
0x241: {  	s20 =	simm.s32 $0x1B900;
	s1 =	sadd.s32 s7, s1  }
0x242: {  	[hbm4b:s1+s6] =	stream.linear.scatter [tilespmem:s20], [sflag:$0x6], $0x80, $0x38;
	[tilespmem:$0x1BA00] =	vst v63  }
0x243: {  	_ =	swait.ge [sflag:s0], $0x4000  }
0x244: {  	[sflag:s0] =	ssyncset.done $0x0  }
0x245: {  	[sflag:s0] =	ssyncadd.s32 $0xFFFFC000  }
0x246: {  	_ =	swait.ge [sflag:s0], $0x1000  }
0x247: {  	[sflag:s0] =	ssyncset.done $0x0  }
0x248: {  	[sflag:s0] =	ssyncadd.s32 $0xFFFFF000  }
0x249: {  	p0 =	seq.s32 s8, $0x42;
	_ =	swait.ge [sflag:s0], $0x80  }
0x24a: {  	s1 =	smin.u32 @!p0 s28, $0xC4;
	[sflag:s0] =	ssyncset.done $0x0  }
0x24b: {  	s3 =	simm.s32 @!p0 $0xC880;
	s1 =	sshll.u32 @!p0 s1, $0x7;
	[sflag:s0] =	ssyncadd.s32 $0xFFFFFF80  }
0x24c: {  	s2 =	simm.s32 @!p0 $0x80;
	s1 =	sadd.s32 @!p0 $0x180, s1;
	s10 =	rddreg [dreg:$0x1]  }
0x24d: {  	[tilespmem:s3], [sflag:$0x2] =	stream.indirect.gather @!p0 [hbm4b:s10+s2], $0x80, s1, s2, $0xb8;
	[tilespmem:$0x1BA00] =	vst v63  }
0x24e: {  	v2 =	vld [tilespmem:s19+$0x0];
	_ =	sdelay $0x4  }
0x24f: {  	vm0 =	vne.s32 v2, $0x0  }
0x250: {  	s2 =	simm.s32 $0x1B980;
	v2 =	vsel vm0, $0x1, v0  }
0x251: {  	[tilespmem:s2+$0x0] =	vst v2  }
0x252: {  	v2 =	vld [tilespmem:s9+$0x0];
	_ =	sdelay $0x4  }
0x253: {  	v2 =	vshll.u32 v2, $0x5;
	_ =	sdelay $0x1  }
0x254: {  	s28 =	simm.s32 $0x0  }
0x255: {  	v3 =	vmov s28  }
0x256: {  	v3 =	vshll.u32 v3, $0x5  }
0x257: {  	v3 =	vor.u32 v1, v3;
	v4 =	vld.idx.msk [tilespmem:v2+s15+$0x0], $0xffff  }
0x258: {  	v5 =	vor.u32 $0x1, v2;
	_ =	sdelay $0x3  }
0x259: {  	[tilespmem:v3+s16+$0x0] =	vst.idx.msk $0xffff, v4  }
0x25a: {  	v4 =	vld.idx.msk [tilespmem:v5+s15+$0x0], $0xffff;
	v5 =	vor.u32 $0x1, v3  }
0x25b: {  	v6 =	vor.u32 $0x2, v2;
	_ =	sdelay $0x3  }
0x25c: {  	[tilespmem:v5+s16+$0x0] =	vst.idx.msk $0xffff, v4  }
0x25d: {  	v5 =	vor.u32 $0x2, v3;
	v4 =	vld.idx.msk [tilespmem:v6+s15+$0x0], $0xffff  }
0x25e: {  	v36 =	vor.u32 $0x3, v2;
	_ =	sdelay $0x3  }
0x25f: {  	[tilespmem:v5+s16+$0x0] =	vst.idx.msk $0xffff, v4  }
0x260: {  	v5 =	vor.u32 $0x3, v3;
	v4 =	vld.idx.msk [tilespmem:v36+s15+$0x0], $0xffff  }
0x261: {  	v37 =	vor.u32 $0x4, v2;
	_ =	sdelay $0x3  }
0x262: {  	[tilespmem:v5+s16+$0x0] =	vst.idx.msk $0xffff, v4  }
0x263: {  	v5 =	vor.u32 $0x4, v3;
	v4 =	vld.idx.msk [tilespmem:v37+s15+$0x0], $0xffff  }
0x264: {  	v38 =	vor.u32 $0x5, v2;
	_ =	sdelay $0x3  }
0x265: {  	[tilespmem:v5+s16+$0x0] =	vst.idx.msk $0xffff, v4  }
0x266: {  	v5 =	vor.u32 $0x5, v3;
	v4 =	vld.idx.msk [tilespmem:v38+s15+$0x0], $0xffff  }
0x267: {  	v39 =	vor.u32 $0x6, v2;
	_ =	sdelay $0x3  }
0x268: {  	[tilespmem:v5+s16+$0x0] =	vst.idx.msk $0xffff, v4  }
0x269: {  	v5 =	vor.u32 $0x6, v3;
	v4 =	vld.idx.msk [tilespmem:v39+s15+$0x0], $0xffff  }
0x26a: {  	v40 =	vor.u32 $0x7, v2;
	_ =	sdelay $0x3  }
0x26b: {  	[tilespmem:v5+s16+$0x0] =	vst.idx.msk $0xffff, v4  }
0x26c: {  	v5 =	vor.u32 $0x7, v3;
	v4 =	vld.idx.msk [tilespmem:v40+s15+$0x0], $0xffff  }
0x26d: {  	v41 =	vor.u32 $0x8, v2;
	_ =	sdelay $0x3  }
0x26e: {  	[tilespmem:v5+s16+$0x0] =	vst.idx.msk $0xffff, v4  }
0x26f: {  	v5 =	vor.u32 $0x8, v3;
	v4 =	vld.idx.msk [tilespmem:v41+s15+$0x0], $0xffff  }
0x270: {  	v42 =	vor.u32 $0x9, v2;
	_ =	sdelay $0x3  }
0x271: {  	[tilespmem:v5+s16+$0x0] =	vst.idx.msk $0xffff, v4  }
0x272: {  	v5 =	vor.u32 $0x9, v3;
	v4 =	vld.idx.msk [tilespmem:v42+s15+$0x0], $0xffff  }
0x273: {  	v43 =	vor.u32 $0xA, v2;
	_ =	sdelay $0x3  }
0x274: {  	[tilespmem:v5+s16+$0x0] =	vst.idx.msk $0xffff, v4  }
0x275: {  	v5 =	vor.u32 $0xA, v3;
	v4 =	vld.idx.msk [tilespmem:v43+s15+$0x0], $0xffff  }
0x276: {  	v44 =	vor.u32 $0xB, v2;
	_ =	sdelay $0x3  }
0x277: {  	[tilespmem:v5+s16+$0x0] =	vst.idx.msk $0xffff, v4  }
0x278: {  	v5 =	vor.u32 $0xB, v3;
	v4 =	vld.idx.msk [tilespmem:v44+s15+$0x0], $0xffff  }
0x279: {  	v45 =	vor.u32 $0xC, v2;
	_ =	sdelay $0x3  }
0x27a: {  	[tilespmem:v5+s16+$0x0] =	vst.idx.msk $0xffff, v4  }
0x27b: {  	v5 =	vor.u32 $0xC, v3;
	v4 =	vld.idx.msk [tilespmem:v45+s15+$0x0], $0xffff  }
0x27c: {  	v46 =	vor.u32 $0xD, v2;
	_ =	sdelay $0x3  }
0x27d: {  	[tilespmem:v5+s16+$0x0] =	vst.idx.msk $0xffff, v4  }
0x27e: {  	v5 =	vor.u32 $0xD, v3;
	v4 =	vld.idx.msk [tilespmem:v46+s15+$0x0], $0xffff  }
0x27f: {  	v47 =	vor.u32 $0xE, v2;
	_ =	sdelay $0x3  }
0x280: {  	[tilespmem:v5+s16+$0x0] =	vst.idx.msk $0xffff, v4  }
0x281: {  	v5 =	vor.u32 $0xE, v3;
	v4 =	vld.idx.msk [tilespmem:v47+s15+$0x0], $0xffff  }
0x282: {  	v48 =	vor.u32 $0xF, v2;
	_ =	sdelay $0x3  }
0x283: {  	[tilespmem:v5+s16+$0x0] =	vst.idx.msk $0xffff, v4  }
0x284: {  	v5 =	vor.u32 $0xF, v3;
	v4 =	vld.idx.msk [tilespmem:v48+s15+$0x0], $0xffff  }
0x285: {  	v49 =	vor.u32 $0x10, v2;
	_ =	sdelay $0x3  }
0x286: {  	[tilespmem:v5+s16+$0x0] =	vst.idx.msk $0xffff, v4  }
0x287: {  	v5 =	vor.u32 $0x10, v3;
	v4 =	vld.idx.msk [tilespmem:v49+s15+$0x0], $0xffff  }
0x288: {  	v50 =	vor.u32 $0x11, v2;
	_ =	sdelay $0x3  }
0x289: {  	[tilespmem:v5+s16+$0x0] =	vst.idx.msk $0xffff, v4  }
0x28a: {  	v5 =	vor.u32 $0x11, v3;
	v4 =	vld.idx.msk [tilespmem:v50+s15+$0x0], $0xffff  }
0x28b: {  	v51 =	vor.u32 $0x12, v2;
	_ =	sdelay $0x3  }
0x28c: {  	[tilespmem:v5+s16+$0x0] =	vst.idx.msk $0xffff, v4  }
0x28d: {  	v5 =	vor.u32 $0x12, v3;
	v4 =	vld.idx.msk [tilespmem:v51+s15+$0x0], $0xffff  }
0x28e: {  	v52 =	vor.u32 $0x13, v2;
	_ =	sdelay $0x3  }
0x28f: {  	[tilespmem:v5+s16+$0x0] =	vst.idx.msk $0xffff, v4  }
0x290: {  	v5 =	vor.u32 $0x13, v3;
	v4 =	vld.idx.msk [tilespmem:v52+s15+$0x0], $0xffff  }
0x291: {  	v53 =	vor.u32 $0x14, v2;
	_ =	sdelay $0x3  }
0x292: {  	[tilespmem:v5+s16+$0x0] =	vst.idx.msk $0xffff, v4  }
0x293: {  	v5 =	vor.u32 $0x14, v3;
	v4 =	vld.idx.msk [tilespmem:v53+s15+$0x0], $0xffff  }
0x294: {  	v54 =	vor.u32 $0x15, v2;
	_ =	sdelay $0x3  }
0x295: {  	[tilespmem:v5+s16+$0x0] =	vst.idx.msk $0xffff, v4  }
0x296: {  	v5 =	vor.u32 $0x15, v3;
	v4 =	vld.idx.msk [tilespmem:v54+s15+$0x0], $0xffff  }
0x297: {  	v55 =	vor.u32 $0x16, v2;
	_ =	sdelay $0x3  }
0x298: {  	[tilespmem:v5+s16+$0x0] =	vst.idx.msk $0xffff, v4  }
0x299: {  	v5 =	vor.u32 $0x16, v3;
	v4 =	vld.idx.msk [tilespmem:v55+s15+$0x0], $0xffff  }
0x29a: {  	v56 =	vor.u32 $0x17, v2;
	_ =	sdelay $0x3  }
0x29b: {  	[tilespmem:v5+s16+$0x0] =	vst.idx.msk $0xffff, v4  }
0x29c: {  	v5 =	vor.u32 $0x17, v3;
	v4 =	vld.idx.msk [tilespmem:v56+s15+$0x0], $0xffff  }
0x29d: {  	v57 =	vor.u32 $0x18, v2;
	_ =	sdelay $0x3  }
0x29e: {  	[tilespmem:v5+s16+$0x0] =	vst.idx.msk $0xffff, v4  }
0x29f: {  	v5 =	vor.u32 $0x18, v3;
	v4 =	vld.idx.msk [tilespmem:v57+s15+$0x0], $0xffff  }
0x2a0: {  	v58 =	vor.u32 $0x19, v2;
	_ =	sdelay $0x3  }
0x2a1: {  	[tilespmem:v5+s16+$0x0] =	vst.idx.msk $0xffff, v4  }
0x2a2: {  	v5 =	vor.u32 $0x19, v3;
	v4 =	vld.idx.msk [tilespmem:v58+s15+$0x0], $0xffff  }
0x2a3: {  	v59 =	vor.u32 $0x1A, v2;
	_ =	sdelay $0x3  }
0x2a4: {  	[tilespmem:v5+s16+$0x0] =	vst.idx.msk $0xffff, v4  }
0x2a5: {  	v5 =	vor.u32 $0x1A, v3;
	v4 =	vld.idx.msk [tilespmem:v59+s15+$0x0], $0xffff  }
0x2a6: {  	v60 =	vor.u32 $0x1B, v2;
	_ =	sdelay $0x3  }
0x2a7: {  	[tilespmem:v5+s16+$0x0] =	vst.idx.msk $0xffff, v4  }
0x2a8: {  	v5 =	vor.u32 $0x1B, v3;
	v4 =	vld.idx.msk [tilespmem:v60+s15+$0x0], $0xffff  }
0x2a9: {  	v61 =	vor.u32 $0x1C, v2;
	_ =	sdelay $0x3  }
0x2aa: {  	[tilespmem:v5+s16+$0x0] =	vst.idx.msk $0xffff, v4  }
0x2ab: {  	v5 =	vor.u32 $0x1C, v3;
	v4 =	vld.idx.msk [tilespmem:v61+s15+$0x0], $0xffff  }
0x2ac: {  	v62 =	vor.u32 $0x1D, v2;
	_ =	sdelay $0x3  }
0x2ad: {  	[tilespmem:v5+s16+$0x0] =	vst.idx.msk $0xffff, v4  }
0x2ae: {  	v5 =	vor.u32 $0x1D, v3;
	v4 =	vld.idx.msk [tilespmem:v62+s15+$0x0], $0xffff  }
0x2af: {  	v63 =	vor.u32 $0x1E, v2;
	_ =	sdelay $0x3  }
0x2b0: {  	[tilespmem:v5+s16+$0x0] =	vst.idx.msk $0xffff, v4  }
0x2b1: {  	v5 =	vor.u32 $0x1E, v3;
	v4 =	vld.idx.msk [tilespmem:v63+s15+$0x0], $0xffff  }
0x2b2: {  	v2 =	vor.u32 $0x1F, v2;
	_ =	sdelay $0x3  }
0x2b3: {  	[tilespmem:v5+s16+$0x0] =	vst.idx.msk $0xffff, v4  }
0x2b4: {  	s20 =	simm.s32 $0x10;
	v3 =	vor.u32 $0x1F, v3;
	v2 =	vld.idx.msk [tilespmem:v2+s15+$0x0], $0xffff  }
.LBB2_7:
0x2b5: {  	_ =	sdelay $0x3  }
0x2b6: {  	s9 =	sadd.s32 $0x10, s9;
	s19 =	sadd.s32 $0x10, s19;
	s2 =	sadd.s32 $0x10, s2;
	[tilespmem:v3+s16+$0x0] =	vst.idx.msk $0xffff, v2  }
0x2b7: {  	p0 =	sne.s32 s20, $0x70;
	s1 =	smov.u32 s20;
	s20 =	sadd.s32 $0x10, s20;
	v2 =	vld [tilespmem:s19+$0x0]  }
0x2b8: {  	_ =	sdelay $0x3  }
0x2b9: {  	vm0 =	vne.s32 v2, $0x0  }
0x2ba: {  	v2 =	vsel vm0, $0x1, v0  }
0x2bb: {  	[tilespmem:s2+$0x0] =	vst v2  }
0x2bc: {  	v2 =	vld [tilespmem:s9+$0x0];
	_ =	sdelay $0x4  }
0x2bd: {  	v2 =	vshll.u32 v2, $0x5;
	_ =	sdelay $0x3  }
0x2be: {  	v3 =	vmov s1  }
0x2bf: {  	v3 =	vshll.u32 v3, $0x5;
	v4 =	vld.idx.msk [tilespmem:v2+s15+$0x0], $0xffff  }
0x2c0: {  	v3 =	vor.u32 v1, v3  }
0x2c1: {  	v5 =	vor.u32 $0x1, v2;
	_ =	sdelay $0x3  }
0x2c2: {  	[tilespmem:v3+s16+$0x0] =	vst.idx.msk $0xffff, v4  }
0x2c3: {  	v4 =	vld.idx.msk [tilespmem:v5+s15+$0x0], $0xffff  }
0x2c4: {  	v5 =	vor.u32 $0x1, v3  }
0x2c5: {  	v6 =	vor.u32 $0x2, v2;
	_ =	sdelay $0x3  }
0x2c6: {  	[tilespmem:v5+s16+$0x0] =	vst.idx.msk $0xffff, v4  }
0x2c7: {  	v4 =	vld.idx.msk [tilespmem:v6+s15+$0x0], $0xffff  }
0x2c8: {  	v5 =	vor.u32 $0x2, v3  }
0x2c9: {  	v6 =	vor.u32 $0x3, v2;
	_ =	sdelay $0x3  }
0x2ca: {  	[tilespmem:v5+s16+$0x0] =	vst.idx.msk $0xffff, v4  }
0x2cb: {  	v4 =	vld.idx.msk [tilespmem:v6+s15+$0x0], $0xffff  }
0x2cc: {  	v5 =	vor.u32 $0x3, v3  }
0x2cd: {  	v6 =	vor.u32 $0x4, v2;
	_ =	sdelay $0x3  }
0x2ce: {  	[tilespmem:v5+s16+$0x0] =	vst.idx.msk $0xffff, v4  }
0x2cf: {  	v4 =	vld.idx.msk [tilespmem:v6+s15+$0x0], $0xffff  }
0x2d0: {  	v5 =	vor.u32 $0x4, v3  }
0x2d1: {  	v6 =	vor.u32 $0x5, v2;
	_ =	sdelay $0x3  }
0x2d2: {  	[tilespmem:v5+s16+$0x0] =	vst.idx.msk $0xffff, v4  }
0x2d3: {  	v4 =	vld.idx.msk [tilespmem:v6+s15+$0x0], $0xffff  }
0x2d4: {  	v5 =	vor.u32 $0x5, v3  }
0x2d5: {  	v6 =	vor.u32 $0x6, v2;
	_ =	sdelay $0x3  }
0x2d6: {  	[tilespmem:v5+s16+$0x0] =	vst.idx.msk $0xffff, v4  }
0x2d7: {  	v4 =	vld.idx.msk [tilespmem:v6+s15+$0x0], $0xffff  }
0x2d8: {  	v5 =	vor.u32 $0x6, v3  }
0x2d9: {  	v6 =	vor.u32 $0x7, v2;
	_ =	sdelay $0x3  }
0x2da: {  	[tilespmem:v5+s16+$0x0] =	vst.idx.msk $0xffff, v4  }
0x2db: {  	v4 =	vld.idx.msk [tilespmem:v6+s15+$0x0], $0xffff  }
0x2dc: {  	v5 =	vor.u32 $0x7, v3  }
0x2dd: {  	v6 =	vor.u32 $0x8, v2;
	_ =	sdelay $0x3  }
0x2de: {  	[tilespmem:v5+s16+$0x0] =	vst.idx.msk $0xffff, v4  }
0x2df: {  	v4 =	vld.idx.msk [tilespmem:v6+s15+$0x0], $0xffff  }
0x2e0: {  	v5 =	vor.u32 $0x8, v3  }
0x2e1: {  	v6 =	vor.u32 $0x9, v2;
	_ =	sdelay $0x3  }
0x2e2: {  	[tilespmem:v5+s16+$0x0] =	vst.idx.msk $0xffff, v4  }
0x2e3: {  	v4 =	vld.idx.msk [tilespmem:v6+s15+$0x0], $0xffff  }
0x2e4: {  	v5 =	vor.u32 $0x9, v3  }
0x2e5: {  	v6 =	vor.u32 $0xA, v2;
	_ =	sdelay $0x3  }
0x2e6: {  	[tilespmem:v5+s16+$0x0] =	vst.idx.msk $0xffff, v4  }
0x2e7: {  	v4 =	vld.idx.msk [tilespmem:v6+s15+$0x0], $0xffff  }
0x2e8: {  	v5 =	vor.u32 $0xA, v3  }
0x2e9: {  	v6 =	vor.u32 $0xB, v2;
	_ =	sdelay $0x3  }
0x2ea: {  	[tilespmem:v5+s16+$0x0] =	vst.idx.msk $0xffff, v4  }
0x2eb: {  	v4 =	vld.idx.msk [tilespmem:v6+s15+$0x0], $0xffff  }
0x2ec: {  	v5 =	vor.u32 $0xB, v3  }
0x2ed: {  	v6 =	vor.u32 $0xC, v2;
	_ =	sdelay $0x3  }
0x2ee: {  	[tilespmem:v5+s16+$0x0] =	vst.idx.msk $0xffff, v4  }
0x2ef: {  	v4 =	vld.idx.msk [tilespmem:v6+s15+$0x0], $0xffff  }
0x2f0: {  	v5 =	vor.u32 $0xC, v3  }
0x2f1: {  	v6 =	vor.u32 $0xD, v2;
	_ =	sdelay $0x3  }
0x2f2: {  	[tilespmem:v5+s16+$0x0] =	vst.idx.msk $0xffff, v4  }
0x2f3: {  	v4 =	vld.idx.msk [tilespmem:v6+s15+$0x0], $0xffff  }
0x2f4: {  	v5 =	vor.u32 $0xD, v3  }
0x2f5: {  	v6 =	vor.u32 $0xE, v2;
	_ =	sdelay $0x3  }
0x2f6: {  	[tilespmem:v5+s16+$0x0] =	vst.idx.msk $0xffff, v4  }
0x2f7: {  	v4 =	vld.idx.msk [tilespmem:v6+s15+$0x0], $0xffff  }
0x2f8: {  	v5 =	vor.u32 $0xE, v3  }
0x2f9: {  	v6 =	vor.u32 $0xF, v2;
	_ =	sdelay $0x3  }
0x2fa: {  	[tilespmem:v5+s16+$0x0] =	vst.idx.msk $0xffff, v4  }
0x2fb: {  	v4 =	vld.idx.msk [tilespmem:v6+s15+$0x0], $0xffff  }
0x2fc: {  	v5 =	vor.u32 $0xF, v3  }
0x2fd: {  	v6 =	vor.u32 $0x10, v2;
	_ =	sdelay $0x3  }
0x2fe: {  	[tilespmem:v5+s16+$0x0] =	vst.idx.msk $0xffff, v4  }
0x2ff: {  	v4 =	vld.idx.msk [tilespmem:v6+s15+$0x0], $0xffff  }
0x300: {  	v5 =	vor.u32 $0x10, v3  }
0x301: {  	v6 =	vor.u32 $0x11, v2;
	_ =	sdelay $0x3  }
0x302: {  	[tilespmem:v5+s16+$0x0] =	vst.idx.msk $0xffff, v4  }
0x303: {  	v4 =	vld.idx.msk [tilespmem:v6+s15+$0x0], $0xffff  }
0x304: {  	v5 =	vor.u32 $0x11, v3  }
0x305: {  	v6 =	vor.u32 $0x12, v2;
	_ =	sdelay $0x3  }
0x306: {  	[tilespmem:v5+s16+$0x0] =	vst.idx.msk $0xffff, v4  }
0x307: {  	v4 =	vld.idx.msk [tilespmem:v6+s15+$0x0], $0xffff  }
0x308: {  	v5 =	vor.u32 $0x12, v3  }
0x309: {  	v6 =	vor.u32 $0x13, v2;
	_ =	sdelay $0x3  }
0x30a: {  	[tilespmem:v5+s16+$0x0] =	vst.idx.msk $0xffff, v4  }
0x30b: {  	v4 =	vld.idx.msk [tilespmem:v6+s15+$0x0], $0xffff  }
0x30c: {  	v5 =	vor.u32 $0x13, v3  }
0x30d: {  	v6 =	vor.u32 $0x14, v2;
	_ =	sdelay $0x3  }
0x30e: {  	[tilespmem:v5+s16+$0x0] =	vst.idx.msk $0xffff, v4  }
0x30f: {  	v4 =	vld.idx.msk [tilespmem:v6+s15+$0x0], $0xffff  }
0x310: {  	v5 =	vor.u32 $0x14, v3  }
0x311: {  	v6 =	vor.u32 $0x15, v2;
	_ =	sdelay $0x3  }
0x312: {  	[tilespmem:v5+s16+$0x0] =	vst.idx.msk $0xffff, v4  }
0x313: {  	v4 =	vld.idx.msk [tilespmem:v6+s15+$0x0], $0xffff  }
0x314: {  	v5 =	vor.u32 $0x15, v3  }
0x315: {  	v6 =	vor.u32 $0x16, v2;
	_ =	sdelay $0x3  }
0x316: {  	[tilespmem:v5+s16+$0x0] =	vst.idx.msk $0xffff, v4  }
0x317: {  	v4 =	vld.idx.msk [tilespmem:v6+s15+$0x0], $0xffff  }
0x318: {  	v5 =	vor.u32 $0x16, v3  }
0x319: {  	v6 =	vor.u32 $0x17, v2;
	_ =	sdelay $0x3  }
0x31a: {  	[tilespmem:v5+s16+$0x0] =	vst.idx.msk $0xffff, v4  }
0x31b: {  	v4 =	vld.idx.msk [tilespmem:v6+s15+$0x0], $0xffff  }
0x31c: {  	v5 =	vor.u32 $0x17, v3  }
0x31d: {  	v6 =	vor.u32 $0x18, v2;
	_ =	sdelay $0x3  }
0x31e: {  	[tilespmem:v5+s16+$0x0] =	vst.idx.msk $0xffff, v4  }
0x31f: {  	v4 =	vld.idx.msk [tilespmem:v6+s15+$0x0], $0xffff  }
0x320: {  	v5 =	vor.u32 $0x18, v3  }
0x321: {  	v6 =	vor.u32 $0x19, v2;
	_ =	sdelay $0x3  }
0x322: {  	[tilespmem:v5+s16+$0x0] =	vst.idx.msk $0xffff, v4  }
0x323: {  	v4 =	vld.idx.msk [tilespmem:v6+s15+$0x0], $0xffff  }
0x324: {  	v5 =	vor.u32 $0x19, v3  }
0x325: {  	v6 =	vor.u32 $0x1A, v2;
	_ =	sdelay $0x3  }
0x326: {  	[tilespmem:v5+s16+$0x0] =	vst.idx.msk $0xffff, v4  }
0x327: {  	v4 =	vld.idx.msk [tilespmem:v6+s15+$0x0], $0xffff  }
0x328: {  	v5 =	vor.u32 $0x1A, v3  }
0x329: {  	v6 =	vor.u32 $0x1B, v2;
	_ =	sdelay $0x3  }
0x32a: {  	[tilespmem:v5+s16+$0x0] =	vst.idx.msk $0xffff, v4  }
0x32b: {  	v4 =	vld.idx.msk [tilespmem:v6+s15+$0x0], $0xffff  }
0x32c: {  	v5 =	vor.u32 $0x1B, v3  }
0x32d: {  	v6 =	vor.u32 $0x1C, v2;
	_ =	sdelay $0x3  }
0x32e: {  	[tilespmem:v5+s16+$0x0] =	vst.idx.msk $0xffff, v4  }
0x32f: {  	v4 =	vld.idx.msk [tilespmem:v6+s15+$0x0], $0xffff  }
0x330: {  	v5 =	vor.u32 $0x1C, v3  }
0x331: {  	v6 =	vor.u32 $0x1D, v2;
	_ =	sdelay $0x3  }
0x332: {  	[tilespmem:v5+s16+$0x0] =	vst.idx.msk $0xffff, v4  }
0x333: {  	v4 =	vld.idx.msk [tilespmem:v6+s15+$0x0], $0xffff  }
0x334: {  	v5 =	vor.u32 $0x1D, v3  }
0x335: {  	v6 =	vor.u32 $0x1E, v2;
	_ =	sdelay $0x3  }
0x336: {  	[tilespmem:v5+s16+$0x0] =	vst.idx.msk $0xffff, v4  }
0x337: {  	v4 =	vld.idx.msk [tilespmem:v6+s15+$0x0], $0xffff  }
0x338: {  	v5 =	vor.u32 $0x1E, v3  }
0x339: {  	v2 =	vor.u32 $0x1F, v2;
	_ =	sdelay $0x1  }
.Ltmp2:
0x33a: {  	(pc) =	sbr.rel @p0 .LBB2_7-.Ltmp2, $4  }
0x33b: {  	_ = 	snop  }
0x33c: {  	[tilespmem:v5+s16+$0x0] =	vst.idx.msk $0xffff, v4  }
0x33d: {  	v2 =	vld.idx.msk [tilespmem:v2+s15+$0x0], $0xffff  }
0x33e: {  	v3 =	vor.u32 $0x1F, v3  }
0x33f: {  	_ =	sdelay $0x3  }
0x340: {  	s1 =	sadd.s32 s5, s18;
	[tilespmem:v3+s16+$0x0] =	vst.idx.msk $0xffff, v2  }
0x341: {  	s9 =	simm.s32 $0x14880;
	s2 =	smul.u32 $0x14, s1;
	_ =	swait.ge [sflag:s17], $0x4000  }
0x342: {  	s28 =	simm.s32 $0x1B980;
	s8 =	sadd.s32 $0x1, s8;
	[sflag:s17] =	ssyncset.done $0x0  }
0x343: {  	p0 =	sne.s32 s8, $0x43;
	s3 =	sadd.s32 s24, s2;
	[sflag:s17] =	ssyncadd.s32 $0xFFFFC000  }
0x344: {  	[hbm4b:s3+s21] =	stream.strided.scatter [tilespmem:s9], [sflag:$0x7], $0x4000, s25, s21, $0x38;
	[tilespmem:$0x1BA00] =	vst v63  }
.Ltmp3:
0x345: {  	s29 =	sadd.s32 $0x180, s29;
	s4 =	sadd.s32 $0x180, s4;
	(pc) =	sbr.rel @p0 .LBB2_2-.Ltmp3, $4  }
0x346: {  	s11 =	sadd.s32 $0x180, s11;
	s1 =	sshrl.u32 s1, $0x3;
	s2 =	sadd.s32 s2, s13  }
0x347: {  	[hbm4b:s2+s26] =	stream.strided.scatter [tilespmem:s16], [sflag:$0x7], $0x1000, s25, s26, $0x38;
	[tilespmem:$0x1BA00] =	vst v63  }
0x348: {  	s14 =	sadd.s32 $0x180, s14;
	s12 =	sadd.s32 $0x3, s12;
	s1 =	sadd.s32 s7, s1  }
0x349: {  	[hbm4b:s1+s6] =	stream.linear.scatter [tilespmem:s28], [sflag:$0x7], $0x80, $0x38;
	[tilespmem:$0x1BA00] =	vst v63  }
0x34a: {  	s1 =	simm.s32 $0x6  }
0x34b: {  	_ =	swait.ge [sflag:s1], $0x4000  }
0x34c: {  	[sflag:s1] =	ssyncset.done $0x0  }
0x34d: {  	[sflag:s1] =	ssyncadd.s32 $0xFFFFC000  }
0x34e: {  	_ =	swait.ge [sflag:s1], $0x1000  }
0x34f: {  	[sflag:s1] =	ssyncset.done $0x0  }
0x350: {  	[sflag:s1] =	ssyncadd.s32 $0xFFFFF000  }
0x351: {  	_ =	swait.ge [sflag:s1], $0x80  }
0x352: {  	[sflag:s1] =	ssyncset.done $0x0  }
0x353: {  	s2 =	simm.s32 $0x7;
	[sflag:s1] =	ssyncadd.s32 $0xFFFFFF80  }
0x354: {  	_ =	swait.ge [sflag:s2], $0x4000  }
0x355: {  	[sflag:s2] =	ssyncset.done $0x0  }
0x356: {  	[sflag:s2] =	ssyncadd.s32 $0xFFFFC000  }
0x357: {  	_ =	swait.ge [sflag:s2], $0x1000  }
0x358: {  	[sflag:s2] =	ssyncset.done $0x0  }
0x359: {  	[sflag:s2] =	ssyncadd.s32 $0xFFFFF000  }
0x35a: {  	_ =	swait.ge [sflag:s2], $0x80  }
0x35b: {  	s3 =	rddreg [dreg:$0xb]  }
0x35c: {  	s29 =	rddreg [dreg:$0xa];
	s3 =	sadd.s32 $0x1, s3  }
0x35d: {  	p0 =	sne.s32 s3, s29  }
.Ltmp4:
0x35e: {  	_ = 	snop;
	(pc) =	sbr.rel @p0 .LBB2_1-.Ltmp4, $3  }
0x35f: {  	_ =	sdelay $0x1  }
0x360: {  	[sflag:s2] =	ssyncset.done $0x0  }
0x361: {  	[sflag:s2] =	ssyncadd.s32 $0xFFFFFF80  }
0x362: {  	_ =	sfence.sel $0x180000  }
0x363: {  	[bflag:$0x0] =	sbarrier.arrive $0xFFFF  }
0x364: {  	_ =	strace $0x90000047  }
0x365: {  	s0 =	stileid.u32;
	[bflag:$0x2] =	sbarrier.arrive $0xFFFF  }
0x366: {  	p0 =	sne.s32 s0, $0x0;
	s0 =	rddreg [dreg:$0x4]  }
0x367: {  	s0 =	sadd.s32 @!p0 $0x100000, s0  }
0x368: {  	[sflag:s0] =	ssyncadd.tile.s32 @!p0 $0x1;
	_ =	shalt  }
.Lfunc_end2:
_tile_overlayer_lowered:
.L_overlay_start_2:
0x369: {  	(tag) =	ssettag $0x2  }
0x36a: {  	s0 =	rddreg [dreg:$0x0];
	s2 =	stileid.u32  }
0x36b: {  	s1 =	rddreg [dreg:$0x1];
	p0 =	sne.s32 s2, $0x0  }
0x36c: {  	s3 =	rddreg [dreg:$0x2];
	[bflag:$0x3] =	sbarrier.arrive $0xFFFF;
	s2 =	simm.s32 @!p0 $0x1C08  }
0x36d: {  	[timem:s3], [sflag:s2] =	dma.local @!p0 [hbm:s0], s1  }
0x36e: {  	s0 =	simm.s32 @!p0 $0x8  }
0x36f: {  	_ =	swait.ge @!p0 [sflag:s0], s1  }
0x370: {  	s1 =	ssub.s32 @!p0 $0x0, s1;
	[sflag:s0] =	ssyncset.done @!p0 $0x0  }
0x371: {  	[sflag:s0] =	ssyncadd.s32 @!p0 s1  }
0x372: {  	[bflag:$0x3] =	sbarrier.arrive $0xFFFF  }
0x373: {  	_ =	shalt  }

// kernel: sparse-core-data-format-call.cloned.1.call-start
scs
called_computation_lowered:
.L_overlay_start_0:
0x0: {  	s2 =	sld [smem:$0x3FD9]  }
0x1: {  	s3 =	sld [smem:$0x3FFE];
	_ =	sdelay $0x1  }
0x2: {  	s1 =	srdreg.scid  }
0x3: {  	s0 =	sand.u32 $0x1, s1  }
0x4: {  	s15 =	sshll.u32 s0, $0xA;
	s2 =	sadd.s32 s3, s2  }
0x5: {  	s2 =	sadd.s32 s2, s15  }
0x6: {  	[smem:$0x3FC4] =	sst s2  }
0x7: {  	_ = 	snop  }
0x8: {  	s2 =	sld [smem:$0x3FD0];
	_ =	sdelay $0x2  }
0x9: {  	s16 =	simm.s32 $0xA;
	s4 =	simm.s32 $0x10  }
0xa: {  	[smem:s4], [sflag:s16] =	dma.local [hbm:s2], $0x1  }
0xb: {  	_ =	swait.eq [sflag:s16], $0x1  }
0xc: {  	[sflag:s16] =	ssyncset.done $0x0  }
0xd: {  	[sflag:s16] =	ssyncadd.s32 $0xFFFFFFFF  }
0xe: {  	s17 =	sld [smem:$0x10];
	(tm) =	ssettm $0x1  }
0xf: {  	s18 =	sld [smem:$0x3FFB];
	_ =	sdelay $0x3  }
0x10: {  	_ =	strace s18  }
0x11: {  	s3 =	sld [smem:$0x3FFC];
	_ =	sdelay $0x3  }
0x12: {  	_ =	strace s3  }
0x13: {  	s3 =	sld [smem:$0x3FFD];
	_ =	sdelay $0x3  }
0x14: {  	_ =	strace s3  }
0x15: {  	_ =	strace $0x8FFFFFFF  }
0x16: {  	s19 =	sld [smem:$0x3FDB];
	_ =	sdelay $0x1  }
0x17: {  	s20 =	simm.s32 $_scs_section_size  }
0x18: {  	s5 =	simm.s32 $_size__tile_overlayer_lowered;
	s6 =	simm.s32 $_tile_overlayer_lowered  }
0x19: {  	s23 =	simm.s32 $0x1BFF;
	s22 =	sshll.u32 s6, $0x1;
	s3 =	sadd.s32 s20, s19  }
0x1a: {  	s7 =	simm.s32 $0x0;
	s21 =	sshll.u32 s5, $0x1;
	s5 =	sadd.s32 s22, s3  }
0x1b: {  	[timem:s7], [sflag:s23] =	dma.local [hbm:s5], s21  }
0x1c: {  	_ =	swait.ge [sflag:s23], s21  }
0x1d: {  	s4 =	ssub.s32 $0x0, s21;
	[sflag:s23] =	ssyncset.done $0x0  }
0x1e: {  	[sflag:s23] =	ssyncadd.s32 s4;
	_ =	sdelay $0x1  }
0x1f: {  	s24 =	simm.s32 $0x1B8B  }
0x20: {  	_ =	swait.ge [sflag:s24], $0x1  }
0x21: {  	[sflag:s24] =	ssyncset.done $0x0  }
0x22: {  	s26 =	simm.s32 $0x1B8E;
	s25 =	sld [smem:$0x3FFE];
	[sflag:s24] =	ssyncadd.s32 $0xFFFFFFFF  }
0x23: {  	s27 =	simm.s32 $execute0_lowered;
	[smem:$0x3FD2] =	sst s26  }
0x24: {  	s5 =	sshll.u32 s27, $0x1;
	_ =	strace $0x80000049;
	[dreg:$0x1] =	wrdreg $0xFFFFFFFF  }
0x25: {  	s28 =	simm.s32 $_size_execute0_lowered;
	s3 =	sadd.s32 s3, s5;
	[dreg:$0x0] =	wrdreg $0x0  }
0x26: {  	s5 =	sshll.u32 s28, $0x1;
	[dreg:$0x2] =	wrdreg s3  }
0x27: {  	[dreg:$0x3] =	wrdreg s5  }
0x28: {  	[dreg:$0x4] =	wrdreg $0xC0  }
0x29: {  	_ =	task [dreg:s7], $0x5FFFF  }
0x2a: {  	[dreg:$0x1] =	wrdreg $0xFFFFFFFF  }
0x2b: {  	[dreg:$0x0] =	wrdreg $0x60  }
0x2c: {  	[dreg:$0x2] =	wrdreg s25  }
0x2d: {  	[dreg:$0x3] =	wrdreg s17  }
0x2e: {  	[dreg:$0x4] =	wrdreg $0x9  }
0x2f: {  	_ =	task.clear_ibuf [dreg:s7], $0x5FFFF;
	_ =	strace $0x90000049  }
0x30: {  	s29 =	simm.s32 $0x9;
	_ =	strace $0x8000004B  }
0x31: {  	_ =	swait.ge [sflag:s29], $0x1  }
0x32: {  	[sflag:s29] =	ssyncadd.s32 $0xFFFFFFFF  }
0x33: {  	_ =	strace $0x9000004B  }
0x34: {  	_ =	sfence  }
0x35: {  	s30 =	sld [smem:$0x0];
	_ =	sdelay $0x2  }
0x36: {  	s31 =	sshll.u32 s1, $0xD;
	s1 =	sshrl.u32 s1, $0x2  }
0x37: {  	s3 =	sand.u32 $0x4000, s31;
	s1 =	sadd.s32 s1, s30  }
0x38: {  	s0 =	sor.u32 s3, s0;
	s1 =	sshll.u32 s1, $0x11  }
0x39: {  	s0 =	sor.u32 s1, s0  }
0x3a: {  	s0 =	sadd.s32 $0x8F2B, s0  }
0x3b: {  	[sflag:s0] =	ssyncadd.remote.s32 $0x1  }
0x3c: {  	_ =	sfence.sel $0xFFFF  }
0x3d: {  	[dreg:$0x0] =	wrdreg $0xFFFFFFFF;
	(pc) =	sbr.abs _section_cstart, $3  }
0x3e: {  	[dreg:$0x1] =	wrdreg $0xFFFFFFFF  }
0x3f: {  	_ =	task.clear_ibuf [dreg:s7], $0x2FFFF;
	_ =	strace $0x9FFFFFFF  }
0x40: {  	(tm) =	ssettm $0x7FFFFFFF  }
0x41: {  	_ =	shalt  }
tec
execute0_lowered:
.L_overlay_start_1:
0x0: {  	(tag) =	ssettag $0x1  }
0x1: {  	s0 =	srdreg.scid;
	s6 =	rddreg [dreg:$0x0]  }
0x2: {  	s3 =	rddreg [dreg:$0x1];
	s1 =	sshll.u32 s0, $0x4  }
0x3: {  	s5 =	simm.s32 $0x1;
	s0 =	stileid.u32;
	s1 =	sand.u32 $0x10, s1  }
0x4: {  	s31 =	simm.s32 $0x2;
	s16 =	simm.s32 $0x0;
	s1 =	sor.u32 s0, s1  }
0x5: {  	s8 =	simm.s32 $0x8000;
	s18 =	simm.s32 $0x0;
	s2 =	sshll.u32 s1, $0x7  }
0x6: {  	s17 =	simm.s32 $0x0;
	s9 =	simm.s32 $0x0;
	s4 =	ssub.s32 $0x1000, s2  }
0x7: {  	s10 =	simm.s32 $0x0;
	s11 =	simm.s32 $0x0;
	s30 =	sand.u32 $0xF80, s4  }
0x8: {  	s12 =	simm.s32 $0x0;
	s13 =	simm.s32 $0x0;
	p0 =	sne.s32 s30, $0x0  }
.Ltmp0:
0x9: {  	s7 =	sshrl.u32 s4, $0xC;
	s5 =	simm.s32 @!p0 $0x0;
	(pc) =	sbr.rel .LBB1_1-.Ltmp0, $4  }
0xa: {  	s15 =	simm.s32 $0x0;
	s1 =	rddreg [dreg:$0x2];
	s5 =	sadd.s32 s5, s7  }
0xb: {  	_ =	strace $0x8000004A;
	s4 =	simm.s32 $0x1;
	s5 =	smul.u32 $0x190, s5  }
0xc: {  	s6 =	sadd.s32 $0x4C000, s6;
	s14 =	smov.u32 s2;
	[sflag:s4] =	ssyncpa.u1 $0x0  }
0xd: {  	[sflag:s31] =	ssyncpa.u1 $0x0;
	p0 =	por $0x0, $0x0;
	s7 =	sor.u32 $0x1, s5  }
.LBB1_4:
0xe: {  	s23 =	sshra.s32 s23, $0x2;
	s30 =	sshll.u32 s9, $0xC  }
0xf: {  	p1 =	sgt.s32 s10, $0xC7;
	s24 =	smov.u32 s10;
	s25 =	sshra.s32 s10, $0x1F  }
0x10: {  	s26 =	sshll.u32 s11, $0x3;
	s28 =	smov.u32 s11;
	s29 =	sshra.s32 s11, $0x1F  }
0x11: {  	s22 =	sadd.s32 s23, s22;
	s24 =	simm.s32 @!p1 $0xC7;
	s25 =	sand.u32 s25, s10  }
0x12: {  	s23 =	sand.u32 $0xFFFF8000, s30;
	s27 =	sand.u32 $0xFFFFFC00, s26;
	p1 =	sgt.s32 s9, $0x20  }
0x13: {  	s31 =	sand.u32 s29, s11;
	s29 =	sshll.u32 s9, $0x7;
	s30 =	sshra.s32 s9, $0x1F  }
0x14: {  	[tilespmem:s21+$0x2040 ss:$0x81] =	vst.msk $0xffff, v4;
	s24 =	ssub.s32 s24, s25;
	s23 =	sadd.s32 s27, s23;
	s27 =	smov.u32 s9  }
0x15: {  	[tilespmem:s21+$0x2850 ss:$0x81] =	vst.msk $0xffff, v3;
	s29 =	sand.u32 $0x380, s29;
	s25 =	sadd.s32 $0xFFFFFF39, s24;
	s27 =	simm.s32 @!p1 $0x20  }
0x16: {  	v5 =	vld [tilespmem:s20+$0xFFFFFFD0];
	[tilespmem:s21+$0x3060 ss:$0x81] =	vst.msk $0xffff, v2;
	p1 =	sgt.s32 s11, $0xF80;
	s23 =	sshrl.u32 s23, $0xC;
	s24 =	ssub.s32 $0xC8, s24  }
0x17: {  	v58 =	vld [tilespmem:s20+$0xFFFFFFE0];
	[tilespmem:s21+$0x0 ss:$0x81] =	vst.msk $0xffff, v1;
	s28 =	simm.s32 @!p1 $0xF80;
	p1 =	sgt.s32 s25, $0x0;
	s21 =	smulhi.u32 $0x199999A, s23  }
0x18: {  	v59 =	vld [tilespmem:s20+$0xFFFFFFF0];
	s25 =	ssub.s32 s28, s31;
	s28 =	sand.u32 s30, s9;
	s24 =	simm.s32 @p1 $0x0  }
0x19: {  	v60 =	vld [tilespmem:s20+$0x0];
	s27 =	ssub.s32 s27, s28;
	s31 =	sadd.s32 $0xFFFFF080, s25;
	s25 =	ssub.s32 $0x1000, s25  }
0x1a: {  	v61 =	vld [tilespmem:s20+$0x10];
	[tilespmem:s22+$0x3870 ss:$0x81] =	vst.msk $0xffff, v0;
	s21 =	smul.u32 $0xA0, s21;
	s28 =	sand.u32 $0x7, s11;
	p1 =	sgt.s32 s31, $0x7F  }
0x1b: {  	v62 =	vld [tilespmem:s20+$0x20];
	[tilespmem:s22+$0x810 ss:$0x81] =	vst.msk $0xffff, v5;
	s30 =	sadd.s32 $0xFFFFFFE0, s27;
	s31 =	sand.u32 $0x78, s11;
	s25 =	simm.s32 @p1 $0x0  }
0x1c: {  	v63 =	vld [tilespmem:s20+$0xFFFFFFC0];
	[tilespmem:s22+$0x1020 ss:$0x81] =	vst.msk $0xffff, v58;
	p1 =	sgt.s32 s30, $0x7F;
	s30 =	sand.u32 $0xC00, s26;
	s24 =	smul.u32 s25, s24  }
0x1d: {  	[tilespmem:s22+$0x1830 ss:$0x81] =	vst.msk $0xffff, v59;
	s26 =	ssub.s32 $0xA0, s27;
	s20 =	sor.u32 s31, s30;
	s31 =	smul.u32 $0x14000, s10  }
0x1e: {  	[tilespmem:s22+$0x2040 ss:$0x81] =	vst.msk $0xffff, v60;
	s21 =	ssub.s32 s23, s21;
	s26 =	simm.s32 @p1 $0x0;
	s20 =	sor.u32 s29, s20  }
0x1f: {  	[tilespmem:s22+$0x2850 ss:$0x81] =	vst.msk $0xffff, v61;
	s26 =	smul.u32 s26, s24;
	s20 =	sshrl.u32 s20, $0x3;
	s27 =	sadd.s32 s3, s31  }
0x20: {  	[tilespmem:s22+$0x3060 ss:$0x81] =	vst.msk $0xffff, v62;
	s21 =	sshll.u32 s21, $0x9;
	s29 =	sshll.u32 s28, $0x12;
	s20 =	sadd.s32 s20, s27  }
0x21: {  	[tilespmem:s22+$0x0 ss:$0x81] =	vst.msk $0xffff, v63;
	s31 =	sor.u32 $0x400, s29;
	s30 =	sand.u32 $0x3FFFFFFF, s26;
	s20 =	sadd.s32 s21, s20  }
0x22: {  	[hbm4b:s20+s31] =	stream.strided.scatter [tilespmem:s19], [sflag:$0x2], s30, s8, s31, $0x20;
	[tilespmem:$0x10100] =	vst v63  }
.LBB1_5:
0x23: {  	p1 =	slt.u32 s15, $0x2  }
0x24: {  	p2 =	sgt.s32 @!p1 s18, $0xC7  }
0x25: {  	s19 =	smov.u32 s18;
	s20 =	sshra.s32 @!p1 s18, $0x1F;
	p2 =	por !p2, p1  }
0x26: {  	s18 =	sand.u32 @!p1 s20, s18;
	s19 =	simm.s32 @p2 $0xC7  }
0x27: {  	p3 =	sgt.s32 @!p1 s16, $0x20;
	s18 =	ssub.s32 @!p1 s19, s18  }
0x28: {  	p4 =	sgt.s32 @!p1 s17, $0xF80;
	s21 =	sshra.s32 @!p1 s17, $0x1F;
	s19 =	sadd.s32 @!p1 $0xFFFFFF39, s18  }
0x29: {  	s20 =	smov.u32 s16;
	p2 =	sgt.s32 @!p1 s19, $0x0;
	s19 =	sshra.s32 @!p1 s16, $0x1F  }
0x2a: {  	p4 =	por !p4, p1;
	s16 =	sand.u32 @!p1 s19, s16;
	s19 =	smov.u32 s17  }
0x2b: {  	p3 =	por !p3, p1;
	s17 =	sand.u32 @!p1 s21, s17;
	s19 =	simm.s32 @p4 $0xF80  }
0x2c: {  	s20 =	simm.s32 @p3 $0x20;
	s18 =	ssub.s32 @!p1 $0xC8, s18;
	s17 =	ssub.s32 @!p1 s19, s17  }
0x2d: {  	p2 =	por !p2, p1;
	s16 =	ssub.s32 @!p1 s20, s16;
	s20 =	sadd.s32 @!p1 $0xFFFFF080, s17  }
0x2e: {  	s18 =	simm.s32 @!p2 $0x0;
	p3 =	sgt.s32 @!p1 s20, $0x7F  }
0x2f: {  	s19 =	sadd.s32 @!p1 $0xFFFFFFE0, s16;
	s17 =	ssub.s32 @!p1 $0x1000, s17;
	p3 =	por !p3, p1  }
0x30: {  	p2 =	sgt.s32 @!p1 s19, $0x7F;
	s19 =	sadd.s32 $0x80, s12;
	s17 =	simm.s32 @!p3 $0x0  }
0x31: {  	p3 =	sgt.s32 s19, $0x9F;
	s17 =	smul.u32 @!p1 s17, s18;
	s18 =	simm.s32 $0x1  }
0x32: {  	s16 =	ssub.s32 @!p1 $0xA0, s16;
	p2 =	por !p2, p1;
	s18 =	simm.s32 @!p3 $0x0  }
0x33: {  	s21 =	smov.u32 s14;
	s16 =	simm.s32 @!p2 $0x0;
	s20 =	sadd.s32 s18, s13  }
0x34: {  	s16 =	smul.u32 @!p1 s16, s17;
	s17 =	sadd.s32 $0x1000, s14;
	p2 =	sgt.s32 s20, $0xC7  }
0x35: {  	p0 =	por !p0, !p0;
	s22 =	simm.s32 @!p1 $0x2;
	s21 =	smov.u32 @p2 s17  }
0x36: {  	s19 =	simm.s32 @p3 $0x0;
	s20 =	simm.s32 @p2 $0x0;
	p2 =	sgt.s32 s21, $0xFFF  }
0x37: {  	s18 =	smov.u32 s10;
	s21 =	smov.u32 @p2 s2;
	p2 =	sne.s32 s15, s7  }
.Ltmp1:
0x38: {  	s10 =	smov.u32 s13;
	s16 =	sand.u32 @!p1 $0x3FFFFFFF, s16;
	(pc) =	sbr.rel @!p2 .LBB1_6-.Ltmp1, $4  }
0x39: {  	s17 =	smov.u32 s11;
	s11 =	smov.u32 s14;
	_ =	swait.ge @!p1 [sflag:s22], s16  }
0x3a: {  	s23 =	ssub.s32 @!p1 $0x0, s16;
	s16 =	smov.u32 s9;
	s9 =	smov.u32 s12  }
0x3b: {  	s12 =	smov.u32 s19;
	s13 =	smov.u32 s20;
	[sflag:s22] =	ssyncset.done @!p1 $0x0  }
0x3c: {  	s15 =	sadd.s32 $0x1, s15;
	[sflag:s22] =	ssyncadd.s32 @!p1 s23;
	s14 =	smov.u32 s21  }
.LBB1_1:
0x3d: {  	p1 =	sge.u32 s15, s5  }
0x3e: {  	s19 =	sshll.u32 @!p1 s13, $0x8;
	s20 =	sshll.u32 @!p1 s12, $0x3  }
0x3f: {  	s21 =	sshll.u32 @!p1 s13, $0x7;
	s19 =	sand.u32 @!p1 $0xFFFFF800, s19;
	s20 =	sand.u32 @!p1 $0xFFFFFC00, s20  }
0x40: {  	s19 =	sadd.s32 @!p1 s19, s20;
	s20 =	sand.u32 @!p1 $0x300, s21  }
0x41: {  	s19 =	sor.u32 @!p1 s20, s19  }
0x42: {  	s19 =	sshrl.u32 @!p1 s19, $0x8  }
0x43: {  	s31 =	sadd.s32 $0xFFFFFFFF, s15;
	s20 =	smulhi.u32 @!p1 $0x147AE15, s19  }
0x44: {  	s22 =	sxor.u32 @!p1 $0xFFFFFFFF, s15;
	s23 =	sand.u32 @!p1 $0x78, s12;
	s24 =	smul.u32 @!p1 $0x1900, s14  }
0x45: {  	s22 =	sshll.u32 @!p1 s22, $0xE;
	s21 =	sand.u32 @!p1 $0x80, s21;
	s20 =	smul.u32 @!p1 $0xC8, s20  }
0x46: {  	s22 =	sand.u32 @!p1 $0x4000, s22;
	s21 =	sor.u32 @!p1 s23, s21;
	s23 =	sand.u32 @!p1 $0x7, s12  }
0x47: {  	s19 =	ssub.s32 @!p1 s19, s20;
	s20 =	sshrl.u32 @!p1 s21, $0x3;
	s21 =	sadd.s32 @!p1 s6, s24  }
0x48: {  	s19 =	sshll.u32 @!p1 s19, $0x5;
	s20 =	sadd.s32 @!p1 s20, s21;
	s21 =	sshll.u32 @!p1 s23, $0x12  }
0x49: {  	s19 =	sadd.s32 @!p1 s19, s20;
	s20 =	sor.u32 @!p1 $0x80, s21;
	s21 =	simm.s32 @!p1 $0xC800  }
0x4a: {  	[tilespmem:s22], [sflag:$0x1] =	stream.strided.gather @!p1 [hbm4b:s19+s20], $0x4000, s21, s20, $0x38;
	[tilespmem:$0x10100] =	vst v63  }
0x4b: {  	p1 =	sge.u32 s31, s5  }
.Ltmp2:
0x4c: {  	_ = 	snop;
	(pc) =	sbr.rel @p1 .LBB1_5-.Ltmp2, $1  }
0x4d: {  	_ =	sdelay $0x3  }
0x4e: {  	s19 =	simm.s32 $0x1  }
0x4f: {  	_ =	swait.ge [sflag:s4], $0x4000;
	s19 =	simm.s32 @!p0 $0x0  }
0x50: {  	[sflag:s4] =	ssyncset.done $0x0;
	s20 =	sshll.u32 s19, $0xE  }
0x51: {  	[sflag:s4] =	ssyncadd.s32 $0xFFFFC000;
	s20 =	sor.u32 $0x40, s20  }
0x52: {  	s19 =	smul.u32 $0x10200, s19;
	v0 =	vld [tilespmem:s20+$0x30]  }
0x53: {  	v1 =	vld [tilespmem:s20+$0xFFFFFFD0]  }
0x54: {  	s19 =	sshrl.u32 s19, $0x2;
	v5 =	vld [tilespmem:s20+$0xFFFFFFE0]  }
0x55: {  	v6 =	vld [tilespmem:s20+$0xFFFFFFF0];
	s22 =	sor.u32 $0x8000, s19  }
0x56: {  	s31 =	sand.u32 $0x1, s15;
	v4 =	vld [tilespmem:s20+$0x0];
	s21 =	sadd.s32 $0x0, s22  }
0x57: {  	v3 =	vld [tilespmem:s20+$0x10];
	s19 =	smul.u32 $0x10200, s31;
	[tilespmem:s21+$0x3870 ss:$0x81] =	vst.msk $0xffff, v0  }
0x58: {  	v2 =	vld [tilespmem:s20+$0x20];
	[tilespmem:s21+$0x810 ss:$0x81] =	vst.msk $0xffff, v1  }
0x59: {  	s19 =	sshrl.u32 s19, $0x2;
	v1 =	vld [tilespmem:s20+$0xFFFFFFC0];
	[tilespmem:s21+$0x1020 ss:$0x81] =	vst.msk $0xffff, v5;
	s20 =	sadd.s32 $0x80, s20  }
0x5a: {  	s23 =	simm.s32 $0x4;
	s24 =	simm.s32 $0x8;
	s19 =	sor.u32 $0x8000, s19;
	[tilespmem:s21+$0x1830 ss:$0x81] =	vst.msk $0xffff, v6;
	v0 =	vld [tilespmem:s20+$0x30]  }
.LBB1_3:
0x5b: {  	p1 =	sne.s32 s24, $0x1FC;
	v5 =	vld [tilespmem:s20+$0xFFFFFFD0];
	[tilespmem:s21+$0x2040 ss:$0x81] =	vst.msk $0xffff, v4  }
0x5c: {  	v6 =	vld [tilespmem:s20+$0xFFFFFFE0];
	[tilespmem:s21+$0x2850 ss:$0x81] =	vst.msk $0xffff, v3  }
0x5d: {  	s25 =	sshra.s32 s23, $0x2;
	s23 =	smov.u32 s24;
	v7 =	vld [tilespmem:s20+$0xFFFFFFF0];
	[tilespmem:s21+$0x3060 ss:$0x81] =	vst.msk $0xffff, v2  }
.Ltmp3:
0x5e: {  	v4 =	vld [tilespmem:s20+$0x0];
	[tilespmem:s21+$0x0 ss:$0x81] =	vst.msk $0xffff, v1;
	s21 =	sadd.s32 s25, s22;
	(pc) =	sbr.rel @p1 .LBB1_3-.Ltmp3, $4  }
0x5f: {  	v3 =	vld [tilespmem:s20+$0x10];
	[tilespmem:s21+$0x3870 ss:$0x81] =	vst.msk $0xffff, v0  }
0x60: {  	[tilespmem:s21+$0x810 ss:$0x81] =	vst.msk $0xffff, v5;
	v2 =	vld [tilespmem:s20+$0x20]  }
0x61: {  	v1 =	vld [tilespmem:s20+$0xFFFFFFC0];
	[tilespmem:s21+$0x1020 ss:$0x81] =	vst.msk $0xffff, v6;
	s20 =	sadd.s32 $0x80, s20  }
0x62: {  	s24 =	sadd.s32 $0x4, s24;
	v0 =	vld [tilespmem:s20+$0x30];
	[tilespmem:s21+$0x1830 ss:$0x81] =	vst.msk $0xffff, v7  }
.Ltmp4:
0x63: {  	_ = 	snop;
	(pc) =	sbr.rel .LBB1_4-.Ltmp4, $1  }
0x64: {  	_ =	sdelay $0x3  }
.LBB1_6:
0x65: {  	_ =	sfence.sel $0x180000  }
0x66: {  	s2 =	simm.s32 $0x1;
	[bflag:$0x0] =	sbarrier.arrive $0xFFFF  }
0x67: {  	s31 =	simm.s32 $0x2;
	[sflag:s2] =	ssyncpa.u1 $0x1  }
0x68: {  	[sflag:s31] =	ssyncpa.u1 $0x1  }
0x69: {  	p0 =	sne.s32 s0, $0x0;
	_ =	strace $0x9000004A  }
0x6a: {  	s0 =	sadd.s32 @!p0 $0x100000, s1;
	[bflag:$0x2] =	sbarrier.arrive $0xFFFF  }
0x6b: {  	[sflag:s0] =	ssyncadd.tile.s32 @!p0 $0x1;
	_ =	shalt  }
.Lfunc_end1:
_tile_overlayer_lowered:
.L_overlay_start_2:
0x6c: {  	(tag) =	ssettag $0x2  }
0x6d: {  	s0 =	rddreg [dreg:$0x0];
	s2 =	stileid.u32  }
0x6e: {  	s1 =	rddreg [dreg:$0x1];
	p0 =	sne.s32 s2, $0x0  }
0x6f: {  	s3 =	rddreg [dreg:$0x2];
	[bflag:$0x3] =	sbarrier.arrive $0xFFFF;
	s2 =	simm.s32 @!p0 $0x1C01  }
0x70: {  	[timem:s3], [sflag:s2] =	dma.local @!p0 [hbm:s0], s1  }
0x71: {  	s0 =	simm.s32 @!p0 $0x1  }
0x72: {  	_ =	swait.ge @!p0 [sflag:s0], s1  }
0x73: {  	s1 =	ssub.s32 @!p0 $0x0, s1;
	[sflag:s0] =	ssyncset.done @!p0 $0x0  }
0x74: {  	[sflag:s0] =	ssyncadd.s32 @!p0 s1  }
0x75: {  	[bflag:$0x3] =	sbarrier.arrive $0xFFFF  }
0x76: {  	_ =	shalt  }

</sc_bundles>
